<compile_context>
chip_gen: v7x
topology: tpu7x:2x2x1
jax: 0.10.2.dev20260603
libtpu: 0.0.44.dev20260713+nightly
codegen_flags: <defaults>
</compile_context>

<pallas_src>
import functools

import jax
import jax.numpy as jnp
from jax import lax
from jax.experimental import pallas as pl
from jax.experimental.pallas import tpu as pltpu
from jax.experimental.pallas import tpu_sc as plsc

NC, NS = 2, 16
NW = NC * NS
CH = 80


def _sc_mesh():
    return plsc.VectorSubcoreMesh(
        core_axis_name="c", subcore_axis_name="s",
        num_cores=NC, num_subcores=NS)



def _emb_gather(embed, ids):
    n, = ids.shape
    d = embed.shape[1]
    chunks = n // CH
    iters = (chunks + NW - 1) // NW

    @functools.partial(
        pl.kernel,
        out_type=jax.ShapeDtypeStruct((n, d), jnp.float32),
        mesh=_sc_mesh(),
        scratch_types=[
            pltpu.VMEM((CH,), jnp.int32),
            pltpu.VMEM((CH, d), jnp.float32),
            pltpu.SemaphoreType.DMA,
        ],
    )
    def k(emb_hbm, ids_hbm, out_hbm, idx_v, rows_v, sem):
        wid = lax.axis_index("s") * NC + lax.axis_index("c")

        def body(j, carry):
            c = wid + j * NW

            @pl.when(c < chunks)
            def _():
                base = c * CH
                pltpu.sync_copy(ids_hbm.at[pl.ds(base, CH)], idx_v)
                pltpu.async_copy(emb_hbm.at[idx_v], rows_v, sem).wait()
                pltpu.sync_copy(rows_v, out_hbm.at[pl.ds(base, CH)])

            return carry

        lax.fori_loop(0, iters, body, 0)

    return k(embed, ids)



def _edge_pass(h, msg, src, dst, zeros):
    n, d = h.shape
    e = src.shape[0]
    epw = e // NW
    ce = 64
    chunks = epw // ce
    tail = epw - chunks * ce
    assert tail % 8 == 0 and chunks % 2 == 0
    r_full = ((n + NS - 1) // NS + 7) // 8 * 8
    r_last = n - (NS - 1) * r_full
    assert 0 < r_last <= r_full

    @functools.partial(
        pl.kernel,
        out_type=jax.ShapeDtypeStruct((NC * n, d), jnp.float32),
        mesh=_sc_mesh(),
        scratch_types=[
            pltpu.VMEM((epw,), jnp.int32),
            pltpu.VMEM((ce,), jnp.int32),
            pltpu.VMEM((ce,), jnp.int32),
            pltpu.VMEM((ce, d), jnp.float32),
            pltpu.VMEM((ce, d), jnp.float32),
            pltpu.VMEM((ce, d), jnp.float32),
            pltpu.VMEM((ce, d), jnp.float32),
            pltpu.VMEM((tail,), jnp.int32),
            pltpu.VMEM((tail, d), jnp.float32),
            pltpu.VMEM((tail, d), jnp.float32),
            pltpu.VMEM_SHARED((n, d), jnp.float32),
            pltpu.SemaphoreType.DMA,
            pltpu.SemaphoreType.DMA,
        ],
    )
    def k(h_hbm, msg_hbm, src_hbm, dst_hbm, zero_hbm, out_hbm,
          sidx, didx0, didx1, gb0, gb1, mb0, mb1, dtl, gtl, mtl,
          agg, sem0, sem1):
        cid = lax.axis_index("c")
        sid = lax.axis_index("s")
        wid = sid * NC + cid
        base = wid * epw
        @pl.when(sid < NS - 1)
        def _():
            pltpu.sync_copy(zero_hbm, agg.at[pl.ds(sid * r_full, r_full)])

        @pl.when(sid == NS - 1)
        def _():
            pltpu.sync_copy(zero_hbm.at[pl.ds(0, r_last)],
                            agg.at[pl.ds(sid * r_full, r_last)])

        pltpu.sync_copy(src_hbm.at[pl.ds(base, epw)], sidx)
        plsc.subcore_barrier()

        def issue(c, nrows, db, gb, mb, sem):
            eb = base + c * ce
            pltpu.async_copy(dst_hbm.at[pl.ds(eb, nrows)], db, sem)
            pltpu.async_copy(h_hbm.at[sidx.at[pl.ds(c * ce, nrows)]], gb, sem)
            pltpu.async_copy(msg_hbm.at[pl.ds(eb, nrows)], mb, sem)

        def drain(c, nrows, db, gb, mb, sem):
            eb = base + c * ce
            pltpu.make_async_copy(dst_hbm.at[pl.ds(eb, nrows)], db, sem).wait()
            pltpu.make_async_copy(
                h_hbm.at[sidx.at[pl.ds(c * ce, nrows)]], gb, sem).wait()
            pltpu.make_async_copy(msg_hbm.at[pl.ds(eb, nrows)], mb, sem).wait()

        def scat(db, gb, mb, nrows):
            def add_row(r, carry):
                for cc in range(d // 16):
                    sl = pl.ds(cc * 16, 16)
                    plsc.addupdate(mb.at[r, sl], gb[r, sl])
                return carry

            lax.fori_loop(0, nrows, add_row, 0)
            pltpu.sync_copy(mb, agg.at[db], add=True)

        issue(0, ce, didx0, gb0, mb0, sem0)
        issue(1, ce, didx1, gb1, mb1, sem1)

        def body(kk, carry):
            c0 = kk * 2
            drain(c0, ce, didx0, gb0, mb0, sem0)
            scat(didx0, gb0, mb0, ce)

            @pl.when(c0 + 2 < chunks)
            def _():
                issue(c0 + 2, ce, didx0, gb0, mb0, sem0)

            drain(c0 + 1, ce, didx1, gb1, mb1, sem1)
            scat(didx1, gb1, mb1, ce)

            @pl.when(c0 + 3 < chunks)
            def _():
                issue(c0 + 3, ce, didx1, gb1, mb1, sem1)

            return carry

        lax.fori_loop(0, chunks // 2, body, 0)
        if tail:
            issue(chunks, tail, dtl, gtl, mtl, sem0)
            drain(chunks, tail, dtl, gtl, mtl, sem0)
            scat(dtl, gtl, mtl, tail)
        plsc.subcore_barrier()

        @pl.when(sid < NS - 1)
        def _():
            pltpu.sync_copy(agg.at[pl.ds(sid * r_full, r_full)],
                            out_hbm.at[pl.ds(cid * n + sid * r_full, r_full)])

        @pl.when(sid == NS - 1)
        def _():
            pltpu.sync_copy(agg.at[pl.ds(sid * r_full, r_last)],
                            out_hbm.at[pl.ds(cid * n + sid * r_full, r_last)])

    return k(h, msg, src, dst, zeros)



def _tc_split_edges(ei):
    e = ei.shape[1]

    def body(ei_ref, s_ref, d_ref):
        s_ref[...] = ei_ref[0, :]
        d_ref[...] = ei_ref[1, :]

    return pl.pallas_call(
        body,
        out_shape=[jax.ShapeDtypeStruct((e,), jnp.int32),
                   jax.ShapeDtypeStruct((e,), jnp.int32)],
    )(ei)


def _tc_init(x, W, b, emb):
    n, d = x.shape
    br = 400

    def body(x_ref, w_ref, b_ref, e_ref, o_ref):
        o_ref[...] = (jnp.dot(x_ref[...], w_ref[...],
                              preferred_element_type=jnp.float32)
                      + b_ref[...] + e_ref[...])

    return pl.pallas_call(
        body,
        grid=(n // br,),
        in_specs=[pl.BlockSpec((br, d), lambda i: (i, 0)),
                  pl.BlockSpec((d, d), lambda i: (0, 0)),
                  pl.BlockSpec((1, d), lambda i: (0, 0)),
                  pl.BlockSpec((br, d), lambda i: (i, 0))],
        out_specs=pl.BlockSpec((br, d), lambda i: (i, 0)),
        out_shape=jax.ShapeDtypeStruct((n, d), jnp.float32),
    )(x, W, b.reshape(1, d), emb)


def _tc_msgs(ea, W0):
    e, de = ea.shape
    d = W0.shape[1]
    be = 8000

    def body(a_ref, w0_ref, o0_ref):
        o0_ref[...] = jnp.maximum(
            jnp.dot(a_ref[...], w0_ref[...],
                    preferred_element_type=jnp.float32), 0.0)

    return pl.pallas_call(
        body,
        grid=(e // be,),
        in_specs=[pl.BlockSpec((be, de), lambda i: (i, 0)),
                  pl.BlockSpec((de, d), lambda i: (0, 0))],
        out_specs=pl.BlockSpec((be, d), lambda i: (i, 0)),
        out_shape=jax.ShapeDtypeStruct((e, d), jnp.float32),
    )(ea, W0)


def _tc_update(aggp, h, W_n, W_s, g, b):
    n, d = h.shape
    br = 400
    nb = n // br

    def body(a0_ref, a1_ref, h_ref, wn_ref, ws_ref, g_ref, b_ref, o_ref):
        hn = (jnp.dot(a0_ref[...] + a1_ref[...], wn_ref[...],
                      preferred_element_type=jnp.float32)
              + jnp.dot(h_ref[...], ws_ref[...],
                        preferred_element_type=jnp.float32))
        mu = jnp.mean(hn, axis=-1, keepdims=True)
        var = jnp.mean((hn - mu) ** 2, axis=-1, keepdims=True)
        o_ref[...] = ((hn - mu) * lax.rsqrt(var + 1e-5) * g_ref[...]
                      + b_ref[...])

    return pl.pallas_call(
        body,
        grid=(n // br,),
        in_specs=[pl.BlockSpec((br, d), lambda i: (i, 0)),
                  pl.BlockSpec((br, d), lambda i: (nb + i, 0)),
                  pl.BlockSpec((br, d), lambda i: (i, 0)),
                  pl.BlockSpec((d, d), lambda i: (0, 0)),
                  pl.BlockSpec((d, d), lambda i: (0, 0)),
                  pl.BlockSpec((1, d), lambda i: (0, 0)),
                  pl.BlockSpec((1, d), lambda i: (0, 0))],
        out_specs=pl.BlockSpec((br, d), lambda i: (i, 0)),
        out_shape=jax.ShapeDtypeStruct((n, d), jnp.float32),
    )(aggp, aggp, h, W_n, W_s, g.reshape(1, d), b.reshape(1, d))



def kernel(x, path_attr, node_attr, edge_attr, edge_index, ids,
           W_init, b_init, embed,
           W_self0, W_nbr0, W_edge0, gamma0, beta0,
           W_self1, W_nbr1, W_edge1, gamma1, beta1):
    n, d = x.shape
    ei = edge_index.astype(jnp.int32)
    src, dst = _tc_split_edges(ei)
    r_full = ((n + NS - 1) // NS + 7) // 8 * 8
    zeros = jnp.zeros((r_full, d), jnp.float32)

    emb = _emb_gather(embed, ids.astype(jnp.int32))
    h = _tc_init(x, W_init, b_init, emb)
    m0 = _tc_msgs(edge_attr, W_edge0)
    m1 = _tc_msgs(edge_attr, W_edge1)

    for (msg, W_s, W_n, g, b) in ((m0, W_self0, W_nbr0, gamma0, beta0),
                                  (m1, W_self1, W_nbr1, gamma1, beta1)):
        aggp = _edge_pass(h, msg, src, dst, zeros)
        h = _tc_update(aggp, h, W_n, W_s, g, b)
    return h

# --- scband reference (transcript-rebuilt; emitter-appended) ---
"""Pipeline reference for scband-gnn-59717225283734 (READ-ONLY COPY).

The authoritative reference and input builder live on the scoring server;
editing this copy changes nothing except your own understanding.
"""

import jax, jax.numpy as jnp
import numpy as np

N = 10000
E = 320000
D = 128
DE = 16
K_EMB = 5000


def _layer_norm(h, gamma, beta, eps=1e-5):
    mu = jnp.mean(h, axis=-1, keepdims=True)
    var = jnp.mean((h - mu) ** 2, axis=-1, keepdims=True)
    return (h - mu) / jnp.sqrt(var + eps) * gamma + beta


def setup_inputs(seed: int = 0) -> dict:
    key = jax.random.key(seed)
    ks = jax.random.split(key, 24)
    s = 1.0 / np.sqrt(D)
    se = 1.0 / np.sqrt(DE)
    inp = {
        "x": jax.random.normal(ks[0], (N, D), dtype=jnp.float32),
        "path_attr": jax.random.normal(ks[1], (E, DE), dtype=jnp.float32),
        "node_attr": jax.random.normal(ks[2], (N, DE), dtype=jnp.float32),
        "edge_attr": jax.random.normal(ks[3], (E, DE), dtype=jnp.float32),
        "edge_index": jax.random.randint(ks[4], (2, E), 0, N),
        "ids": jax.random.randint(ks[5], (N,), 0, K_EMB),
        "W_init": jax.random.normal(ks[6], (D, D), dtype=jnp.float32) * s,
        "b_init": jnp.zeros((D,), dtype=jnp.float32),
        "embed": jax.random.normal(ks[7], (K_EMB, D), dtype=jnp.float32) * s,
        "W_self0": jax.random.normal(ks[8], (D, D), dtype=jnp.float32) * s,
        "W_nbr0": jax.random.normal(ks[9], (D, D), dtype=jnp.float32) * s,
        "W_edge0": jax.random.normal(ks[10], (DE, D), dtype=jnp.float32) * se,
        "gamma0": jnp.ones((D,), dtype=jnp.float32),
        "beta0": jnp.zeros((D,), dtype=jnp.float32),
        "W_self1": jax.random.normal(ks[11], (D, D), dtype=jnp.float32) * s,
        "W_nbr1": jax.random.normal(ks[12], (D, D), dtype=jnp.float32) * s,
        "W_edge1": jax.random.normal(ks[13], (DE, D), dtype=jnp.float32) * se,
        "gamma1": jnp.ones((D,), dtype=jnp.float32),
        "beta1": jnp.zeros((D,), dtype=jnp.float32),
    }
    return inp


def reference(x, path_attr, node_attr, edge_attr, edge_index, ids,
              W_init, b_init, embed,
              W_self0, W_nbr0, W_edge0, gamma0, beta0,
              W_self1, W_nbr1, W_edge1, gamma1, beta1):
    # init projection + gene-id embedding lookup (gather)
    h = x @ W_init + b_init + embed[ids]
    src = edge_index[0]
    dst = edge_index[1]
    layers = [
        (W_self0, W_nbr0, W_edge0, gamma0, beta0),
        (W_self1, W_nbr1, W_edge1, gamma1, beta1),
    ]
    for (W_s, W_n, W_e, g, b) in layers:
        # message = gathered source feature + edge-feature transform
        msg = h[src] + jax.nn.relu(edge_attr @ W_e)
        # scatter-add aggregation to destination nodes
        agg = jax.ops.segment_sum(msg, dst, num_segments=N)
        h = agg @ W_n + h @ W_s
        h = _layer_norm(h, g, b)
        # dropout is identity in eval mode
    # JK == 'last'
    return h

if __name__ == "__main__":
    import jax
    _d = setup_inputs()
    print(jax.jit(kernel)(*tuple(_d.values())))

</pallas_src>

<mosaic_0001>
#map = affine_map<(d0, d1) -> (0, 0)>
#map1 = affine_map<(d0, d1) -> (0)>
module attributes {stable_mosaic.version = 14 : i64} {
  func.func @k(%arg0: i32, %arg1: i32, %arg2: memref<10000x128xf32, #tpu.memory_space<hbm>>, %arg3: memref<320000x128xf32, #tpu.memory_space<hbm>>, %arg4: memref<320000xi32, #tpu.memory_space<hbm>>, %arg5: memref<320000xi32, #tpu.memory_space<hbm>>, %arg6: memref<632x128xf32, #tpu.memory_space<hbm>>, %arg7: memref<20000x128xf32, #tpu.memory_space<hbm>>, %arg8: memref<10000xi32, #tpu.memory_space<vmem>>, %arg9: memref<64xi32, #tpu.memory_space<vmem>>, %arg10: memref<64xi32, #tpu.memory_space<vmem>>, %arg11: memref<64x128xf32, #tpu.memory_space<vmem>>, %arg12: memref<64x128xf32, #tpu.memory_space<vmem>>, %arg13: memref<64x128xf32, #tpu.memory_space<vmem>>, %arg14: memref<64x128xf32, #tpu.memory_space<vmem>>, %arg15: memref<16xi32, #tpu.memory_space<vmem>>, %arg16: memref<16x128xf32, #tpu.memory_space<vmem>>, %arg17: memref<16x128xf32, #tpu.memory_space<vmem>>, %arg18: memref<10000x128xf32, #tpu.memory_space<vmem_shared>>, %arg19: memref<!tpu.dma_semaphore, #tpu.memory_space<semaphore_mem>>, %arg20: memref<!tpu.dma_semaphore, #tpu.memory_space<semaphore_mem>>) attributes {dimension_semantics = [#tpu.dimension_semantics<core_parallel>, #tpu.dimension_semantics<subcore_parallel>], iteration_bounds = array<i64: 2, 16>, scalar_prefetch = 0 : i64, scratch_operands = 13 : i64, tpu.core_type = #tpu.core_type<sc_vector_subcore>, window_params = [{transform_indices = #map}, {transform_indices = #map}, {transform_indices = #map1}, {transform_indices = #map1}, {transform_indices = #map}, {transform_indices = #map}]} {
    %mul3A = arith.constant 2 : i32
    %mul3A_0 = arith.muli %arg1, %mul3A : i32
    %add3A = arith.addi %mul3A_0, %arg0 : i32
    %mul3A_1 = arith.constant 10000 : i32
    %mul3A_2 = arith.muli %add3A, %mul3A_1 : i32
    %lt3A = arith.constant 15 : i32
    %lt3A_3 = arith.cmpi slt, %arg1, %lt3A : i32
    %convert_element_type3A = arith.extui %lt3A_3 : i1 to i32
    %cond3A = arith.constant 0 : i32
    %cond3A_4 = arith.cmpi ne, %convert_element_type3A, %cond3A : i32
    scf.if %cond3A_4 {
      %mul3A_81 = arith.constant 632 : i32
      %mul3A_82 = arith.muli %arg1, %mul3A_81 : i32
      "tpu.region"() ({
        %run_scoped3A = tpu.sem_alloc : memref<!tpu.dma_semaphore, #tpu.memory_space<semaphore_mem>>
        %dma_start3A_83 = arith.constant 0 : i32
        %dma_start3A_84 = tpu.memref_slice %arg18[%mul3A_82, %dma_start3A_83] : memref<10000x128xf32, #tpu.memory_space<vmem_shared>> -> memref<632x128xf32, #tpu.memory_space<vmem_shared>>
        tpu.enqueue_dma source(%arg6 : memref<632x128xf32, #tpu.memory_space<hbm>>) target(%dma_start3A_84 : memref<632x128xf32, #tpu.memory_space<vmem_shared>>) target_semaphore(%run_scoped3A : memref<!tpu.dma_semaphore, #tpu.memory_space<semaphore_mem>>)
        %dma_wait3A_85 = arith.constant 0 : i32
        %dma_wait3A_86 = tpu.memref_slice %arg18[%mul3A_82, %dma_wait3A_85] : memref<10000x128xf32, #tpu.memory_space<vmem_shared>> -> memref<632x128xf32, #tpu.memory_space<vmem_shared>>
        tpu.wait_dma2 semaphore(%run_scoped3A : memref<!tpu.dma_semaphore, #tpu.memory_space<semaphore_mem>>) src(%arg6 : memref<632x128xf32, #tpu.memory_space<hbm>>) dst(%dma_wait3A_86 : memref<632x128xf32, #tpu.memory_space<vmem_shared>>)
        tpu.yield
      }) : () -> ()
    } else {
    }
    %eq3A = arith.constant 15 : i32
    %eq3A_5 = arith.cmpi eq, %arg1, %eq3A : i32
    %convert_element_type3A_6 = arith.extui %eq3A_5 : i1 to i32
    %cond3A_7 = arith.constant 0 : i32
    %cond3A_8 = arith.cmpi ne, %convert_element_type3A_6, %cond3A_7 : i32
    scf.if %cond3A_8 {
      %mul3A_81 = arith.constant 632 : i32
      %mul3A_82 = arith.muli %arg1, %mul3A_81 : i32
      "tpu.region"() ({
        %run_scoped3A = tpu.sem_alloc : memref<!tpu.dma_semaphore, #tpu.memory_space<semaphore_mem>>
        %dma_start3A_83 = arith.constant 0 : i32
        %dma_start3A_84 = tpu.memref_slice %arg18[%mul3A_82, %dma_start3A_83] : memref<10000x128xf32, #tpu.memory_space<vmem_shared>> -> memref<520x128xf32, #tpu.memory_space<vmem_shared>>
        %dma_start3A_85 = arith.constant 0 : i32
        %dma_start3A_86 = arith.constant 0 : i32
        %dma_start3A_87 = tpu.memref_slice %arg6[%dma_start3A_85, %dma_start3A_86] : memref<632x128xf32, #tpu.memory_space<hbm>> -> memref<520x128xf32, #tpu.memory_space<hbm>>
        tpu.enqueue_dma source(%dma_start3A_87 : memref<520x128xf32, #tpu.memory_space<hbm>>) target(%dma_start3A_84 : memref<520x128xf32, #tpu.memory_space<vmem_shared>>) target_semaphore(%run_scoped3A : memref<!tpu.dma_semaphore, #tpu.memory_space<semaphore_mem>>)
        %dma_wait3A_88 = arith.constant 0 : i32
        %dma_wait3A_89 = tpu.memref_slice %arg18[%mul3A_82, %dma_wait3A_88] : memref<10000x128xf32, #tpu.memory_space<vmem_shared>> -> memref<520x128xf32, #tpu.memory_space<vmem_shared>>
        %dma_wait3A_90 = arith.constant 0 : i32
        %dma_wait3A_91 = arith.constant 0 : i32
        %dma_wait3A_92 = tpu.memref_slice %arg6[%dma_wait3A_90, %dma_wait3A_91] : memref<632x128xf32, #tpu.memory_space<hbm>> -> memref<520x128xf32, #tpu.memory_space<hbm>>
        tpu.wait_dma2 semaphore(%run_scoped3A : memref<!tpu.dma_semaphore, #tpu.memory_space<semaphore_mem>>) src(%dma_wait3A_92 : memref<520x128xf32, #tpu.memory_space<hbm>>) dst(%dma_wait3A_89 : memref<520x128xf32, #tpu.memory_space<vmem_shared>>)
        tpu.yield
      }) : () -> ()
    } else {
    }
    "tpu.region"() ({
      %run_scoped3A = tpu.sem_alloc : memref<!tpu.dma_semaphore, #tpu.memory_space<semaphore_mem>>
      %dma_start3A_81 = tpu.memref_slice %arg4[%mul3A_2] : memref<320000xi32, #tpu.memory_space<hbm>> -> memref<10000xi32, #tpu.memory_space<hbm>>
      %dma_start3A_82 = tpu.memref_slice %arg4[%mul3A_2] : memref<320000xi32, #tpu.memory_space<hbm>> -> memref<10000xi32, #tpu.memory_space<hbm>>
      tpu.enqueue_dma source(%dma_start3A_82 : memref<10000xi32, #tpu.memory_space<hbm>>) target(%arg8 : memref<10000xi32, #tpu.memory_space<vmem>>) target_semaphore(%run_scoped3A : memref<!tpu.dma_semaphore, #tpu.memory_space<semaphore_mem>>)
      %dma_wait3A_83 = tpu.memref_slice %arg4[%mul3A_2] : memref<320000xi32, #tpu.memory_space<hbm>> -> memref<10000xi32, #tpu.memory_space<hbm>>
      %dma_wait3A_84 = tpu.memref_slice %arg4[%mul3A_2] : memref<320000xi32, #tpu.memory_space<hbm>> -> memref<10000xi32, #tpu.memory_space<hbm>>
      tpu.wait_dma2 semaphore(%run_scoped3A : memref<!tpu.dma_semaphore, #tpu.memory_space<semaphore_mem>>) src(%dma_wait3A_84 : memref<10000xi32, #tpu.memory_space<hbm>>) dst(%arg8 : memref<10000xi32, #tpu.memory_space<vmem>>)
      tpu.yield
    }) : () -> ()
    %barrier3A = arith.constant 0 : index
    tpu.barrier barrier_id(%barrier3A)
    %add3A_9 = arith.constant 0 : i32
    %add3A_10 = arith.addi %mul3A_2, %add3A_9 : i32
    %dma_start3A = tpu.memref_slice %arg5[%add3A_10] : memref<320000xi32, #tpu.memory_space<hbm>> -> memref<64xi32, #tpu.memory_space<hbm>>
    %dma_start3A_11 = tpu.memref_slice %arg5[%add3A_10] : memref<320000xi32, #tpu.memory_space<hbm>> -> memref<64xi32, #tpu.memory_space<hbm>>
    tpu.enqueue_dma source(%dma_start3A_11 : memref<64xi32, #tpu.memory_space<hbm>>) target(%arg9 : memref<64xi32, #tpu.memory_space<vmem>>) target_semaphore(%arg19 : memref<!tpu.dma_semaphore, #tpu.memory_space<semaphore_mem>>)
    %dma_start3A_12 = arith.constant 0 : i32
    %dma_start3A_13 = tpu.memref_slice %arg8[%dma_start3A_12] : memref<10000xi32, #tpu.memory_space<vmem>> -> memref<64xi32, #tpu.memory_space<vmem>>
    %dma_start3A_14 = arith.constant 0 : i32
    %dma_start3A_15 = arith.constant 0 : i32
    %dma_start3A_16 = tpu.memref_slice %arg2[%dma_start3A_14, %dma_start3A_15] : memref<10000x128xf32, #tpu.memory_space<hbm>> -> memref<10000x128xf32, #tpu.memory_space<hbm>>
    tpu.enqueue_indirect_dma source(%dma_start3A_16 : memref<10000x128xf32, #tpu.memory_space<hbm>>) target(%arg11 : memref<64x128xf32, #tpu.memory_space<vmem>>) offsets(%dma_start3A_13 : memref<64xi32, #tpu.memory_space<vmem>>) semaphore(%arg19 : memref<!tpu.dma_semaphore, #tpu.memory_space<semaphore_mem>>)
    %dma_start3A_17 = arith.constant 0 : i32
    %dma_start3A_18 = tpu.memref_slice %arg3[%add3A_10, %dma_start3A_17] : memref<320000x128xf32, #tpu.memory_space<hbm>> -> memref<64x128xf32, #tpu.memory_space<hbm>>
    %dma_start3A_19 = arith.constant 0 : i32
    %dma_start3A_20 = tpu.memref_slice %arg3[%add3A_10, %dma_start3A_19] : memref<320000x128xf32, #tpu.memory_space<hbm>> -> memref<64x128xf32, #tpu.memory_space<hbm>>
    tpu.enqueue_dma source(%dma_start3A_20 : memref<64x128xf32, #tpu.memory_space<hbm>>) target(%arg13 : memref<64x128xf32, #tpu.memory_space<vmem>>) target_semaphore(%arg19 : memref<!tpu.dma_semaphore, #tpu.memory_space<semaphore_mem>>)
    %add3A_21 = arith.constant 64 : i32
    %add3A_22 = arith.addi %mul3A_2, %add3A_21 : i32
    %dma_start3A_23 = tpu.memref_slice %arg5[%add3A_22] : memref<320000xi32, #tpu.memory_space<hbm>> -> memref<64xi32, #tpu.memory_space<hbm>>
    %dma_start3A_24 = tpu.memref_slice %arg5[%add3A_22] : memref<320000xi32, #tpu.memory_space<hbm>> -> memref<64xi32, #tpu.memory_space<hbm>>
    tpu.enqueue_dma source(%dma_start3A_24 : memref<64xi32, #tpu.memory_space<hbm>>) target(%arg10 : memref<64xi32, #tpu.memory_space<vmem>>) target_semaphore(%arg20 : memref<!tpu.dma_semaphore, #tpu.memory_space<semaphore_mem>>)
    %dma_start3A_25 = arith.constant 64 : i32
    %dma_start3A_26 = tpu.memref_slice %arg8[%dma_start3A_25] : memref<10000xi32, #tpu.memory_space<vmem>> -> memref<64xi32, #tpu.memory_space<vmem>>
    %dma_start3A_27 = arith.constant 0 : i32
    %dma_start3A_28 = arith.constant 0 : i32
    %dma_start3A_29 = tpu.memref_slice %arg2[%dma_start3A_27, %dma_start3A_28] : memref<10000x128xf32, #tpu.memory_space<hbm>> -> memref<10000x128xf32, #tpu.memory_space<hbm>>
    tpu.enqueue_indirect_dma source(%dma_start3A_29 : memref<10000x128xf32, #tpu.memory_space<hbm>>) target(%arg12 : memref<64x128xf32, #tpu.memory_space<vmem>>) offsets(%dma_start3A_26 : memref<64xi32, #tpu.memory_space<vmem>>) semaphore(%arg20 : memref<!tpu.dma_semaphore, #tpu.memory_space<semaphore_mem>>)
    %dma_start3A_30 = arith.constant 0 : i32
    %dma_start3A_31 = tpu.memref_slice %arg3[%add3A_22, %dma_start3A_30] : memref<320000x128xf32, #tpu.memory_space<hbm>> -> memref<64x128xf32, #tpu.memory_space<hbm>>
    %dma_start3A_32 = arith.constant 0 : i32
    %dma_start3A_33 = tpu.memref_slice %arg3[%add3A_22, %dma_start3A_32] : memref<320000x128xf32, #tpu.memory_space<hbm>> -> memref<64x128xf32, #tpu.memory_space<hbm>>
    tpu.enqueue_dma source(%dma_start3A_33 : memref<64x128xf32, #tpu.memory_space<hbm>>) target(%arg14 : memref<64x128xf32, #tpu.memory_space<vmem>>) target_semaphore(%arg20 : memref<!tpu.dma_semaphore, #tpu.memory_space<semaphore_mem>>)
    %scan3A = arith.constant 0 : i32
    %scan3A_34 = arith.constant 0 : i32
    %scan3A_35 = arith.constant 78 : i32
    %scan3A_36 = arith.addi %scan3A_34, %scan3A_35 : i32
    %scan3A_37 = arith.constant 1 : i32
    scf.for %scan3A_81 = %scan3A_34 to %scan3A_36 step %scan3A_37  : i32 {
      %mul3A_82 = arith.constant 2 : i32
      %mul3A_83 = arith.muli %scan3A_81, %mul3A_82 : i32
      %mul3A_84 = arith.constant 64 : i32
      %mul3A_85 = arith.muli %mul3A_83, %mul3A_84 : i32
      %add3A_86 = arith.addi %mul3A_2, %mul3A_85 : i32
      %dma_wait3A_87 = tpu.memref_slice %arg5[%add3A_86] : memref<320000xi32, #tpu.memory_space<hbm>> -> memref<64xi32, #tpu.memory_space<hbm>>
      %dma_wait3A_88 = tpu.memref_slice %arg5[%add3A_86] : memref<320000xi32, #tpu.memory_space<hbm>> -> memref<64xi32, #tpu.memory_space<hbm>>
      tpu.wait_dma2 semaphore(%arg19 : memref<!tpu.dma_semaphore, #tpu.memory_space<semaphore_mem>>) src(%dma_wait3A_88 : memref<64xi32, #tpu.memory_space<hbm>>) dst(%arg9 : memref<64xi32, #tpu.memory_space<vmem>>)
      %mul3A_89 = arith.constant 64 : i32
      %mul3A_90 = arith.muli %mul3A_83, %mul3A_89 : i32
      %dma_wait3A_91 = tpu.memref_slice %arg8[%mul3A_90] : memref<10000xi32, #tpu.memory_space<vmem>> -> memref<64xi32, #tpu.memory_space<vmem>>
      %dma_wait3A_92 = arith.constant 0 : i32
      %dma_wait3A_93 = arith.constant 0 : i32
      %dma_wait3A_94 = tpu.memref_slice %arg2[%dma_wait3A_92, %dma_wait3A_93] : memref<10000x128xf32, #tpu.memory_space<hbm>> -> memref<10000x128xf32, #tpu.memory_space<hbm>>
      tpu.wait_indirect_dma semaphore(%arg19 : memref<!tpu.dma_semaphore, #tpu.memory_space<semaphore_mem>>) src(%dma_wait3A_94 : memref<10000x128xf32, #tpu.memory_space<hbm>>) dst(%arg11 : memref<64x128xf32, #tpu.memory_space<vmem>>)
      %dma_wait3A_95 = arith.constant 0 : i32
      %dma_wait3A_96 = tpu.memref_slice %arg3[%add3A_86, %dma_wait3A_95] : memref<320000x128xf32, #tpu.memory_space<hbm>> -> memref<64x128xf32, #tpu.memory_space<hbm>>
      %dma_wait3A_97 = arith.constant 0 : i32
      %dma_wait3A_98 = tpu.memref_slice %arg3[%add3A_86, %dma_wait3A_97] : memref<320000x128xf32, #tpu.memory_space<hbm>> -> memref<64x128xf32, #tpu.memory_space<hbm>>
      tpu.wait_dma2 semaphore(%arg19 : memref<!tpu.dma_semaphore, #tpu.memory_space<semaphore_mem>>) src(%dma_wait3A_98 : memref<64x128xf32, #tpu.memory_space<hbm>>) dst(%arg13 : memref<64x128xf32, #tpu.memory_space<vmem>>)
      %scan3A_99 = arith.constant 0 : i32
      %scan3A_100 = arith.constant 0 : i32
      %scan3A_101 = arith.constant 64 : i32
      %scan3A_102 = arith.addi %scan3A_100, %scan3A_101 : i32
      %scan3A_103 = arith.constant 1 : i32
      scf.for %scan3A_142 = %scan3A_100 to %scan3A_102 step %scan3A_103  : i32 {
        %get3A = arith.index_cast %scan3A_142 : i32 to index
        %get3A_143 = arith.constant 0 : index
        %get3A_144 = tpu.vector_load %arg11[%get3A, %get3A_143] {strides = array<i32>} : memref<64x128xf32, #tpu.memory_space<vmem>>, vector<1x16xf32>,
        %get3A_145 = vector.shape_cast %get3A_144 : vector<1x16xf32> to vector<16xf32>
        %swap3A = arith.index_cast %scan3A_142 : i32 to index
        %swap3A_146 = arith.constant 0 : index
        %swap3A_147 = tpu.vector_load %arg13[%swap3A, %swap3A_146] {strides = array<i32>} : memref<64x128xf32, #tpu.memory_space<vmem>>, vector<1x16xf32>,
        %swap3A_148 = vector.shape_cast %swap3A_147 : vector<1x16xf32> to vector<16xf32>
        %swap3A_149 = vector.shape_cast %get3A_145 : vector<16xf32> to vector<1x16xf32>
        tpu.vector_store %arg13[%swap3A, %swap3A_146], %swap3A_149 {add = true, strides = array<i32>} : memref<64x128xf32, #tpu.memory_space<vmem>>, vector<1x16xf32>,
        %get3A_150 = arith.index_cast %scan3A_142 : i32 to index
        %get3A_151 = arith.constant 16 : index
        %get3A_152 = tpu.vector_load %arg11[%get3A_150, %get3A_151] {strides = array<i32>} : memref<64x128xf32, #tpu.memory_space<vmem>>, vector<1x16xf32>,
        %get3A_153 = vector.shape_cast %get3A_152 : vector<1x16xf32> to vector<16xf32>
        %swap3A_154 = arith.index_cast %scan3A_142 : i32 to index
        %swap3A_155 = arith.constant 16 : index
        %swap3A_156 = tpu.vector_load %arg13[%swap3A_154, %swap3A_155] {strides = array<i32>} : memref<64x128xf32, #tpu.memory_space<vmem>>, vector<1x16xf32>,
        %swap3A_157 = vector.shape_cast %swap3A_156 : vector<1x16xf32> to vector<16xf32>
        %swap3A_158 = vector.shape_cast %get3A_153 : vector<16xf32> to vector<1x16xf32>
        tpu.vector_store %arg13[%swap3A_154, %swap3A_155], %swap3A_158 {add = true, strides = array<i32>} : memref<64x128xf32, #tpu.memory_space<vmem>>, vector<1x16xf32>,
        %get3A_159 = arith.index_cast %scan3A_142 : i32 to index
        %get3A_160 = arith.constant 32 : index
        %get3A_161 = tpu.vector_load %arg11[%get3A_159, %get3A_160] {strides = array<i32>} : memref<64x128xf32, #tpu.memory_space<vmem>>, vector<1x16xf32>,
        %get3A_162 = vector.shape_cast %get3A_161 : vector<1x16xf32> to vector<16xf32>
        %swap3A_163 = arith.index_cast %scan3A_142 : i32 to index
        %swap3A_164 = arith.constant 32 : index
        %swap3A_165 = tpu.vector_load %arg13[%swap3A_163, %swap3A_164] {strides = array<i32>} : memref<64x128xf32, #tpu.memory_space<vmem>>, vector<1x16xf32>,
        %swap3A_166 = vector.shape_cast %swap3A_165 : vector<1x16xf32> to vector<16xf32>
        %swap3A_167 = vector.shape_cast %get3A_162 : vector<16xf32> to vector<1x16xf32>
        tpu.vector_store %arg13[%swap3A_163, %swap3A_164], %swap3A_167 {add = true, strides = array<i32>} : memref<64x128xf32, #tpu.memory_space<vmem>>, vector<1x16xf32>,
        %get3A_168 = arith.index_cast %scan3A_142 : i32 to index
        %get3A_169 = arith.constant 48 : index
        %get3A_170 = tpu.vector_load %arg11[%get3A_168, %get3A_169] {strides = array<i32>} : memref<64x128xf32, #tpu.memory_space<vmem>>, vector<1x16xf32>,
        %get3A_171 = vector.shape_cast %get3A_170 : vector<1x16xf32> to vector<16xf32>
        %swap3A_172 = arith.index_cast %scan3A_142 : i32 to index
        %swap3A_173 = arith.constant 48 : index
        %swap3A_174 = tpu.vector_load %arg13[%swap3A_172, %swap3A_173] {strides = array<i32>} : memref<64x128xf32, #tpu.memory_space<vmem>>, vector<1x16xf32>,
        %swap3A_175 = vector.shape_cast %swap3A_174 : vector<1x16xf32> to vector<16xf32>
        %swap3A_176 = vector.shape_cast %get3A_171 : vector<16xf32> to vector<1x16xf32>
        tpu.vector_store %arg13[%swap3A_172, %swap3A_173], %swap3A_176 {add = true, strides = array<i32>} : memref<64x128xf32, #tpu.memory_space<vmem>>, vector<1x16xf32>,
        %get3A_177 = arith.index_cast %scan3A_142 : i32 to index
        %get3A_178 = arith.constant 64 : index
        %get3A_179 = tpu.vector_load %arg11[%get3A_177, %get3A_178] {strides = array<i32>} : memref<64x128xf32, #tpu.memory_space<vmem>>, vector<1x16xf32>,
        %get3A_180 = vector.shape_cast %get3A_179 : vector<1x16xf32> to vector<16xf32>
        %swap3A_181 = arith.index_cast %scan3A_142 : i32 to index
        %swap3A_182 = arith.constant 64 : index
        %swap3A_183 = tpu.vector_load %arg13[%swap3A_181, %swap3A_182] {strides = array<i32>} : memref<64x128xf32, #tpu.memory_space<vmem>>, vector<1x16xf32>,
        %swap3A_184 = vector.shape_cast %swap3A_183 : vector<1x16xf32> to vector<16xf32>
        %swap3A_185 = vector.shape_cast %get3A_180 : vector<16xf32> to vector<1x16xf32>
        tpu.vector_store %arg13[%swap3A_181, %swap3A_182], %swap3A_185 {add = true, strides = array<i32>} : memref<64x128xf32, #tpu.memory_space<vmem>>, vector<1x16xf32>,
        %get3A_186 = arith.index_cast %scan3A_142 : i32 to index
        %get3A_187 = arith.constant 80 : index
        %get3A_188 = tpu.vector_load %arg11[%get3A_186, %get3A_187] {strides = array<i32>} : memref<64x128xf32, #tpu.memory_space<vmem>>, vector<1x16xf32>,
        %get3A_189 = vector.shape_cast %get3A_188 : vector<1x16xf32> to vector<16xf32>
        %swap3A_190 = arith.index_cast %scan3A_142 : i32 to index
        %swap3A_191 = arith.constant 80 : index
        %swap3A_192 = tpu.vector_load %arg13[%swap3A_190, %swap3A_191] {strides = array<i32>} : memref<64x128xf32, #tpu.memory_space<vmem>>, vector<1x16xf32>,
        %swap3A_193 = vector.shape_cast %swap3A_192 : vector<1x16xf32> to vector<16xf32>
        %swap3A_194 = vector.shape_cast %get3A_189 : vector<16xf32> to vector<1x16xf32>
        tpu.vector_store %arg13[%swap3A_190, %swap3A_191], %swap3A_194 {add = true, strides = array<i32>} : memref<64x128xf32, #tpu.memory_space<vmem>>, vector<1x16xf32>,
        %get3A_195 = arith.index_cast %scan3A_142 : i32 to index
        %get3A_196 = arith.constant 96 : index
        %get3A_197 = tpu.vector_load %arg11[%get3A_195, %get3A_196] {strides = array<i32>} : memref<64x128xf32, #tpu.memory_space<vmem>>, vector<1x16xf32>,
        %get3A_198 = vector.shape_cast %get3A_197 : vector<1x16xf32> to vector<16xf32>
        %swap3A_199 = arith.index_cast %scan3A_142 : i32 to index
        %swap3A_200 = arith.constant 96 : index
        %swap3A_201 = tpu.vector_load %arg13[%swap3A_199, %swap3A_200] {strides = array<i32>} : memref<64x128xf32, #tpu.memory_space<vmem>>, vector<1x16xf32>,
        %swap3A_202 = vector.shape_cast %swap3A_201 : vector<1x16xf32> to vector<16xf32>
        %swap3A_203 = vector.shape_cast %get3A_198 : vector<16xf32> to vector<1x16xf32>
        tpu.vector_store %arg13[%swap3A_199, %swap3A_200], %swap3A_203 {add = true, strides = array<i32>} : memref<64x128xf32, #tpu.memory_space<vmem>>, vector<1x16xf32>,
        %get3A_204 = arith.index_cast %scan3A_142 : i32 to index
        %get3A_205 = arith.constant 112 : index
        %get3A_206 = tpu.vector_load %arg11[%get3A_204, %get3A_205] {strides = array<i32>} : memref<64x128xf32, #tpu.memory_space<vmem>>, vector<1x16xf32>,
        %get3A_207 = vector.shape_cast %get3A_206 : vector<1x16xf32> to vector<16xf32>
        %swap3A_208 = arith.index_cast %scan3A_142 : i32 to index
        %swap3A_209 = arith.constant 112 : index
        %swap3A_210 = tpu.vector_load %arg13[%swap3A_208, %swap3A_209] {strides = array<i32>} : memref<64x128xf32, #tpu.memory_space<vmem>>, vector<1x16xf32>,
        %swap3A_211 = vector.shape_cast %swap3A_210 : vector<1x16xf32> to vector<16xf32>
        %swap3A_212 = vector.shape_cast %get3A_207 : vector<16xf32> to vector<1x16xf32>
        tpu.vector_store %arg13[%swap3A_208, %swap3A_209], %swap3A_212 {add = true, strides = array<i32>} : memref<64x128xf32, #tpu.memory_space<vmem>>, vector<1x16xf32>,
      }
      %scan3A_104 = arith.constant 64 : i32
      "tpu.region"() ({
        %run_scoped3A = tpu.sem_alloc : memref<!tpu.dma_semaphore, #tpu.memory_space<semaphore_mem>>
        %dma_start3A_142 = arith.constant 0 : i32
        %dma_start3A_143 = arith.constant 0 : i32
        %dma_start3A_144 = tpu.memref_slice %arg18[%dma_start3A_142, %dma_start3A_143] : memref<10000x128xf32, #tpu.memory_space<vmem_shared>> -> memref<10000x128xf32, #tpu.memory_space<vmem_shared>>
        tpu.enqueue_indirect_dma source(%arg13 : memref<64x128xf32, #tpu.memory_space<vmem>>) target(%dma_start3A_144 : memref<10000x128xf32, #tpu.memory_space<vmem_shared>>) offsets(%arg9 : memref<64xi32, #tpu.memory_space<vmem>>) semaphore(%run_scoped3A : memref<!tpu.dma_semaphore, #tpu.memory_space<semaphore_mem>>) {add = true}
        %dma_wait3A_145 = arith.constant 0 : i32
        %dma_wait3A_146 = arith.constant 0 : i32
        %dma_wait3A_147 = tpu.memref_slice %arg18[%dma_wait3A_145, %dma_wait3A_146] : memref<10000x128xf32, #tpu.memory_space<vmem_shared>> -> memref<10000x128xf32, #tpu.memory_space<vmem_shared>>
        tpu.wait_indirect_dma semaphore(%run_scoped3A : memref<!tpu.dma_semaphore, #tpu.memory_space<semaphore_mem>>) src(%arg13 : memref<64x128xf32, #tpu.memory_space<vmem>>) dst(%dma_wait3A_147 : memref<10000x128xf32, #tpu.memory_space<vmem_shared>>)
        tpu.yield
      }) : () -> ()
      %add3A_105 = arith.constant 2 : i32
      %add3A_106 = arith.addi %mul3A_83, %add3A_105 : i32
      %lt3A_107 = arith.constant 156 : i32
      %lt3A_108 = arith.cmpi slt, %add3A_106, %lt3A_107 : i32
      %convert_element_type3A_109 = arith.extui %lt3A_108 : i1 to i32
      %cond3A_110 = arith.constant 0 : i32
      %cond3A_111 = arith.cmpi ne, %convert_element_type3A_109, %cond3A_110 : i32
      scf.if %cond3A_111 {
        %add3A_142 = arith.constant 2 : i32
        %add3A_143 = arith.addi %mul3A_83, %add3A_142 : i32
        %mul3A_144 = arith.constant 64 : i32
        %mul3A_145 = arith.muli %add3A_143, %mul3A_144 : i32
        %add3A_146 = arith.addi %mul3A_2, %mul3A_145 : i32
        %dma_start3A_147 = tpu.memref_slice %arg5[%add3A_146] : memref<320000xi32, #tpu.memory_space<hbm>> -> memref<64xi32, #tpu.memory_space<hbm>>
        %dma_start3A_148 = tpu.memref_slice %arg5[%add3A_146] : memref<320000xi32, #tpu.memory_space<hbm>> -> memref<64xi32, #tpu.memory_space<hbm>>
        tpu.enqueue_dma source(%dma_start3A_148 : memref<64xi32, #tpu.memory_space<hbm>>) target(%arg9 : memref<64xi32, #tpu.memory_space<vmem>>) target_semaphore(%arg19 : memref<!tpu.dma_semaphore, #tpu.memory_space<semaphore_mem>>)
        %mul3A_149 = arith.constant 64 : i32
        %mul3A_150 = arith.muli %add3A_143, %mul3A_149 : i32
        %dma_start3A_151 = tpu.memref_slice %arg8[%mul3A_150] : memref<10000xi32, #tpu.memory_space<vmem>> -> memref<64xi32, #tpu.memory_space<vmem>>
        %dma_start3A_152 = arith.constant 0 : i32
        %dma_start3A_153 = arith.constant 0 : i32
        %dma_start3A_154 = tpu.memref_slice %arg2[%dma_start3A_152, %dma_start3A_153] : memref<10000x128xf32, #tpu.memory_space<hbm>> -> memref<10000x128xf32, #tpu.memory_space<hbm>>
        tpu.enqueue_indirect_dma source(%dma_start3A_154 : memref<10000x128xf32, #tpu.memory_space<hbm>>) target(%arg11 : memref<64x128xf32, #tpu.memory_space<vmem>>) offsets(%dma_start3A_151 : memref<64xi32, #tpu.memory_space<vmem>>) semaphore(%arg19 : memref<!tpu.dma_semaphore, #tpu.memory_space<semaphore_mem>>)
        %dma_start3A_155 = arith.constant 0 : i32
        %dma_start3A_156 = tpu.memref_slice %arg3[%add3A_146, %dma_start3A_155] : memref<320000x128xf32, #tpu.memory_space<hbm>> -> memref<64x128xf32, #tpu.memory_space<hbm>>
        %dma_start3A_157 = arith.constant 0 : i32
        %dma_start3A_158 = tpu.memref_slice %arg3[%add3A_146, %dma_start3A_157] : memref<320000x128xf32, #tpu.memory_space<hbm>> -> memref<64x128xf32, #tpu.memory_space<hbm>>
        tpu.enqueue_dma source(%dma_start3A_158 : memref<64x128xf32, #tpu.memory_space<hbm>>) target(%arg13 : memref<64x128xf32, #tpu.memory_space<vmem>>) target_semaphore(%arg19 : memref<!tpu.dma_semaphore, #tpu.memory_space<semaphore_mem>>)
      } else {
      }
      %add3A_112 = arith.constant 1 : i32
      %add3A_113 = arith.addi %mul3A_83, %add3A_112 : i32
      %mul3A_114 = arith.constant 64 : i32
      %mul3A_115 = arith.muli %add3A_113, %mul3A_114 : i32
      %add3A_116 = arith.addi %mul3A_2, %mul3A_115 : i32
      %dma_wait3A_117 = tpu.memref_slice %arg5[%add3A_116] : memref<320000xi32, #tpu.memory_space<hbm>> -> memref<64xi32, #tpu.memory_space<hbm>>
      %dma_wait3A_118 = tpu.memref_slice %arg5[%add3A_116] : memref<320000xi32, #tpu.memory_space<hbm>> -> memref<64xi32, #tpu.memory_space<hbm>>
      tpu.wait_dma2 semaphore(%arg20 : memref<!tpu.dma_semaphore, #tpu.memory_space<semaphore_mem>>) src(%dma_wait3A_118 : memref<64xi32, #tpu.memory_space<hbm>>) dst(%arg10 : memref<64xi32, #tpu.memory_space<vmem>>)
      %mul3A_119 = arith.constant 64 : i32
      %mul3A_120 = arith.muli %add3A_113, %mul3A_119 : i32
      %dma_wait3A_121 = tpu.memref_slice %arg8[%mul3A_120] : memref<10000xi32, #tpu.memory_space<vmem>> -> memref<64xi32, #tpu.memory_space<vmem>>
      %dma_wait3A_122 = arith.constant 0 : i32
      %dma_wait3A_123 = arith.constant 0 : i32
      %dma_wait3A_124 = tpu.memref_slice %arg2[%dma_wait3A_122, %dma_wait3A_123] : memref<10000x128xf32, #tpu.memory_space<hbm>> -> memref<10000x128xf32, #tpu.memory_space<hbm>>
      tpu.wait_indirect_dma semaphore(%arg20 : memref<!tpu.dma_semaphore, #tpu.memory_space<semaphore_mem>>) src(%dma_wait3A_124 : memref<10000x128xf32, #tpu.memory_space<hbm>>) dst(%arg12 : memref<64x128xf32, #tpu.memory_space<vmem>>)
      %dma_wait3A_125 = arith.constant 0 : i32
      %dma_wait3A_126 = tpu.memref_slice %arg3[%add3A_116, %dma_wait3A_125] : memref<320000x128xf32, #tpu.memory_space<hbm>> -> memref<64x128xf32, #tpu.memory_space<hbm>>
      %dma_wait3A_127 = arith.constant 0 : i32
      %dma_wait3A_128 = tpu.memref_slice %arg3[%add3A_116, %dma_wait3A_127] : memref<320000x128xf32, #tpu.memory_space<hbm>> -> memref<64x128xf32, #tpu.memory_space<hbm>>
      tpu.wait_dma2 semaphore(%arg20 : memref<!tpu.dma_semaphore, #tpu.memory_space<semaphore_mem>>) src(%dma_wait3A_128 : memref<64x128xf32, #tpu.memory_space<hbm>>) dst(%arg14 : memref<64x128xf32, #tpu.memory_space<vmem>>)
      %scan3A_129 = arith.constant 0 : i32
      %scan3A_130 = arith.constant 0 : i32
      %scan3A_131 = arith.constant 64 : i32
      %scan3A_132 = arith.addi %scan3A_130, %scan3A_131 : i32
      %scan3A_133 = arith.constant 1 : i32
      scf.for %scan3A_142 = %scan3A_130 to %scan3A_132 step %scan3A_133  : i32 {
        %get3A = arith.index_cast %scan3A_142 : i32 to index
        %get3A_143 = arith.constant 0 : index
        %get3A_144 = tpu.vector_load %arg12[%get3A, %get3A_143] {strides = array<i32>} : memref<64x128xf32, #tpu.memory_space<vmem>>, vector<1x16xf32>,
        %get3A_145 = vector.shape_cast %get3A_144 : vector<1x16xf32> to vector<16xf32>
        %swap3A = arith.index_cast %scan3A_142 : i32 to index
        %swap3A_146 = arith.constant 0 : index
        %swap3A_147 = tpu.vector_load %arg14[%swap3A, %swap3A_146] {strides = array<i32>} : memref<64x128xf32, #tpu.memory_space<vmem>>, vector<1x16xf32>,
        %swap3A_148 = vector.shape_cast %swap3A_147 : vector<1x16xf32> to vector<16xf32>
        %swap3A_149 = vector.shape_cast %get3A_145 : vector<16xf32> to vector<1x16xf32>
        tpu.vector_store %arg14[%swap3A, %swap3A_146], %swap3A_149 {add = true, strides = array<i32>} : memref<64x128xf32, #tpu.memory_space<vmem>>, vector<1x16xf32>,
        %get3A_150 = arith.index_cast %scan3A_142 : i32 to index
        %get3A_151 = arith.constant 16 : index
        %get3A_152 = tpu.vector_load %arg12[%get3A_150, %get3A_151] {strides = array<i32>} : memref<64x128xf32, #tpu.memory_space<vmem>>, vector<1x16xf32>,
        %get3A_153 = vector.shape_cast %get3A_152 : vector<1x16xf32> to vector<16xf32>
        %swap3A_154 = arith.index_cast %scan3A_142 : i32 to index
        %swap3A_155 = arith.constant 16 : index
        %swap3A_156 = tpu.vector_load %arg14[%swap3A_154, %swap3A_155] {strides = array<i32>} : memref<64x128xf32, #tpu.memory_space<vmem>>, vector<1x16xf32>,
        %swap3A_157 = vector.shape_cast %swap3A_156 : vector<1x16xf32> to vector<16xf32>
        %swap3A_158 = vector.shape_cast %get3A_153 : vector<16xf32> to vector<1x16xf32>
        tpu.vector_store %arg14[%swap3A_154, %swap3A_155], %swap3A_158 {add = true, strides = array<i32>} : memref<64x128xf32, #tpu.memory_space<vmem>>, vector<1x16xf32>,
        %get3A_159 = arith.index_cast %scan3A_142 : i32 to index
        %get3A_160 = arith.constant 32 : index
        %get3A_161 = tpu.vector_load %arg12[%get3A_159, %get3A_160] {strides = array<i32>} : memref<64x128xf32, #tpu.memory_space<vmem>>, vector<1x16xf32>,
        %get3A_162 = vector.shape_cast %get3A_161 : vector<1x16xf32> to vector<16xf32>
        %swap3A_163 = arith.index_cast %scan3A_142 : i32 to index
        %swap3A_164 = arith.constant 32 : index
        %swap3A_165 = tpu.vector_load %arg14[%swap3A_163, %swap3A_164] {strides = array<i32>} : memref<64x128xf32, #tpu.memory_space<vmem>>, vector<1x16xf32>,
        %swap3A_166 = vector.shape_cast %swap3A_165 : vector<1x16xf32> to vector<16xf32>
        %swap3A_167 = vector.shape_cast %get3A_162 : vector<16xf32> to vector<1x16xf32>
        tpu.vector_store %arg14[%swap3A_163, %swap3A_164], %swap3A_167 {add = true, strides = array<i32>} : memref<64x128xf32, #tpu.memory_space<vmem>>, vector<1x16xf32>,
        %get3A_168 = arith.index_cast %scan3A_142 : i32 to index
        %get3A_169 = arith.constant 48 : index
        %get3A_170 = tpu.vector_load %arg12[%get3A_168, %get3A_169] {strides = array<i32>} : memref<64x128xf32, #tpu.memory_space<vmem>>, vector<1x16xf32>,
        %get3A_171 = vector.shape_cast %get3A_170 : vector<1x16xf32> to vector<16xf32>
        %swap3A_172 = arith.index_cast %scan3A_142 : i32 to index
        %swap3A_173 = arith.constant 48 : index
        %swap3A_174 = tpu.vector_load %arg14[%swap3A_172, %swap3A_173] {strides = array<i32>} : memref<64x128xf32, #tpu.memory_space<vmem>>, vector<1x16xf32>,
        %swap3A_175 = vector.shape_cast %swap3A_174 : vector<1x16xf32> to vector<16xf32>
        %swap3A_176 = vector.shape_cast %get3A_171 : vector<16xf32> to vector<1x16xf32>
        tpu.vector_store %arg14[%swap3A_172, %swap3A_173], %swap3A_176 {add = true, strides = array<i32>} : memref<64x128xf32, #tpu.memory_space<vmem>>, vector<1x16xf32>,
        %get3A_177 = arith.index_cast %scan3A_142 : i32 to index
        %get3A_178 = arith.constant 64 : index
        %get3A_179 = tpu.vector_load %arg12[%get3A_177, %get3A_178] {strides = array<i32>} : memref<64x128xf32, #tpu.memory_space<vmem>>, vector<1x16xf32>,
        %get3A_180 = vector.shape_cast %get3A_179 : vector<1x16xf32> to vector<16xf32>
        %swap3A_181 = arith.index_cast %scan3A_142 : i32 to index
        %swap3A_182 = arith.constant 64 : index
        %swap3A_183 = tpu.vector_load %arg14[%swap3A_181, %swap3A_182] {strides = array<i32>} : memref<64x128xf32, #tpu.memory_space<vmem>>, vector<1x16xf32>,
        %swap3A_184 = vector.shape_cast %swap3A_183 : vector<1x16xf32> to vector<16xf32>
        %swap3A_185 = vector.shape_cast %get3A_180 : vector<16xf32> to vector<1x16xf32>
        tpu.vector_store %arg14[%swap3A_181, %swap3A_182], %swap3A_185 {add = true, strides = array<i32>} : memref<64x128xf32, #tpu.memory_space<vmem>>, vector<1x16xf32>,
        %get3A_186 = arith.index_cast %scan3A_142 : i32 to index
        %get3A_187 = arith.constant 80 : index
        %get3A_188 = tpu.vector_load %arg12[%get3A_186, %get3A_187] {strides = array<i32>} : memref<64x128xf32, #tpu.memory_space<vmem>>, vector<1x16xf32>,
        %get3A_189 = vector.shape_cast %get3A_188 : vector<1x16xf32> to vector<16xf32>
        %swap3A_190 = arith.index_cast %scan3A_142 : i32 to index
        %swap3A_191 = arith.constant 80 : index
        %swap3A_192 = tpu.vector_load %arg14[%swap3A_190, %swap3A_191] {strides = array<i32>} : memref<64x128xf32, #tpu.memory_space<vmem>>, vector<1x16xf32>,
        %swap3A_193 = vector.shape_cast %swap3A_192 : vector<1x16xf32> to vector<16xf32>
        %swap3A_194 = vector.shape_cast %get3A_189 : vector<16xf32> to vector<1x16xf32>
        tpu.vector_store %arg14[%swap3A_190, %swap3A_191], %swap3A_194 {add = true, strides = array<i32>} : memref<64x128xf32, #tpu.memory_space<vmem>>, vector<1x16xf32>,
        %get3A_195 = arith.index_cast %scan3A_142 : i32 to index
        %get3A_196 = arith.constant 96 : index
        %get3A_197 = tpu.vector_load %arg12[%get3A_195, %get3A_196] {strides = array<i32>} : memref<64x128xf32, #tpu.memory_space<vmem>>, vector<1x16xf32>,
        %get3A_198 = vector.shape_cast %get3A_197 : vector<1x16xf32> to vector<16xf32>
        %swap3A_199 = arith.index_cast %scan3A_142 : i32 to index
        %swap3A_200 = arith.constant 96 : index
        %swap3A_201 = tpu.vector_load %arg14[%swap3A_199, %swap3A_200] {strides = array<i32>} : memref<64x128xf32, #tpu.memory_space<vmem>>, vector<1x16xf32>,
        %swap3A_202 = vector.shape_cast %swap3A_201 : vector<1x16xf32> to vector<16xf32>
        %swap3A_203 = vector.shape_cast %get3A_198 : vector<16xf32> to vector<1x16xf32>
        tpu.vector_store %arg14[%swap3A_199, %swap3A_200], %swap3A_203 {add = true, strides = array<i32>} : memref<64x128xf32, #tpu.memory_space<vmem>>, vector<1x16xf32>,
        %get3A_204 = arith.index_cast %scan3A_142 : i32 to index
        %get3A_205 = arith.constant 112 : index
        %get3A_206 = tpu.vector_load %arg12[%get3A_204, %get3A_205] {strides = array<i32>} : memref<64x128xf32, #tpu.memory_space<vmem>>, vector<1x16xf32>,
        %get3A_207 = vector.shape_cast %get3A_206 : vector<1x16xf32> to vector<16xf32>
        %swap3A_208 = arith.index_cast %scan3A_142 : i32 to index
        %swap3A_209 = arith.constant 112 : index
        %swap3A_210 = tpu.vector_load %arg14[%swap3A_208, %swap3A_209] {strides = array<i32>} : memref<64x128xf32, #tpu.memory_space<vmem>>, vector<1x16xf32>,
        %swap3A_211 = vector.shape_cast %swap3A_210 : vector<1x16xf32> to vector<16xf32>
        %swap3A_212 = vector.shape_cast %get3A_207 : vector<16xf32> to vector<1x16xf32>
        tpu.vector_store %arg14[%swap3A_208, %swap3A_209], %swap3A_212 {add = true, strides = array<i32>} : memref<64x128xf32, #tpu.memory_space<vmem>>, vector<1x16xf32>,
      }
      %scan3A_134 = arith.constant 64 : i32
      "tpu.region"() ({
        %run_scoped3A = tpu.sem_alloc : memref<!tpu.dma_semaphore, #tpu.memory_space<semaphore_mem>>
        %dma_start3A_142 = arith.constant 0 : i32
        %dma_start3A_143 = arith.constant 0 : i32
        %dma_start3A_144 = tpu.memref_slice %arg18[%dma_start3A_142, %dma_start3A_143] : memref<10000x128xf32, #tpu.memory_space<vmem_shared>> -> memref<10000x128xf32, #tpu.memory_space<vmem_shared>>
        tpu.enqueue_indirect_dma source(%arg14 : memref<64x128xf32, #tpu.memory_space<vmem>>) target(%dma_start3A_144 : memref<10000x128xf32, #tpu.memory_space<vmem_shared>>) offsets(%arg10 : memref<64xi32, #tpu.memory_space<vmem>>) semaphore(%run_scoped3A : memref<!tpu.dma_semaphore, #tpu.memory_space<semaphore_mem>>) {add = true}
        %dma_wait3A_145 = arith.constant 0 : i32
        %dma_wait3A_146 = arith.constant 0 : i32
        %dma_wait3A_147 = tpu.memref_slice %arg18[%dma_wait3A_145, %dma_wait3A_146] : memref<10000x128xf32, #tpu.memory_space<vmem_shared>> -> memref<10000x128xf32, #tpu.memory_space<vmem_shared>>
        tpu.wait_indirect_dma semaphore(%run_scoped3A : memref<!tpu.dma_semaphore, #tpu.memory_space<semaphore_mem>>) src(%arg14 : memref<64x128xf32, #tpu.memory_space<vmem>>) dst(%dma_wait3A_147 : memref<10000x128xf32, #tpu.memory_space<vmem_shared>>)
        tpu.yield
      }) : () -> ()
      %add3A_135 = arith.constant 3 : i32
      %add3A_136 = arith.addi %mul3A_83, %add3A_135 : i32
      %lt3A_137 = arith.constant 156 : i32
      %lt3A_138 = arith.cmpi slt, %add3A_136, %lt3A_137 : i32
      %convert_element_type3A_139 = arith.extui %lt3A_138 : i1 to i32
      %cond3A_140 = arith.constant 0 : i32
      %cond3A_141 = arith.cmpi ne, %convert_element_type3A_139, %cond3A_140 : i32
      scf.if %cond3A_141 {
        %add3A_142 = arith.constant 3 : i32
        %add3A_143 = arith.addi %mul3A_83, %add3A_142 : i32
        %mul3A_144 = arith.constant 64 : i32
        %mul3A_145 = arith.muli %add3A_143, %mul3A_144 : i32
        %add3A_146 = arith.addi %mul3A_2, %mul3A_145 : i32
        %dma_start3A_147 = tpu.memref_slice %arg5[%add3A_146] : memref<320000xi32, #tpu.memory_space<hbm>> -> memref<64xi32, #tpu.memory_space<hbm>>
        %dma_start3A_148 = tpu.memref_slice %arg5[%add3A_146] : memref<320000xi32, #tpu.memory_space<hbm>> -> memref<64xi32, #tpu.memory_space<hbm>>
        tpu.enqueue_dma source(%dma_start3A_148 : memref<64xi32, #tpu.memory_space<hbm>>) target(%arg10 : memref<64xi32, #tpu.memory_space<vmem>>) target_semaphore(%arg20 : memref<!tpu.dma_semaphore, #tpu.memory_space<semaphore_mem>>)
        %mul3A_149 = arith.constant 64 : i32
        %mul3A_150 = arith.muli %add3A_143, %mul3A_149 : i32
        %dma_start3A_151 = tpu.memref_slice %arg8[%mul3A_150] : memref<10000xi32, #tpu.memory_space<vmem>> -> memref<64xi32, #tpu.memory_space<vmem>>
        %dma_start3A_152 = arith.constant 0 : i32
        %dma_start3A_153 = arith.constant 0 : i32
        %dma_start3A_154 = tpu.memref_slice %arg2[%dma_start3A_152, %dma_start3A_153] : memref<10000x128xf32, #tpu.memory_space<hbm>> -> memref<10000x128xf32, #tpu.memory_space<hbm>>
        tpu.enqueue_indirect_dma source(%dma_start3A_154 : memref<10000x128xf32, #tpu.memory_space<hbm>>) target(%arg12 : memref<64x128xf32, #tpu.memory_space<vmem>>) offsets(%dma_start3A_151 : memref<64xi32, #tpu.memory_space<vmem>>) semaphore(%arg20 : memref<!tpu.dma_semaphore, #tpu.memory_space<semaphore_mem>>)
        %dma_start3A_155 = arith.constant 0 : i32
        %dma_start3A_156 = tpu.memref_slice %arg3[%add3A_146, %dma_start3A_155] : memref<320000x128xf32, #tpu.memory_space<hbm>> -> memref<64x128xf32, #tpu.memory_space<hbm>>
        %dma_start3A_157 = arith.constant 0 : i32
        %dma_start3A_158 = tpu.memref_slice %arg3[%add3A_146, %dma_start3A_157] : memref<320000x128xf32, #tpu.memory_space<hbm>> -> memref<64x128xf32, #tpu.memory_space<hbm>>
        tpu.enqueue_dma source(%dma_start3A_158 : memref<64x128xf32, #tpu.memory_space<hbm>>) target(%arg14 : memref<64x128xf32, #tpu.memory_space<vmem>>) target_semaphore(%arg20 : memref<!tpu.dma_semaphore, #tpu.memory_space<semaphore_mem>>)
      } else {
      }
    }
    %scan3A_38 = arith.constant 78 : i32
    %add3A_39 = arith.constant 9984 : i32
    %add3A_40 = arith.addi %mul3A_2, %add3A_39 : i32
    %dma_start3A_41 = tpu.memref_slice %arg5[%add3A_40] : memref<320000xi32, #tpu.memory_space<hbm>> -> memref<16xi32, #tpu.memory_space<hbm>>
    %dma_start3A_42 = tpu.memref_slice %arg5[%add3A_40] : memref<320000xi32, #tpu.memory_space<hbm>> -> memref<16xi32, #tpu.memory_space<hbm>>
    tpu.enqueue_dma source(%dma_start3A_42 : memref<16xi32, #tpu.memory_space<hbm>>) target(%arg15 : memref<16xi32, #tpu.memory_space<vmem>>) target_semaphore(%arg19 : memref<!tpu.dma_semaphore, #tpu.memory_space<semaphore_mem>>)
    %dma_start3A_43 = arith.constant 9984 : i32
    %dma_start3A_44 = tpu.memref_slice %arg8[%dma_start3A_43] : memref<10000xi32, #tpu.memory_space<vmem>> -> memref<16xi32, #tpu.memory_space<vmem>>
    %dma_start3A_45 = arith.constant 0 : i32
    %dma_start3A_46 = arith.constant 0 : i32
    %dma_start3A_47 = tpu.memref_slice %arg2[%dma_start3A_45, %dma_start3A_46] : memref<10000x128xf32, #tpu.memory_space<hbm>> -> memref<10000x128xf32, #tpu.memory_space<hbm>>
    tpu.enqueue_indirect_dma source(%dma_start3A_47 : memref<10000x128xf32, #tpu.memory_space<hbm>>) target(%arg16 : memref<16x128xf32, #tpu.memory_space<vmem>>) offsets(%dma_start3A_44 : memref<16xi32, #tpu.memory_space<vmem>>) semaphore(%arg19 : memref<!tpu.dma_semaphore, #tpu.memory_space<semaphore_mem>>)
    %dma_start3A_48 = arith.constant 0 : i32
    %dma_start3A_49 = tpu.memref_slice %arg3[%add3A_40, %dma_start3A_48] : memref<320000x128xf32, #tpu.memory_space<hbm>> -> memref<16x128xf32, #tpu.memory_space<hbm>>
    %dma_start3A_50 = arith.constant 0 : i32
    %dma_start3A_51 = tpu.memref_slice %arg3[%add3A_40, %dma_start3A_50] : memref<320000x128xf32, #tpu.memory_space<hbm>> -> memref<16x128xf32, #tpu.memory_space<hbm>>
    tpu.enqueue_dma source(%dma_start3A_51 : memref<16x128xf32, #tpu.memory_space<hbm>>) target(%arg17 : memref<16x128xf32, #tpu.memory_space<vmem>>) target_semaphore(%arg19 : memref<!tpu.dma_semaphore, #tpu.memory_space<semaphore_mem>>)
    %add3A_52 = arith.constant 9984 : i32
    %add3A_53 = arith.addi %mul3A_2, %add3A_52 : i32
    %dma_wait3A = tpu.memref_slice %arg5[%add3A_53] : memref<320000xi32, #tpu.memory_space<hbm>> -> memref<16xi32, #tpu.memory_space<hbm>>
    %dma_wait3A_54 = tpu.memref_slice %arg5[%add3A_53] : memref<320000xi32, #tpu.memory_space<hbm>> -> memref<16xi32, #tpu.memory_space<hbm>>
    tpu.wait_dma2 semaphore(%arg19 : memref<!tpu.dma_semaphore, #tpu.memory_space<semaphore_mem>>) src(%dma_wait3A_54 : memref<16xi32, #tpu.memory_space<hbm>>) dst(%arg15 : memref<16xi32, #tpu.memory_space<vmem>>)
    %dma_wait3A_55 = arith.constant 9984 : i32
    %dma_wait3A_56 = tpu.memref_slice %arg8[%dma_wait3A_55] : memref<10000xi32, #tpu.memory_space<vmem>> -> memref<16xi32, #tpu.memory_space<vmem>>
    %dma_wait3A_57 = arith.constant 0 : i32
    %dma_wait3A_58 = arith.constant 0 : i32
    %dma_wait3A_59 = tpu.memref_slice %arg2[%dma_wait3A_57, %dma_wait3A_58] : memref<10000x128xf32, #tpu.memory_space<hbm>> -> memref<10000x128xf32, #tpu.memory_space<hbm>>
    tpu.wait_indirect_dma semaphore(%arg19 : memref<!tpu.dma_semaphore, #tpu.memory_space<semaphore_mem>>) src(%dma_wait3A_59 : memref<10000x128xf32, #tpu.memory_space<hbm>>) dst(%arg16 : memref<16x128xf32, #tpu.memory_space<vmem>>)
    %dma_wait3A_60 = arith.constant 0 : i32
    %dma_wait3A_61 = tpu.memref_slice %arg3[%add3A_53, %dma_wait3A_60] : memref<320000x128xf32, #tpu.memory_space<hbm>> -> memref<16x128xf32, #tpu.memory_space<hbm>>
    %dma_wait3A_62 = arith.constant 0 : i32
    %dma_wait3A_63 = tpu.memref_slice %arg3[%add3A_53, %dma_wait3A_62] : memref<320000x128xf32, #tpu.memory_space<hbm>> -> memref<16x128xf32, #tpu.memory_space<hbm>>
    tpu.wait_dma2 semaphore(%arg19 : memref<!tpu.dma_semaphore, #tpu.memory_space<semaphore_mem>>) src(%dma_wait3A_63 : memref<16x128xf32, #tpu.memory_space<hbm>>) dst(%arg17 : memref<16x128xf32, #tpu.memory_space<vmem>>)
    %scan3A_64 = arith.constant 0 : i32
    %scan3A_65 = arith.constant 0 : i32
    %scan3A_66 = arith.constant 16 : i32
    %scan3A_67 = arith.addi %scan3A_65, %scan3A_66 : i32
    %scan3A_68 = arith.constant 1 : i32
    scf.for %scan3A_81 = %scan3A_65 to %scan3A_67 step %scan3A_68  : i32 {
      %get3A = arith.index_cast %scan3A_81 : i32 to index
      %get3A_82 = arith.constant 0 : index
      %get3A_83 = tpu.vector_load %arg16[%get3A, %get3A_82] {strides = array<i32>} : memref<16x128xf32, #tpu.memory_space<vmem>>, vector<1x16xf32>,
      %get3A_84 = vector.shape_cast %get3A_83 : vector<1x16xf32> to vector<16xf32>
      %swap3A = arith.index_cast %scan3A_81 : i32 to index
      %swap3A_85 = arith.constant 0 : index
      %swap3A_86 = tpu.vector_load %arg17[%swap3A, %swap3A_85] {strides = array<i32>} : memref<16x128xf32, #tpu.memory_space<vmem>>, vector<1x16xf32>,
      %swap3A_87 = vector.shape_cast %swap3A_86 : vector<1x16xf32> to vector<16xf32>
      %swap3A_88 = vector.shape_cast %get3A_84 : vector<16xf32> to vector<1x16xf32>
      tpu.vector_store %arg17[%swap3A, %swap3A_85], %swap3A_88 {add = true, strides = array<i32>} : memref<16x128xf32, #tpu.memory_space<vmem>>, vector<1x16xf32>,
      %get3A_89 = arith.index_cast %scan3A_81 : i32 to index
      %get3A_90 = arith.constant 16 : index
      %get3A_91 = tpu.vector_load %arg16[%get3A_89, %get3A_90] {strides = array<i32>} : memref<16x128xf32, #tpu.memory_space<vmem>>, vector<1x16xf32>,
      %get3A_92 = vector.shape_cast %get3A_91 : vector<1x16xf32> to vector<16xf32>
      %swap3A_93 = arith.index_cast %scan3A_81 : i32 to index
      %swap3A_94 = arith.constant 16 : index
      %swap3A_95 = tpu.vector_load %arg17[%swap3A_93, %swap3A_94] {strides = array<i32>} : memref<16x128xf32, #tpu.memory_space<vmem>>, vector<1x16xf32>,
      %swap3A_96 = vector.shape_cast %swap3A_95 : vector<1x16xf32> to vector<16xf32>
      %swap3A_97 = vector.shape_cast %get3A_92 : vector<16xf32> to vector<1x16xf32>
      tpu.vector_store %arg17[%swap3A_93, %swap3A_94], %swap3A_97 {add = true, strides = array<i32>} : memref<16x128xf32, #tpu.memory_space<vmem>>, vector<1x16xf32>,
      %get3A_98 = arith.index_cast %scan3A_81 : i32 to index
      %get3A_99 = arith.constant 32 : index
      %get3A_100 = tpu.vector_load %arg16[%get3A_98, %get3A_99] {strides = array<i32>} : memref<16x128xf32, #tpu.memory_space<vmem>>, vector<1x16xf32>,
      %get3A_101 = vector.shape_cast %get3A_100 : vector<1x16xf32> to vector<16xf32>
      %swap3A_102 = arith.index_cast %scan3A_81 : i32 to index
      %swap3A_103 = arith.constant 32 : index
      %swap3A_104 = tpu.vector_load %arg17[%swap3A_102, %swap3A_103] {strides = array<i32>} : memref<16x128xf32, #tpu.memory_space<vmem>>, vector<1x16xf32>,
      %swap3A_105 = vector.shape_cast %swap3A_104 : vector<1x16xf32> to vector<16xf32>
      %swap3A_106 = vector.shape_cast %get3A_101 : vector<16xf32> to vector<1x16xf32>
      tpu.vector_store %arg17[%swap3A_102, %swap3A_103], %swap3A_106 {add = true, strides = array<i32>} : memref<16x128xf32, #tpu.memory_space<vmem>>, vector<1x16xf32>,
      %get3A_107 = arith.index_cast %scan3A_81 : i32 to index
      %get3A_108 = arith.constant 48 : index
      %get3A_109 = tpu.vector_load %arg16[%get3A_107, %get3A_108] {strides = array<i32>} : memref<16x128xf32, #tpu.memory_space<vmem>>, vector<1x16xf32>,
      %get3A_110 = vector.shape_cast %get3A_109 : vector<1x16xf32> to vector<16xf32>
      %swap3A_111 = arith.index_cast %scan3A_81 : i32 to index
      %swap3A_112 = arith.constant 48 : index
      %swap3A_113 = tpu.vector_load %arg17[%swap3A_111, %swap3A_112] {strides = array<i32>} : memref<16x128xf32, #tpu.memory_space<vmem>>, vector<1x16xf32>,
      %swap3A_114 = vector.shape_cast %swap3A_113 : vector<1x16xf32> to vector<16xf32>
      %swap3A_115 = vector.shape_cast %get3A_110 : vector<16xf32> to vector<1x16xf32>
      tpu.vector_store %arg17[%swap3A_111, %swap3A_112], %swap3A_115 {add = true, strides = array<i32>} : memref<16x128xf32, #tpu.memory_space<vmem>>, vector<1x16xf32>,
      %get3A_116 = arith.index_cast %scan3A_81 : i32 to index
      %get3A_117 = arith.constant 64 : index
      %get3A_118 = tpu.vector_load %arg16[%get3A_116, %get3A_117] {strides = array<i32>} : memref<16x128xf32, #tpu.memory_space<vmem>>, vector<1x16xf32>,
      %get3A_119 = vector.shape_cast %get3A_118 : vector<1x16xf32> to vector<16xf32>
      %swap3A_120 = arith.index_cast %scan3A_81 : i32 to index
      %swap3A_121 = arith.constant 64 : index
      %swap3A_122 = tpu.vector_load %arg17[%swap3A_120, %swap3A_121] {strides = array<i32>} : memref<16x128xf32, #tpu.memory_space<vmem>>, vector<1x16xf32>,
      %swap3A_123 = vector.shape_cast %swap3A_122 : vector<1x16xf32> to vector<16xf32>
      %swap3A_124 = vector.shape_cast %get3A_119 : vector<16xf32> to vector<1x16xf32>
      tpu.vector_store %arg17[%swap3A_120, %swap3A_121], %swap3A_124 {add = true, strides = array<i32>} : memref<16x128xf32, #tpu.memory_space<vmem>>, vector<1x16xf32>,
      %get3A_125 = arith.index_cast %scan3A_81 : i32 to index
      %get3A_126 = arith.constant 80 : index
      %get3A_127 = tpu.vector_load %arg16[%get3A_125, %get3A_126] {strides = array<i32>} : memref<16x128xf32, #tpu.memory_space<vmem>>, vector<1x16xf32>,
      %get3A_128 = vector.shape_cast %get3A_127 : vector<1x16xf32> to vector<16xf32>
      %swap3A_129 = arith.index_cast %scan3A_81 : i32 to index
      %swap3A_130 = arith.constant 80 : index
      %swap3A_131 = tpu.vector_load %arg17[%swap3A_129, %swap3A_130] {strides = array<i32>} : memref<16x128xf32, #tpu.memory_space<vmem>>, vector<1x16xf32>,
      %swap3A_132 = vector.shape_cast %swap3A_131 : vector<1x16xf32> to vector<16xf32>
      %swap3A_133 = vector.shape_cast %get3A_128 : vector<16xf32> to vector<1x16xf32>
      tpu.vector_store %arg17[%swap3A_129, %swap3A_130], %swap3A_133 {add = true, strides = array<i32>} : memref<16x128xf32, #tpu.memory_space<vmem>>, vector<1x16xf32>,
      %get3A_134 = arith.index_cast %scan3A_81 : i32 to index
      %get3A_135 = arith.constant 96 : index
      %get3A_136 = tpu.vector_load %arg16[%get3A_134, %get3A_135] {strides = array<i32>} : memref<16x128xf32, #tpu.memory_space<vmem>>, vector<1x16xf32>,
      %get3A_137 = vector.shape_cast %get3A_136 : vector<1x16xf32> to vector<16xf32>
      %swap3A_138 = arith.index_cast %scan3A_81 : i32 to index
      %swap3A_139 = arith.constant 96 : index
      %swap3A_140 = tpu.vector_load %arg17[%swap3A_138, %swap3A_139] {strides = array<i32>} : memref<16x128xf32, #tpu.memory_space<vmem>>, vector<1x16xf32>,
      %swap3A_141 = vector.shape_cast %swap3A_140 : vector<1x16xf32> to vector<16xf32>
      %swap3A_142 = vector.shape_cast %get3A_137 : vector<16xf32> to vector<1x16xf32>
      tpu.vector_store %arg17[%swap3A_138, %swap3A_139], %swap3A_142 {add = true, strides = array<i32>} : memref<16x128xf32, #tpu.memory_space<vmem>>, vector<1x16xf32>,
      %get3A_143 = arith.index_cast %scan3A_81 : i32 to index
      %get3A_144 = arith.constant 112 : index
      %get3A_145 = tpu.vector_load %arg16[%get3A_143, %get3A_144] {strides = array<i32>} : memref<16x128xf32, #tpu.memory_space<vmem>>, vector<1x16xf32>,
      %get3A_146 = vector.shape_cast %get3A_145 : vector<1x16xf32> to vector<16xf32>
      %swap3A_147 = arith.index_cast %scan3A_81 : i32 to index
      %swap3A_148 = arith.constant 112 : index
      %swap3A_149 = tpu.vector_load %arg17[%swap3A_147, %swap3A_148] {strides = array<i32>} : memref<16x128xf32, #tpu.memory_space<vmem>>, vector<1x16xf32>,
      %swap3A_150 = vector.shape_cast %swap3A_149 : vector<1x16xf32> to vector<16xf32>
      %swap3A_151 = vector.shape_cast %get3A_146 : vector<16xf32> to vector<1x16xf32>
      tpu.vector_store %arg17[%swap3A_147, %swap3A_148], %swap3A_151 {add = true, strides = array<i32>} : memref<16x128xf32, #tpu.memory_space<vmem>>, vector<1x16xf32>,
    }
    %scan3A_69 = arith.constant 16 : i32
    "tpu.region"() ({
      %run_scoped3A = tpu.sem_alloc : memref<!tpu.dma_semaphore, #tpu.memory_space<semaphore_mem>>
      %dma_start3A_81 = arith.constant 0 : i32
      %dma_start3A_82 = arith.constant 0 : i32
      %dma_start3A_83 = tpu.memref_slice %arg18[%dma_start3A_81, %dma_start3A_82] : memref<10000x128xf32, #tpu.memory_space<vmem_shared>> -> memref<10000x128xf32, #tpu.memory_space<vmem_shared>>
      tpu.enqueue_indirect_dma source(%arg17 : memref<16x128xf32, #tpu.memory_space<vmem>>) target(%dma_start3A_83 : memref<10000x128xf32, #tpu.memory_space<vmem_shared>>) offsets(%arg15 : memref<16xi32, #tpu.memory_space<vmem>>) semaphore(%run_scoped3A : memref<!tpu.dma_semaphore, #tpu.memory_space<semaphore_mem>>) {add = true}
      %dma_wait3A_84 = arith.constant 0 : i32
      %dma_wait3A_85 = arith.constant 0 : i32
      %dma_wait3A_86 = tpu.memref_slice %arg18[%dma_wait3A_84, %dma_wait3A_85] : memref<10000x128xf32, #tpu.memory_space<vmem_shared>> -> memref<10000x128xf32, #tpu.memory_space<vmem_shared>>
      tpu.wait_indirect_dma semaphore(%run_scoped3A : memref<!tpu.dma_semaphore, #tpu.memory_space<semaphore_mem>>) src(%arg17 : memref<16x128xf32, #tpu.memory_space<vmem>>) dst(%dma_wait3A_86 : memref<10000x128xf32, #tpu.memory_space<vmem_shared>>)
      tpu.yield
    }) : () -> ()
    %barrier3A_70 = arith.constant 0 : index
    tpu.barrier barrier_id(%barrier3A_70)
    %lt3A_71 = arith.constant 15 : i32
    %lt3A_72 = arith.cmpi slt, %arg1, %lt3A_71 : i32
    %convert_element_type3A_73 = arith.extui %lt3A_72 : i1 to i32
    %cond3A_74 = arith.constant 0 : i32
    %cond3A_75 = arith.cmpi ne, %convert_element_type3A_73, %cond3A_74 : i32
    scf.if %cond3A_75 {
      %mul3A_81 = arith.constant 632 : i32
      %mul3A_82 = arith.muli %arg1, %mul3A_81 : i32
      %mul3A_83 = arith.constant 10000 : i32
      %mul3A_84 = arith.muli %arg0, %mul3A_83 : i32
      %mul3A_85 = arith.constant 632 : i32
      %mul3A_86 = arith.muli %arg1, %mul3A_85 : i32
      %add3A_87 = arith.addi %mul3A_84, %mul3A_86 : i32
      "tpu.region"() ({
        %run_scoped3A = tpu.sem_alloc : memref<!tpu.dma_semaphore, #tpu.memory_space<semaphore_mem>>
        %dma_start3A_88 = arith.constant 0 : i32
        %dma_start3A_89 = tpu.memref_slice %arg7[%add3A_87, %dma_start3A_88] : memref<20000x128xf32, #tpu.memory_space<hbm>> -> memref<632x128xf32, #tpu.memory_space<hbm>>
        %dma_start3A_90 = arith.constant 0 : i32
        %dma_start3A_91 = tpu.memref_slice %arg18[%mul3A_82, %dma_start3A_90] : memref<10000x128xf32, #tpu.memory_space<vmem_shared>> -> memref<632x128xf32, #tpu.memory_space<vmem_shared>>
        tpu.enqueue_dma source(%dma_start3A_91 : memref<632x128xf32, #tpu.memory_space<vmem_shared>>) target(%dma_start3A_89 : memref<632x128xf32, #tpu.memory_space<hbm>>) target_semaphore(%run_scoped3A : memref<!tpu.dma_semaphore, #tpu.memory_space<semaphore_mem>>)
        %dma_wait3A_92 = arith.constant 0 : i32
        %dma_wait3A_93 = tpu.memref_slice %arg7[%add3A_87, %dma_wait3A_92] : memref<20000x128xf32, #tpu.memory_space<hbm>> -> memref<632x128xf32, #tpu.memory_space<hbm>>
        %dma_wait3A_94 = arith.constant 0 : i32
        %dma_wait3A_95 = tpu.memref_slice %arg18[%mul3A_82, %dma_wait3A_94] : memref<10000x128xf32, #tpu.memory_space<vmem_shared>> -> memref<632x128xf32, #tpu.memory_space<vmem_shared>>
        tpu.wait_dma2 semaphore(%run_scoped3A : memref<!tpu.dma_semaphore, #tpu.memory_space<semaphore_mem>>) src(%dma_wait3A_95 : memref<632x128xf32, #tpu.memory_space<vmem_shared>>) dst(%dma_wait3A_93 : memref<632x128xf32, #tpu.memory_space<hbm>>)
        tpu.yield
      }) : () -> ()
    } else {
    }
    %eq3A_76 = arith.constant 15 : i32
    %eq3A_77 = arith.cmpi eq, %arg1, %eq3A_76 : i32
    %convert_element_type3A_78 = arith.extui %eq3A_77 : i1 to i32
    %cond3A_79 = arith.constant 0 : i32
    %cond3A_80 = arith.cmpi ne, %convert_element_type3A_78, %cond3A_79 : i32
    scf.if %cond3A_80 {
      %mul3A_81 = arith.constant 632 : i32
      %mul3A_82 = arith.muli %arg1, %mul3A_81 : i32
      %mul3A_83 = arith.constant 10000 : i32
      %mul3A_84 = arith.muli %arg0, %mul3A_83 : i32
      %mul3A_85 = arith.constant 632 : i32
      %mul3A_86 = arith.muli %arg1, %mul3A_85 : i32
      %add3A_87 = arith.addi %mul3A_84, %mul3A_86 : i32
      "tpu.region"() ({
        %run_scoped3A = tpu.sem_alloc : memref<!tpu.dma_semaphore, #tpu.memory_space<semaphore_mem>>
        %dma_start3A_88 = arith.constant 0 : i32
        %dma_start3A_89 = tpu.memref_slice %arg7[%add3A_87, %dma_start3A_88] : memref<20000x128xf32, #tpu.memory_space<hbm>> -> memref<520x128xf32, #tpu.memory_space<hbm>>
        %dma_start3A_90 = arith.constant 0 : i32
        %dma_start3A_91 = tpu.memref_slice %arg18[%mul3A_82, %dma_start3A_90] : memref<10000x128xf32, #tpu.memory_space<vmem_shared>> -> memref<520x128xf32, #tpu.memory_space<vmem_shared>>
        tpu.enqueue_dma source(%dma_start3A_91 : memref<520x128xf32, #tpu.memory_space<vmem_shared>>) target(%dma_start3A_89 : memref<520x128xf32, #tpu.memory_space<hbm>>) target_semaphore(%run_scoped3A : memref<!tpu.dma_semaphore, #tpu.memory_space<semaphore_mem>>)
        %dma_wait3A_92 = arith.constant 0 : i32
        %dma_wait3A_93 = tpu.memref_slice %arg7[%add3A_87, %dma_wait3A_92] : memref<20000x128xf32, #tpu.memory_space<hbm>> -> memref<520x128xf32, #tpu.memory_space<hbm>>
        %dma_wait3A_94 = arith.constant 0 : i32
        %dma_wait3A_95 = tpu.memref_slice %arg18[%mul3A_82, %dma_wait3A_94] : memref<10000x128xf32, #tpu.memory_space<vmem_shared>> -> memref<520x128xf32, #tpu.memory_space<vmem_shared>>
        tpu.wait_dma2 semaphore(%run_scoped3A : memref<!tpu.dma_semaphore, #tpu.memory_space<semaphore_mem>>) src(%dma_wait3A_95 : memref<520x128xf32, #tpu.memory_space<vmem_shared>>) dst(%dma_wait3A_93 : memref<520x128xf32, #tpu.memory_space<hbm>>)
        tpu.yield
      }) : () -> ()
    } else {
    }
    return
  }
}

#map = affine_map<(d0, d1) -> (0, 0)>
#map1 = affine_map<(d0, d1) -> (0)>
module attributes {stable_mosaic.version = 14 : i64} {
  func.func @k(%arg0: i32, %arg1: i32, %arg2: memref<5000x128xf32, #tpu.memory_space<hbm>>, %arg3: memref<10000xi32, #tpu.memory_space<hbm>>, %arg4: memref<10000x128xf32, #tpu.memory_space<hbm>>, %arg5: memref<80xi32, #tpu.memory_space<vmem>>, %arg6: memref<80x128xf32, #tpu.memory_space<vmem>>, %arg7: memref<!tpu.dma_semaphore, #tpu.memory_space<semaphore_mem>>) attributes {dimension_semantics = [#tpu.dimension_semantics<core_parallel>, #tpu.dimension_semantics<subcore_parallel>], iteration_bounds = array<i64: 2, 16>, scalar_prefetch = 0 : i64, scratch_operands = 3 : i64, tpu.core_type = #tpu.core_type<sc_vector_subcore>, window_params = [{transform_indices = #map}, {transform_indices = #map1}, {transform_indices = #map}]} {
    %mul3A = arith.constant 2 : i32
    %mul3A_0 = arith.muli %arg1, %mul3A : i32
    %add3A = arith.addi %mul3A_0, %arg0 : i32
    %scan3A = arith.constant 0 : i32
    %scan3A_1 = arith.constant 0 : i32
    %scan3A_2 = arith.constant 4 : i32
    %scan3A_3 = arith.addi %scan3A_1, %scan3A_2 : i32
    %scan3A_4 = arith.constant 1 : i32
    scf.for %scan3A_6 = %scan3A_1 to %scan3A_3 step %scan3A_4  : i32 {
      %mul3A_7 = arith.constant 32 : i32
      %mul3A_8 = arith.muli %scan3A_6, %mul3A_7 : i32
      %add3A_9 = arith.addi %add3A, %mul3A_8 : i32
      %lt3A = arith.constant 125 : i32
      %lt3A_10 = arith.cmpi slt, %add3A_9, %lt3A : i32
      %convert_element_type3A = arith.extui %lt3A_10 : i1 to i32
      %cond3A = arith.constant 0 : i32
      %cond3A_11 = arith.cmpi ne, %convert_element_type3A, %cond3A : i32
      scf.if %cond3A_11 {
        %mul3A_12 = arith.constant 80 : i32
        %mul3A_13 = arith.muli %add3A_9, %mul3A_12 : i32
        "tpu.region"() ({
          %run_scoped3A = tpu.sem_alloc : memref<!tpu.dma_semaphore, #tpu.memory_space<semaphore_mem>>
          %dma_start3A_18 = tpu.memref_slice %arg3[%mul3A_13] : memref<10000xi32, #tpu.memory_space<hbm>> -> memref<80xi32, #tpu.memory_space<hbm>>
          %dma_start3A_19 = tpu.memref_slice %arg3[%mul3A_13] : memref<10000xi32, #tpu.memory_space<hbm>> -> memref<80xi32, #tpu.memory_space<hbm>>
          tpu.enqueue_dma source(%dma_start3A_19 : memref<80xi32, #tpu.memory_space<hbm>>) target(%arg5 : memref<80xi32, #tpu.memory_space<vmem>>) target_semaphore(%run_scoped3A : memref<!tpu.dma_semaphore, #tpu.memory_space<semaphore_mem>>)
          %dma_wait3A_20 = tpu.memref_slice %arg3[%mul3A_13] : memref<10000xi32, #tpu.memory_space<hbm>> -> memref<80xi32, #tpu.memory_space<hbm>>
          %dma_wait3A_21 = tpu.memref_slice %arg3[%mul3A_13] : memref<10000xi32, #tpu.memory_space<hbm>> -> memref<80xi32, #tpu.memory_space<hbm>>
          tpu.wait_dma2 semaphore(%run_scoped3A : memref<!tpu.dma_semaphore, #tpu.memory_space<semaphore_mem>>) src(%dma_wait3A_21 : memref<80xi32, #tpu.memory_space<hbm>>) dst(%arg5 : memref<80xi32, #tpu.memory_space<vmem>>)
          tpu.yield
        }) : () -> ()
        %dma_start3A = arith.constant 0 : i32
        %dma_start3A_14 = arith.constant 0 : i32
        %dma_start3A_15 = tpu.memref_slice %arg2[%dma_start3A, %dma_start3A_14] : memref<5000x128xf32, #tpu.memory_space<hbm>> -> memref<5000x128xf32, #tpu.memory_space<hbm>>
        tpu.enqueue_indirect_dma source(%dma_start3A_15 : memref<5000x128xf32, #tpu.memory_space<hbm>>) target(%arg6 : memref<80x128xf32, #tpu.memory_space<vmem>>) offsets(%arg5 : memref<80xi32, #tpu.memory_space<vmem>>) semaphore(%arg7 : memref<!tpu.dma_semaphore, #tpu.memory_space<semaphore_mem>>)
        %dma_wait3A = arith.constant 0 : i32
        %dma_wait3A_16 = arith.constant 0 : i32
        %dma_wait3A_17 = tpu.memref_slice %arg2[%dma_wait3A, %dma_wait3A_16] : memref<5000x128xf32, #tpu.memory_space<hbm>> -> memref<5000x128xf32, #tpu.memory_space<hbm>>
        tpu.wait_indirect_dma semaphore(%arg7 : memref<!tpu.dma_semaphore, #tpu.memory_space<semaphore_mem>>) src(%dma_wait3A_17 : memref<5000x128xf32, #tpu.memory_space<hbm>>) dst(%arg6 : memref<80x128xf32, #tpu.memory_space<vmem>>)
        "tpu.region"() ({
          %run_scoped3A = tpu.sem_alloc : memref<!tpu.dma_semaphore, #tpu.memory_space<semaphore_mem>>
          %dma_start3A_18 = arith.constant 0 : i32
          %dma_start3A_19 = tpu.memref_slice %arg4[%mul3A_13, %dma_start3A_18] : memref<10000x128xf32, #tpu.memory_space<hbm>> -> memref<80x128xf32, #tpu.memory_space<hbm>>
          %dma_start3A_20 = arith.constant 0 : i32
          %dma_start3A_21 = tpu.memref_slice %arg4[%mul3A_13, %dma_start3A_20] : memref<10000x128xf32, #tpu.memory_space<hbm>> -> memref<80x128xf32, #tpu.memory_space<hbm>>
          tpu.enqueue_dma source(%arg6 : memref<80x128xf32, #tpu.memory_space<vmem>>) target(%dma_start3A_21 : memref<80x128xf32, #tpu.memory_space<hbm>>) target_semaphore(%run_scoped3A : memref<!tpu.dma_semaphore, #tpu.memory_space<semaphore_mem>>)
          %dma_wait3A_22 = arith.constant 0 : i32
          %dma_wait3A_23 = tpu.memref_slice %arg4[%mul3A_13, %dma_wait3A_22] : memref<10000x128xf32, #tpu.memory_space<hbm>> -> memref<80x128xf32, #tpu.memory_space<hbm>>
          %dma_wait3A_24 = arith.constant 0 : i32
          %dma_wait3A_25 = tpu.memref_slice %arg4[%mul3A_13, %dma_wait3A_24] : memref<10000x128xf32, #tpu.memory_space<hbm>> -> memref<80x128xf32, #tpu.memory_space<hbm>>
          tpu.wait_dma2 semaphore(%run_scoped3A : memref<!tpu.dma_semaphore, #tpu.memory_space<semaphore_mem>>) src(%arg6 : memref<80x128xf32, #tpu.memory_space<vmem>>) dst(%dma_wait3A_25 : memref<80x128xf32, #tpu.memory_space<hbm>>)
          tpu.yield
        }) : () -> ()
      } else {
      }
    }
    %scan3A_5 = arith.constant 4 : i32
    return
  }
}

#map = affine_map<(d0, d1) -> (0, 0)>
#map1 = affine_map<(d0, d1) -> (0)>
module attributes {stable_mosaic.version = 14 : i64} {
  func.func @k(%arg0: i32, %arg1: i32, %arg2: memref<10000x128xf32, #tpu.memory_space<hbm>>, %arg3: memref<320000x128xf32, #tpu.memory_space<hbm>>, %arg4: memref<320000xi32, #tpu.memory_space<hbm>>, %arg5: memref<320000xi32, #tpu.memory_space<hbm>>, %arg6: memref<632x128xf32, #tpu.memory_space<hbm>>, %arg7: memref<20000x128xf32, #tpu.memory_space<hbm>>, %arg8: memref<10000xi32, #tpu.memory_space<vmem>>, %arg9: memref<64xi32, #tpu.memory_space<vmem>>, %arg10: memref<64xi32, #tpu.memory_space<vmem>>, %arg11: memref<64x128xf32, #tpu.memory_space<vmem>>, %arg12: memref<64x128xf32, #tpu.memory_space<vmem>>, %arg13: memref<64x128xf32, #tpu.memory_space<vmem>>, %arg14: memref<64x128xf32, #tpu.memory_space<vmem>>, %arg15: memref<16xi32, #tpu.memory_space<vmem>>, %arg16: memref<16x128xf32, #tpu.memory_space<vmem>>, %arg17: memref<16x128xf32, #tpu.memory_space<vmem>>, %arg18: memref<10000x128xf32, #tpu.memory_space<vmem_shared>>, %arg19: memref<!tpu.dma_semaphore, #tpu.memory_space<semaphore_mem>>, %arg20: memref<!tpu.dma_semaphore, #tpu.memory_space<semaphore_mem>>) attributes {dimension_semantics = [#tpu.dimension_semantics<core_parallel>, #tpu.dimension_semantics<subcore_parallel>], iteration_bounds = array<i64: 2, 16>, scalar_prefetch = 0 : i64, scratch_operands = 13 : i64, tpu.core_type = #tpu.core_type<sc_vector_subcore>, window_params = [{transform_indices = #map}, {transform_indices = #map}, {transform_indices = #map1}, {transform_indices = #map1}, {transform_indices = #map}, {transform_indices = #map}]} {
    %mul3A = arith.constant 2 : i32
    %mul3A_0 = arith.muli %arg1, %mul3A : i32
    %add3A = arith.addi %mul3A_0, %arg0 : i32
    %mul3A_1 = arith.constant 10000 : i32
    %mul3A_2 = arith.muli %add3A, %mul3A_1 : i32
    %lt3A = arith.constant 15 : i32
    %lt3A_3 = arith.cmpi slt, %arg1, %lt3A : i32
    %convert_element_type3A = arith.extui %lt3A_3 : i1 to i32
    %cond3A = arith.constant 0 : i32
    %cond3A_4 = arith.cmpi ne, %convert_element_type3A, %cond3A : i32
    scf.if %cond3A_4 {
      %mul3A_81 = arith.constant 632 : i32
      %mul3A_82 = arith.muli %arg1, %mul3A_81 : i32
      "tpu.region"() ({
        %run_scoped3A = tpu.sem_alloc : memref<!tpu.dma_semaphore, #tpu.memory_space<semaphore_mem>>
        %dma_start3A_83 = arith.constant 0 : i32
        %dma_start3A_84 = tpu.memref_slice %arg18[%mul3A_82, %dma_start3A_83] : memref<10000x128xf32, #tpu.memory_space<vmem_shared>> -> memref<632x128xf32, #tpu.memory_space<vmem_shared>>
        tpu.enqueue_dma source(%arg6 : memref<632x128xf32, #tpu.memory_space<hbm>>) target(%dma_start3A_84 : memref<632x128xf32, #tpu.memory_space<vmem_shared>>) target_semaphore(%run_scoped3A : memref<!tpu.dma_semaphore, #tpu.memory_space<semaphore_mem>>)
        %dma_wait3A_85 = arith.constant 0 : i32
        %dma_wait3A_86 = tpu.memref_slice %arg18[%mul3A_82, %dma_wait3A_85] : memref<10000x128xf32, #tpu.memory_space<vmem_shared>> -> memref<632x128xf32, #tpu.memory_space<vmem_shared>>
        tpu.wait_dma2 semaphore(%run_scoped3A : memref<!tpu.dma_semaphore, #tpu.memory_space<semaphore_mem>>) src(%arg6 : memref<632x128xf32, #tpu.memory_space<hbm>>) dst(%dma_wait3A_86 : memref<632x128xf32, #tpu.memory_space<vmem_shared>>)
        tpu.yield
      }) : () -> ()
    } else {
    }
    %eq3A = arith.constant 15 : i32
    %eq3A_5 = arith.cmpi eq, %arg1, %eq3A : i32
    %convert_element_type3A_6 = arith.extui %eq3A_5 : i1 to i32
    %cond3A_7 = arith.constant 0 : i32
    %cond3A_8 = arith.cmpi ne, %convert_element_type3A_6, %cond3A_7 : i32
    scf.if %cond3A_8 {
      %mul3A_81 = arith.constant 632 : i32
      %mul3A_82 = arith.muli %arg1, %mul3A_81 : i32
      "tpu.region"() ({
        %run_scoped3A = tpu.sem_alloc : memref<!tpu.dma_semaphore, #tpu.memory_space<semaphore_mem>>
        %dma_start3A_83 = arith.constant 0 : i32
        %dma_start3A_84 = tpu.memref_slice %arg18[%mul3A_82, %dma_start3A_83] : memref<10000x128xf32, #tpu.memory_space<vmem_shared>> -> memref<520x128xf32, #tpu.memory_space<vmem_shared>>
        %dma_start3A_85 = arith.constant 0 : i32
        %dma_start3A_86 = arith.constant 0 : i32
        %dma_start3A_87 = tpu.memref_slice %arg6[%dma_start3A_85, %dma_start3A_86] : memref<632x128xf32, #tpu.memory_space<hbm>> -> memref<520x128xf32, #tpu.memory_space<hbm>>
        tpu.enqueue_dma source(%dma_start3A_87 : memref<520x128xf32, #tpu.memory_space<hbm>>) target(%dma_start3A_84 : memref<520x128xf32, #tpu.memory_space<vmem_shared>>) target_semaphore(%run_scoped3A : memref<!tpu.dma_semaphore, #tpu.memory_space<semaphore_mem>>)
        %dma_wait3A_88 = arith.constant 0 : i32
        %dma_wait3A_89 = tpu.memref_slice %arg18[%mul3A_82, %dma_wait3A_88] : memref<10000x128xf32, #tpu.memory_space<vmem_shared>> -> memref<520x128xf32, #tpu.memory_space<vmem_shared>>
        %dma_wait3A_90 = arith.constant 0 : i32
        %dma_wait3A_91 = arith.constant 0 : i32
        %dma_wait3A_92 = tpu.memref_slice %arg6[%dma_wait3A_90, %dma_wait3A_91] : memref<632x128xf32, #tpu.memory_space<hbm>> -> memref<520x128xf32, #tpu.memory_space<hbm>>
        tpu.wait_dma2 semaphore(%run_scoped3A : memref<!tpu.dma_semaphore, #tpu.memory_space<semaphore_mem>>) src(%dma_wait3A_92 : memref<520x128xf32, #tpu.memory_space<hbm>>) dst(%dma_wait3A_89 : memref<520x128xf32, #tpu.memory_space<vmem_shared>>)
        tpu.yield
      }) : () -> ()
    } else {
    }
    "tpu.region"() ({
      %run_scoped3A = tpu.sem_alloc : memref<!tpu.dma_semaphore, #tpu.memory_space<semaphore_mem>>
      %dma_start3A_81 = tpu.memref_slice %arg4[%mul3A_2] : memref<320000xi32, #tpu.memory_space<hbm>> -> memref<10000xi32, #tpu.memory_space<hbm>>
      %dma_start3A_82 = tpu.memref_slice %arg4[%mul3A_2] : memref<320000xi32, #tpu.memory_space<hbm>> -> memref<10000xi32, #tpu.memory_space<hbm>>
      tpu.enqueue_dma source(%dma_start3A_82 : memref<10000xi32, #tpu.memory_space<hbm>>) target(%arg8 : memref<10000xi32, #tpu.memory_space<vmem>>) target_semaphore(%run_scoped3A : memref<!tpu.dma_semaphore, #tpu.memory_space<semaphore_mem>>)
      %dma_wait3A_83 = tpu.memref_slice %arg4[%mul3A_2] : memref<320000xi32, #tpu.memory_space<hbm>> -> memref<10000xi32, #tpu.memory_space<hbm>>
      %dma_wait3A_84 = tpu.memref_slice %arg4[%mul3A_2] : memref<320000xi32, #tpu.memory_space<hbm>> -> memref<10000xi32, #tpu.memory_space<hbm>>
      tpu.wait_dma2 semaphore(%run_scoped3A : memref<!tpu.dma_semaphore, #tpu.memory_space<semaphore_mem>>) src(%dma_wait3A_84 : memref<10000xi32, #tpu.memory_space<hbm>>) dst(%arg8 : memref<10000xi32, #tpu.memory_space<vmem>>)
      tpu.yield
    }) : () -> ()
    %barrier3A = arith.constant 0 : index
    tpu.barrier barrier_id(%barrier3A)
    %add3A_9 = arith.constant 0 : i32
    %add3A_10 = arith.addi %mul3A_2, %add3A_9 : i32
    %dma_start3A = tpu.memref_slice %arg5[%add3A_10] : memref<320000xi32, #tpu.memory_space<hbm>> -> memref<64xi32, #tpu.memory_space<hbm>>
    %dma_start3A_11 = tpu.memref_slice %arg5[%add3A_10] : memref<320000xi32, #tpu.memory_space<hbm>> -> memref<64xi32, #tpu.memory_space<hbm>>
    tpu.enqueue_dma source(%dma_start3A_11 : memref<64xi32, #tpu.memory_space<hbm>>) target(%arg9 : memref<64xi32, #tpu.memory_space<vmem>>) target_semaphore(%arg19 : memref<!tpu.dma_semaphore, #tpu.memory_space<semaphore_mem>>)
    %dma_start3A_12 = arith.constant 0 : i32
    %dma_start3A_13 = tpu.memref_slice %arg8[%dma_start3A_12] : memref<10000xi32, #tpu.memory_space<vmem>> -> memref<64xi32, #tpu.memory_space<vmem>>
    %dma_start3A_14 = arith.constant 0 : i32
    %dma_start3A_15 = arith.constant 0 : i32
    %dma_start3A_16 = tpu.memref_slice %arg2[%dma_start3A_14, %dma_start3A_15] : memref<10000x128xf32, #tpu.memory_space<hbm>> -> memref<10000x128xf32, #tpu.memory_space<hbm>>
    tpu.enqueue_indirect_dma source(%dma_start3A_16 : memref<10000x128xf32, #tpu.memory_space<hbm>>) target(%arg11 : memref<64x128xf32, #tpu.memory_space<vmem>>) offsets(%dma_start3A_13 : memref<64xi32, #tpu.memory_space<vmem>>) semaphore(%arg19 : memref<!tpu.dma_semaphore, #tpu.memory_space<semaphore_mem>>)
    %dma_start3A_17 = arith.constant 0 : i32
    %dma_start3A_18 = tpu.memref_slice %arg3[%add3A_10, %dma_start3A_17] : memref<320000x128xf32, #tpu.memory_space<hbm>> -> memref<64x128xf32, #tpu.memory_space<hbm>>
    %dma_start3A_19 = arith.constant 0 : i32
    %dma_start3A_20 = tpu.memref_slice %arg3[%add3A_10, %dma_start3A_19] : memref<320000x128xf32, #tpu.memory_space<hbm>> -> memref<64x128xf32, #tpu.memory_space<hbm>>
    tpu.enqueue_dma source(%dma_start3A_20 : memref<64x128xf32, #tpu.memory_space<hbm>>) target(%arg13 : memref<64x128xf32, #tpu.memory_space<vmem>>) target_semaphore(%arg19 : memref<!tpu.dma_semaphore, #tpu.memory_space<semaphore_mem>>)
    %add3A_21 = arith.constant 64 : i32
    %add3A_22 = arith.addi %mul3A_2, %add3A_21 : i32
    %dma_start3A_23 = tpu.memref_slice %arg5[%add3A_22] : memref<320000xi32, #tpu.memory_space<hbm>> -> memref<64xi32, #tpu.memory_space<hbm>>
    %dma_start3A_24 = tpu.memref_slice %arg5[%add3A_22] : memref<320000xi32, #tpu.memory_space<hbm>> -> memref<64xi32, #tpu.memory_space<hbm>>
    tpu.enqueue_dma source(%dma_start3A_24 : memref<64xi32, #tpu.memory_space<hbm>>) target(%arg10 : memref<64xi32, #tpu.memory_space<vmem>>) target_semaphore(%arg20 : memref<!tpu.dma_semaphore, #tpu.memory_space<semaphore_mem>>)
    %dma_start3A_25 = arith.constant 64 : i32
    %dma_start3A_26 = tpu.memref_slice %arg8[%dma_start3A_25] : memref<10000xi32, #tpu.memory_space<vmem>> -> memref<64xi32, #tpu.memory_space<vmem>>
    %dma_start3A_27 = arith.constant 0 : i32
    %dma_start3A_28 = arith.constant 0 : i32
    %dma_start3A_29 = tpu.memref_slice %arg2[%dma_start3A_27, %dma_start3A_28] : memref<10000x128xf32, #tpu.memory_space<hbm>> -> memref<10000x128xf32, #tpu.memory_space<hbm>>
    tpu.enqueue_indirect_dma source(%dma_start3A_29 : memref<10000x128xf32, #tpu.memory_space<hbm>>) target(%arg12 : memref<64x128xf32, #tpu.memory_space<vmem>>) offsets(%dma_start3A_26 : memref<64xi32, #tpu.memory_space<vmem>>) semaphore(%arg20 : memref<!tpu.dma_semaphore, #tpu.memory_space<semaphore_mem>>)
    %dma_start3A_30 = arith.constant 0 : i32
    %dma_start3A_31 = tpu.memref_slice %arg3[%add3A_22, %dma_start3A_30] : memref<320000x128xf32, #tpu.memory_space<hbm>> -> memref<64x128xf32, #tpu.memory_space<hbm>>
    %dma_start3A_32 = arith.constant 0 : i32
    %dma_start3A_33 = tpu.memref_slice %arg3[%add3A_22, %dma_start3A_32] : memref<320000x128xf32, #tpu.memory_space<hbm>> -> memref<64x128xf32, #tpu.memory_space<hbm>>
    tpu.enqueue_dma source(%dma_start3A_33 : memref<64x128xf32, #tpu.memory_space<hbm>>) target(%arg14 : memref<64x128xf32, #tpu.memory_space<vmem>>) target_semaphore(%arg20 : memref<!tpu.dma_semaphore, #tpu.memory_space<semaphore_mem>>)
    %scan3A = arith.constant 0 : i32
    %scan3A_34 = arith.constant 0 : i32
    %scan3A_35 = arith.constant 78 : i32
    %scan3A_36 = arith.addi %scan3A_34, %scan3A_35 : i32
    %scan3A_37 = arith.constant 1 : i32
    scf.for %scan3A_81 = %scan3A_34 to %scan3A_36 step %scan3A_37  : i32 {
      %mul3A_82 = arith.constant 2 : i32
      %mul3A_83 = arith.muli %scan3A_81, %mul3A_82 : i32
      %mul3A_84 = arith.constant 64 : i32
      %mul3A_85 = arith.muli %mul3A_83, %mul3A_84 : i32
      %add3A_86 = arith.addi %mul3A_2, %mul3A_85 : i32
      %dma_wait3A_87 = tpu.memref_slice %arg5[%add3A_86] : memref<320000xi32, #tpu.memory_space<hbm>> -> memref<64xi32, #tpu.memory_space<hbm>>
      %dma_wait3A_88 = tpu.memref_slice %arg5[%add3A_86] : memref<320000xi32, #tpu.memory_space<hbm>> -> memref<64xi32, #tpu.memory_space<hbm>>
      tpu.wait_dma2 semaphore(%arg19 : memref<!tpu.dma_semaphore, #tpu.memory_space<semaphore_mem>>) src(%dma_wait3A_88 : memref<64xi32, #tpu.memory_space<hbm>>) dst(%arg9 : memref<64xi32, #tpu.memory_space<vmem>>)
      %mul3A_89 = arith.constant 64 : i32
      %mul3A_90 = arith.muli %mul3A_83, %mul3A_89 : i32
      %dma_wait3A_91 = tpu.memref_slice %arg8[%mul3A_90] : memref<10000xi32, #tpu.memory_space<vmem>> -> memref<64xi32, #tpu.memory_space<vmem>>
      %dma_wait3A_92 = arith.constant 0 : i32
      %dma_wait3A_93 = arith.constant 0 : i32
      %dma_wait3A_94 = tpu.memref_slice %arg2[%dma_wait3A_92, %dma_wait3A_93] : memref<10000x128xf32, #tpu.memory_space<hbm>> -> memref<10000x128xf32, #tpu.memory_space<hbm>>
      tpu.wait_indirect_dma semaphore(%arg19 : memref<!tpu.dma_semaphore, #tpu.memory_space<semaphore_mem>>) src(%dma_wait3A_94 : memref<10000x128xf32, #tpu.memory_space<hbm>>) dst(%arg11 : memref<64x128xf32, #tpu.memory_space<vmem>>)
      %dma_wait3A_95 = arith.constant 0 : i32
      %dma_wait3A_96 = tpu.memref_slice %arg3[%add3A_86, %dma_wait3A_95] : memref<320000x128xf32, #tpu.memory_space<hbm>> -> memref<64x128xf32, #tpu.memory_space<hbm>>
      %dma_wait3A_97 = arith.constant 0 : i32
      %dma_wait3A_98 = tpu.memref_slice %arg3[%add3A_86, %dma_wait3A_97] : memref<320000x128xf32, #tpu.memory_space<hbm>> -> memref<64x128xf32, #tpu.memory_space<hbm>>
      tpu.wait_dma2 semaphore(%arg19 : memref<!tpu.dma_semaphore, #tpu.memory_space<semaphore_mem>>) src(%dma_wait3A_98 : memref<64x128xf32, #tpu.memory_space<hbm>>) dst(%arg13 : memref<64x128xf32, #tpu.memory_space<vmem>>)
      %scan3A_99 = arith.constant 0 : i32
      %scan3A_100 = arith.constant 0 : i32
      %scan3A_101 = arith.constant 64 : i32
      %scan3A_102 = arith.addi %scan3A_100, %scan3A_101 : i32
      %scan3A_103 = arith.constant 1 : i32
      scf.for %scan3A_142 = %scan3A_100 to %scan3A_102 step %scan3A_103  : i32 {
        %get3A = arith.index_cast %scan3A_142 : i32 to index
        %get3A_143 = arith.constant 0 : index
        %get3A_144 = tpu.vector_load %arg11[%get3A, %get3A_143] {strides = array<i32>} : memref<64x128xf32, #tpu.memory_space<vmem>>, vector<1x16xf32>,
        %get3A_145 = vector.shape_cast %get3A_144 : vector<1x16xf32> to vector<16xf32>
        %swap3A = arith.index_cast %scan3A_142 : i32 to index
        %swap3A_146 = arith.constant 0 : index
        %swap3A_147 = tpu.vector_load %arg13[%swap3A, %swap3A_146] {strides = array<i32>} : memref<64x128xf32, #tpu.memory_space<vmem>>, vector<1x16xf32>,
        %swap3A_148 = vector.shape_cast %swap3A_147 : vector<1x16xf32> to vector<16xf32>
        %swap3A_149 = vector.shape_cast %get3A_145 : vector<16xf32> to vector<1x16xf32>
        tpu.vector_store %arg13[%swap3A, %swap3A_146], %swap3A_149 {add = true, strides = array<i32>} : memref<64x128xf32, #tpu.memory_space<vmem>>, vector<1x16xf32>,
        %get3A_150 = arith.index_cast %scan3A_142 : i32 to index
        %get3A_151 = arith.constant 16 : index
        %get3A_152 = tpu.vector_load %arg11[%get3A_150, %get3A_151] {strides = array<i32>} : memref<64x128xf32, #tpu.memory_space<vmem>>, vector<1x16xf32>,
        %get3A_153 = vector.shape_cast %get3A_152 : vector<1x16xf32> to vector<16xf32>
        %swap3A_154 = arith.index_cast %scan3A_142 : i32 to index
        %swap3A_155 = arith.constant 16 : index
        %swap3A_156 = tpu.vector_load %arg13[%swap3A_154, %swap3A_155] {strides = array<i32>} : memref<64x128xf32, #tpu.memory_space<vmem>>, vector<1x16xf32>,
        %swap3A_157 = vector.shape_cast %swap3A_156 : vector<1x16xf32> to vector<16xf32>
        %swap3A_158 = vector.shape_cast %get3A_153 : vector<16xf32> to vector<1x16xf32>
        tpu.vector_store %arg13[%swap3A_154, %swap3A_155], %swap3A_158 {add = true, strides = array<i32>} : memref<64x128xf32, #tpu.memory_space<vmem>>, vector<1x16xf32>,
        %get3A_159 = arith.index_cast %scan3A_142 : i32 to index
        %get3A_160 = arith.constant 32 : index
        %get3A_161 = tpu.vector_load %arg11[%get3A_159, %get3A_160] {strides = array<i32>} : memref<64x128xf32, #tpu.memory_space<vmem>>, vector<1x16xf32>,
        %get3A_162 = vector.shape_cast %get3A_161 : vector<1x16xf32> to vector<16xf32>
        %swap3A_163 = arith.index_cast %scan3A_142 : i32 to index
        %swap3A_164 = arith.constant 32 : index
        %swap3A_165 = tpu.vector_load %arg13[%swap3A_163, %swap3A_164] {strides = array<i32>} : memref<64x128xf32, #tpu.memory_space<vmem>>, vector<1x16xf32>,
        %swap3A_166 = vector.shape_cast %swap3A_165 : vector<1x16xf32> to vector<16xf32>
        %swap3A_167 = vector.shape_cast %get3A_162 : vector<16xf32> to vector<1x16xf32>
        tpu.vector_store %arg13[%swap3A_163, %swap3A_164], %swap3A_167 {add = true, strides = array<i32>} : memref<64x128xf32, #tpu.memory_space<vmem>>, vector<1x16xf32>,
        %get3A_168 = arith.index_cast %scan3A_142 : i32 to index
        %get3A_169 = arith.constant 48 : index
        %get3A_170 = tpu.vector_load %arg11[%get3A_168, %get3A_169] {strides = array<i32>} : memref<64x128xf32, #tpu.memory_space<vmem>>, vector<1x16xf32>,
        %get3A_171 = vector.shape_cast %get3A_170 : vector<1x16xf32> to vector<16xf32>
        %swap3A_172 = arith.index_cast %scan3A_142 : i32 to index
        %swap3A_173 = arith.constant 48 : index
        %swap3A_174 = tpu.vector_load %arg13[%swap3A_172, %swap3A_173] {strides = array<i32>} : memref<64x128xf32, #tpu.memory_space<vmem>>, vector<1x16xf32>,
        %swap3A_175 = vector.shape_cast %swap3A_174 : vector<1x16xf32> to vector<16xf32>
        %swap3A_176 = vector.shape_cast %get3A_171 : vector<16xf32> to vector<1x16xf32>
        tpu.vector_store %arg13[%swap3A_172, %swap3A_173], %swap3A_176 {add = true, strides = array<i32>} : memref<64x128xf32, #tpu.memory_space<vmem>>, vector<1x16xf32>,
        %get3A_177 = arith.index_cast %scan3A_142 : i32 to index
        %get3A_178 = arith.constant 64 : index
        %get3A_179 = tpu.vector_load %arg11[%get3A_177, %get3A_178] {strides = array<i32>} : memref<64x128xf32, #tpu.memory_space<vmem>>, vector<1x16xf32>,
        %get3A_180 = vector.shape_cast %get3A_179 : vector<1x16xf32> to vector<16xf32>
        %swap3A_181 = arith.index_cast %scan3A_142 : i32 to index
        %swap3A_182 = arith.constant 64 : index
        %swap3A_183 = tpu.vector_load %arg13[%swap3A_181, %swap3A_182] {strides = array<i32>} : memref<64x128xf32, #tpu.memory_space<vmem>>, vector<1x16xf32>,
        %swap3A_184 = vector.shape_cast %swap3A_183 : vector<1x16xf32> to vector<16xf32>
        %swap3A_185 = vector.shape_cast %get3A_180 : vector<16xf32> to vector<1x16xf32>
        tpu.vector_store %arg13[%swap3A_181, %swap3A_182], %swap3A_185 {add = true, strides = array<i32>} : memref<64x128xf32, #tpu.memory_space<vmem>>, vector<1x16xf32>,
        %get3A_186 = arith.index_cast %scan3A_142 : i32 to index
        %get3A_187 = arith.constant 80 : index
        %get3A_188 = tpu.vector_load %arg11[%get3A_186, %get3A_187] {strides = array<i32>} : memref<64x128xf32, #tpu.memory_space<vmem>>, vector<1x16xf32>,
        %get3A_189 = vector.shape_cast %get3A_188 : vector<1x16xf32> to vector<16xf32>
        %swap3A_190 = arith.index_cast %scan3A_142 : i32 to index
        %swap3A_191 = arith.constant 80 : index
        %swap3A_192 = tpu.vector_load %arg13[%swap3A_190, %swap3A_191] {strides = array<i32>} : memref<64x128xf32, #tpu.memory_space<vmem>>, vector<1x16xf32>,
        %swap3A_193 = vector.shape_cast %swap3A_192 : vector<1x16xf32> to vector<16xf32>
        %swap3A_194 = vector.shape_cast %get3A_189 : vector<16xf32> to vector<1x16xf32>
        tpu.vector_store %arg13[%swap3A_190, %swap3A_191], %swap3A_194 {add = true, strides = array<i32>} : memref<64x128xf32, #tpu.memory_space<vmem>>, vector<1x16xf32>,
        %get3A_195 = arith.index_cast %scan3A_142 : i32 to index
        %get3A_196 = arith.constant 96 : index
        %get3A_197 = tpu.vector_load %arg11[%get3A_195, %get3A_196] {strides = array<i32>} : memref<64x128xf32, #tpu.memory_space<vmem>>, vector<1x16xf32>,
        %get3A_198 = vector.shape_cast %get3A_197 : vector<1x16xf32> to vector<16xf32>
        %swap3A_199 = arith.index_cast %scan3A_142 : i32 to index
        %swap3A_200 = arith.constant 96 : index
        %swap3A_201 = tpu.vector_load %arg13[%swap3A_199, %swap3A_200] {strides = array<i32>} : memref<64x128xf32, #tpu.memory_space<vmem>>, vector<1x16xf32>,
        %swap3A_202 = vector.shape_cast %swap3A_201 : vector<1x16xf32> to vector<16xf32>
        %swap3A_203 = vector.shape_cast %get3A_198 : vector<16xf32> to vector<1x16xf32>
        tpu.vector_store %arg13[%swap3A_199, %swap3A_200], %swap3A_203 {add = true, strides = array<i32>} : memref<64x128xf32, #tpu.memory_space<vmem>>, vector<1x16xf32>,
        %get3A_204 = arith.index_cast %scan3A_142 : i32 to index
        %get3A_205 = arith.constant 112 : index
        %get3A_206 = tpu.vector_load %arg11[%get3A_204, %get3A_205] {strides = array<i32>} : memref<64x128xf32, #tpu.memory_space<vmem>>, vector<1x16xf32>,
        %get3A_207 = vector.shape_cast %get3A_206 : vector<1x16xf32> to vector<16xf32>
        %swap3A_208 = arith.index_cast %scan3A_142 : i32 to index
        %swap3A_209 = arith.constant 112 : index
        %swap3A_210 = tpu.vector_load %arg13[%swap3A_208, %swap3A_209] {strides = array<i32>} : memref<64x128xf32, #tpu.memory_space<vmem>>, vector<1x16xf32>,
        %swap3A_211 = vector.shape_cast %swap3A_210 : vector<1x16xf32> to vector<16xf32>
        %swap3A_212 = vector.shape_cast %get3A_207 : vector<16xf32> to vector<1x16xf32>
        tpu.vector_store %arg13[%swap3A_208, %swap3A_209], %swap3A_212 {add = true, strides = array<i32>} : memref<64x128xf32, #tpu.memory_space<vmem>>, vector<1x16xf32>,
      }
      %scan3A_104 = arith.constant 64 : i32
      "tpu.region"() ({
        %run_scoped3A = tpu.sem_alloc : memref<!tpu.dma_semaphore, #tpu.memory_space<semaphore_mem>>
        %dma_start3A_142 = arith.constant 0 : i32
        %dma_start3A_143 = arith.constant 0 : i32
        %dma_start3A_144 = tpu.memref_slice %arg18[%dma_start3A_142, %dma_start3A_143] : memref<10000x128xf32, #tpu.memory_space<vmem_shared>> -> memref<10000x128xf32, #tpu.memory_space<vmem_shared>>
        tpu.enqueue_indirect_dma source(%arg13 : memref<64x128xf32, #tpu.memory_space<vmem>>) target(%dma_start3A_144 : memref<10000x128xf32, #tpu.memory_space<vmem_shared>>) offsets(%arg9 : memref<64xi32, #tpu.memory_space<vmem>>) semaphore(%run_scoped3A : memref<!tpu.dma_semaphore, #tpu.memory_space<semaphore_mem>>) {add = true}
        %dma_wait3A_145 = arith.constant 0 : i32
        %dma_wait3A_146 = arith.constant 0 : i32
        %dma_wait3A_147 = tpu.memref_slice %arg18[%dma_wait3A_145, %dma_wait3A_146] : memref<10000x128xf32, #tpu.memory_space<vmem_shared>> -> memref<10000x128xf32, #tpu.memory_space<vmem_shared>>
        tpu.wait_indirect_dma semaphore(%run_scoped3A : memref<!tpu.dma_semaphore, #tpu.memory_space<semaphore_mem>>) src(%arg13 : memref<64x128xf32, #tpu.memory_space<vmem>>) dst(%dma_wait3A_147 : memref<10000x128xf32, #tpu.memory_space<vmem_shared>>)
        tpu.yield
      }) : () -> ()
      %add3A_105 = arith.constant 2 : i32
      %add3A_106 = arith.addi %mul3A_83, %add3A_105 : i32
      %lt3A_107 = arith.constant 156 : i32
      %lt3A_108 = arith.cmpi slt, %add3A_106, %lt3A_107 : i32
      %convert_element_type3A_109 = arith.extui %lt3A_108 : i1 to i32
      %cond3A_110 = arith.constant 0 : i32
      %cond3A_111 = arith.cmpi ne, %convert_element_type3A_109, %cond3A_110 : i32
      scf.if %cond3A_111 {
        %add3A_142 = arith.constant 2 : i32
        %add3A_143 = arith.addi %mul3A_83, %add3A_142 : i32
        %mul3A_144 = arith.constant 64 : i32
        %mul3A_145 = arith.muli %add3A_143, %mul3A_144 : i32
        %add3A_146 = arith.addi %mul3A_2, %mul3A_145 : i32
        %dma_start3A_147 = tpu.memref_slice %arg5[%add3A_146] : memref<320000xi32, #tpu.memory_space<hbm>> -> memref<64xi32, #tpu.memory_space<hbm>>
        %dma_start3A_148 = tpu.memref_slice %arg5[%add3A_146] : memref<320000xi32, #tpu.memory_space<hbm>> -> memref<64xi32, #tpu.memory_space<hbm>>
        tpu.enqueue_dma source(%dma_start3A_148 : memref<64xi32, #tpu.memory_space<hbm>>) target(%arg9 : memref<64xi32, #tpu.memory_space<vmem>>) target_semaphore(%arg19 : memref<!tpu.dma_semaphore, #tpu.memory_space<semaphore_mem>>)
        %mul3A_149 = arith.constant 64 : i32
        %mul3A_150 = arith.muli %add3A_143, %mul3A_149 : i32
        %dma_start3A_151 = tpu.memref_slice %arg8[%mul3A_150] : memref<10000xi32, #tpu.memory_space<vmem>> -> memref<64xi32, #tpu.memory_space<vmem>>
        %dma_start3A_152 = arith.constant 0 : i32
        %dma_start3A_153 = arith.constant 0 : i32
        %dma_start3A_154 = tpu.memref_slice %arg2[%dma_start3A_152, %dma_start3A_153] : memref<10000x128xf32, #tpu.memory_space<hbm>> -> memref<10000x128xf32, #tpu.memory_space<hbm>>
        tpu.enqueue_indirect_dma source(%dma_start3A_154 : memref<10000x128xf32, #tpu.memory_space<hbm>>) target(%arg11 : memref<64x128xf32, #tpu.memory_space<vmem>>) offsets(%dma_start3A_151 : memref<64xi32, #tpu.memory_space<vmem>>) semaphore(%arg19 : memref<!tpu.dma_semaphore, #tpu.memory_space<semaphore_mem>>)
        %dma_start3A_155 = arith.constant 0 : i32
        %dma_start3A_156 = tpu.memref_slice %arg3[%add3A_146, %dma_start3A_155] : memref<320000x128xf32, #tpu.memory_space<hbm>> -> memref<64x128xf32, #tpu.memory_space<hbm>>
        %dma_start3A_157 = arith.constant 0 : i32
        %dma_start3A_158 = tpu.memref_slice %arg3[%add3A_146, %dma_start3A_157] : memref<320000x128xf32, #tpu.memory_space<hbm>> -> memref<64x128xf32, #tpu.memory_space<hbm>>
        tpu.enqueue_dma source(%dma_start3A_158 : memref<64x128xf32, #tpu.memory_space<hbm>>) target(%arg13 : memref<64x128xf32, #tpu.memory_space<vmem>>) target_semaphore(%arg19 : memref<!tpu.dma_semaphore, #tpu.memory_space<semaphore_mem>>)
      } else {
      }
      %add3A_112 = arith.constant 1 : i32
      %add3A_113 = arith.addi %mul3A_83, %add3A_112 : i32
      %mul3A_114 = arith.constant 64 : i32
      %mul3A_115 = arith.muli %add3A_113, %mul3A_114 : i32
      %add3A_116 = arith.addi %mul3A_2, %mul3A_115 : i32
      %dma_wait3A_117 = tpu.memref_slice %arg5[%add3A_116] : memref<320000xi32, #tpu.memory_space<hbm>> -> memref<64xi32, #tpu.memory_space<hbm>>
      %dma_wait3A_118 = tpu.memref_slice %arg5[%add3A_116] : memref<320000xi32, #tpu.memory_space<hbm>> -> memref<64xi32, #tpu.memory_space<hbm>>
      tpu.wait_dma2 semaphore(%arg20 : memref<!tpu.dma_semaphore, #tpu.memory_space<semaphore_mem>>) src(%dma_wait3A_118 : memref<64xi32, #tpu.memory_space<hbm>>) dst(%arg10 : memref<64xi32, #tpu.memory_space<vmem>>)
      %mul3A_119 = arith.constant 64 : i32
      %mul3A_120 = arith.muli %add3A_113, %mul3A_119 : i32
      %dma_wait3A_121 = tpu.memref_slice %arg8[%mul3A_120] : memref<10000xi32, #tpu.memory_space<vmem>> -> memref<64xi32, #tpu.memory_space<vmem>>
      %dma_wait3A_122 = arith.constant 0 : i32
      %dma_wait3A_123 = arith.constant 0 : i32
      %dma_wait3A_124 = tpu.memref_slice %arg2[%dma_wait3A_122, %dma_wait3A_123] : memref<10000x128xf32, #tpu.memory_space<hbm>> -> memref<10000x128xf32, #tpu.memory_space<hbm>>
      tpu.wait_indirect_dma semaphore(%arg20 : memref<!tpu.dma_semaphore, #tpu.memory_space<semaphore_mem>>) src(%dma_wait3A_124 : memref<10000x128xf32, #tpu.memory_space<hbm>>) dst(%arg12 : memref<64x128xf32, #tpu.memory_space<vmem>>)
      %dma_wait3A_125 = arith.constant 0 : i32
      %dma_wait3A_126 = tpu.memref_slice %arg3[%add3A_116, %dma_wait3A_125] : memref<320000x128xf32, #tpu.memory_space<hbm>> -> memref<64x128xf32, #tpu.memory_space<hbm>>
      %dma_wait3A_127 = arith.constant 0 : i32
      %dma_wait3A_128 = tpu.memref_slice %arg3[%add3A_116, %dma_wait3A_127] : memref<320000x128xf32, #tpu.memory_space<hbm>> -> memref<64x128xf32, #tpu.memory_space<hbm>>
      tpu.wait_dma2 semaphore(%arg20 : memref<!tpu.dma_semaphore, #tpu.memory_space<semaphore_mem>>) src(%dma_wait3A_128 : memref<64x128xf32, #tpu.memory_space<hbm>>) dst(%arg14 : memref<64x128xf32, #tpu.memory_space<vmem>>)
      %scan3A_129 = arith.constant 0 : i32
      %scan3A_130 = arith.constant 0 : i32
      %scan3A_131 = arith.constant 64 : i32
      %scan3A_132 = arith.addi %scan3A_130, %scan3A_131 : i32
      %scan3A_133 = arith.constant 1 : i32
      scf.for %scan3A_142 = %scan3A_130 to %scan3A_132 step %scan3A_133  : i32 {
        %get3A = arith.index_cast %scan3A_142 : i32 to index
        %get3A_143 = arith.constant 0 : index
        %get3A_144 = tpu.vector_load %arg12[%get3A, %get3A_143] {strides = array<i32>} : memref<64x128xf32, #tpu.memory_space<vmem>>, vector<1x16xf32>,
        %get3A_145 = vector.shape_cast %get3A_144 : vector<1x16xf32> to vector<16xf32>
        %swap3A = arith.index_cast %scan3A_142 : i32 to index
        %swap3A_146 = arith.constant 0 : index
        %swap3A_147 = tpu.vector_load %arg14[%swap3A, %swap3A_146] {strides = array<i32>} : memref<64x128xf32, #tpu.memory_space<vmem>>, vector<1x16xf32>,
        %swap3A_148 = vector.shape_cast %swap3A_147 : vector<1x16xf32> to vector<16xf32>
        %swap3A_149 = vector.shape_cast %get3A_145 : vector<16xf32> to vector<1x16xf32>
        tpu.vector_store %arg14[%swap3A, %swap3A_146], %swap3A_149 {add = true, strides = array<i32>} : memref<64x128xf32, #tpu.memory_space<vmem>>, vector<1x16xf32>,
        %get3A_150 = arith.index_cast %scan3A_142 : i32 to index
        %get3A_151 = arith.constant 16 : index
        %get3A_152 = tpu.vector_load %arg12[%get3A_150, %get3A_151] {strides = array<i32>} : memref<64x128xf32, #tpu.memory_space<vmem>>, vector<1x16xf32>,
        %get3A_153 = vector.shape_cast %get3A_152 : vector<1x16xf32> to vector<16xf32>
        %swap3A_154 = arith.index_cast %scan3A_142 : i32 to index
        %swap3A_155 = arith.constant 16 : index
        %swap3A_156 = tpu.vector_load %arg14[%swap3A_154, %swap3A_155] {strides = array<i32>} : memref<64x128xf32, #tpu.memory_space<vmem>>, vector<1x16xf32>,
        %swap3A_157 = vector.shape_cast %swap3A_156 : vector<1x16xf32> to vector<16xf32>
        %swap3A_158 = vector.shape_cast %get3A_153 : vector<16xf32> to vector<1x16xf32>
        tpu.vector_store %arg14[%swap3A_154, %swap3A_155], %swap3A_158 {add = true, strides = array<i32>} : memref<64x128xf32, #tpu.memory_space<vmem>>, vector<1x16xf32>,
        %get3A_159 = arith.index_cast %scan3A_142 : i32 to index
        %get3A_160 = arith.constant 32 : index
        %get3A_161 = tpu.vector_load %arg12[%get3A_159, %get3A_160] {strides = array<i32>} : memref<64x128xf32, #tpu.memory_space<vmem>>, vector<1x16xf32>,
        %get3A_162 = vector.shape_cast %get3A_161 : vector<1x16xf32> to vector<16xf32>
        %swap3A_163 = arith.index_cast %scan3A_142 : i32 to index
        %swap3A_164 = arith.constant 32 : index
        %swap3A_165 = tpu.vector_load %arg14[%swap3A_163, %swap3A_164] {strides = array<i32>} : memref<64x128xf32, #tpu.memory_space<vmem>>, vector<1x16xf32>,
        %swap3A_166 = vector.shape_cast %swap3A_165 : vector<1x16xf32> to vector<16xf32>
        %swap3A_167 = vector.shape_cast %get3A_162 : vector<16xf32> to vector<1x16xf32>
        tpu.vector_store %arg14[%swap3A_163, %swap3A_164], %swap3A_167 {add = true, strides = array<i32>} : memref<64x128xf32, #tpu.memory_space<vmem>>, vector<1x16xf32>,
        %get3A_168 = arith.index_cast %scan3A_142 : i32 to index
        %get3A_169 = arith.constant 48 : index
        %get3A_170 = tpu.vector_load %arg12[%get3A_168, %get3A_169] {strides = array<i32>} : memref<64x128xf32, #tpu.memory_space<vmem>>, vector<1x16xf32>,
        %get3A_171 = vector.shape_cast %get3A_170 : vector<1x16xf32> to vector<16xf32>
        %swap3A_172 = arith.index_cast %scan3A_142 : i32 to index
        %swap3A_173 = arith.constant 48 : index
        %swap3A_174 = tpu.vector_load %arg14[%swap3A_172, %swap3A_173] {strides = array<i32>} : memref<64x128xf32, #tpu.memory_space<vmem>>, vector<1x16xf32>,
        %swap3A_175 = vector.shape_cast %swap3A_174 : vector<1x16xf32> to vector<16xf32>
        %swap3A_176 = vector.shape_cast %get3A_171 : vector<16xf32> to vector<1x16xf32>
        tpu.vector_store %arg14[%swap3A_172, %swap3A_173], %swap3A_176 {add = true, strides = array<i32>} : memref<64x128xf32, #tpu.memory_space<vmem>>, vector<1x16xf32>,
        %get3A_177 = arith.index_cast %scan3A_142 : i32 to index
        %get3A_178 = arith.constant 64 : index
        %get3A_179 = tpu.vector_load %arg12[%get3A_177, %get3A_178] {strides = array<i32>} : memref<64x128xf32, #tpu.memory_space<vmem>>, vector<1x16xf32>,
        %get3A_180 = vector.shape_cast %get3A_179 : vector<1x16xf32> to vector<16xf32>
        %swap3A_181 = arith.index_cast %scan3A_142 : i32 to index
        %swap3A_182 = arith.constant 64 : index
        %swap3A_183 = tpu.vector_load %arg14[%swap3A_181, %swap3A_182] {strides = array<i32>} : memref<64x128xf32, #tpu.memory_space<vmem>>, vector<1x16xf32>,
        %swap3A_184 = vector.shape_cast %swap3A_183 : vector<1x16xf32> to vector<16xf32>
        %swap3A_185 = vector.shape_cast %get3A_180 : vector<16xf32> to vector<1x16xf32>
        tpu.vector_store %arg14[%swap3A_181, %swap3A_182], %swap3A_185 {add = true, strides = array<i32>} : memref<64x128xf32, #tpu.memory_space<vmem>>, vector<1x16xf32>,
        %get3A_186 = arith.index_cast %scan3A_142 : i32 to index
        %get3A_187 = arith.constant 80 : index
        %get3A_188 = tpu.vector_load %arg12[%get3A_186, %get3A_187] {strides = array<i32>} : memref<64x128xf32, #tpu.memory_space<vmem>>, vector<1x16xf32>,
        %get3A_189 = vector.shape_cast %get3A_188 : vector<1x16xf32> to vector<16xf32>
        %swap3A_190 = arith.index_cast %scan3A_142 : i32 to index
        %swap3A_191 = arith.constant 80 : index
        %swap3A_192 = tpu.vector_load %arg14[%swap3A_190, %swap3A_191] {strides = array<i32>} : memref<64x128xf32, #tpu.memory_space<vmem>>, vector<1x16xf32>,
        %swap3A_193 = vector.shape_cast %swap3A_192 : vector<1x16xf32> to vector<16xf32>
        %swap3A_194 = vector.shape_cast %get3A_189 : vector<16xf32> to vector<1x16xf32>
        tpu.vector_store %arg14[%swap3A_190, %swap3A_191], %swap3A_194 {add = true, strides = array<i32>} : memref<64x128xf32, #tpu.memory_space<vmem>>, vector<1x16xf32>,
        %get3A_195 = arith.index_cast %scan3A_142 : i32 to index
        %get3A_196 = arith.constant 96 : index
        %get3A_197 = tpu.vector_load %arg12[%get3A_195, %get3A_196] {strides = array<i32>} : memref<64x128xf32, #tpu.memory_space<vmem>>, vector<1x16xf32>,
        %get3A_198 = vector.shape_cast %get3A_197 : vector<1x16xf32> to vector<16xf32>
        %swap3A_199 = arith.index_cast %scan3A_142 : i32 to index
        %swap3A_200 = arith.constant 96 : index
        %swap3A_201 = tpu.vector_load %arg14[%swap3A_199, %swap3A_200] {strides = array<i32>} : memref<64x128xf32, #tpu.memory_space<vmem>>, vector<1x16xf32>,
        %swap3A_202 = vector.shape_cast %swap3A_201 : vector<1x16xf32> to vector<16xf32>
        %swap3A_203 = vector.shape_cast %get3A_198 : vector<16xf32> to vector<1x16xf32>
        tpu.vector_store %arg14[%swap3A_199, %swap3A_200], %swap3A_203 {add = true, strides = array<i32>} : memref<64x128xf32, #tpu.memory_space<vmem>>, vector<1x16xf32>,
        %get3A_204 = arith.index_cast %scan3A_142 : i32 to index
        %get3A_205 = arith.constant 112 : index
        %get3A_206 = tpu.vector_load %arg12[%get3A_204, %get3A_205] {strides = array<i32>} : memref<64x128xf32, #tpu.memory_space<vmem>>, vector<1x16xf32>,
        %get3A_207 = vector.shape_cast %get3A_206 : vector<1x16xf32> to vector<16xf32>
        %swap3A_208 = arith.index_cast %scan3A_142 : i32 to index
        %swap3A_209 = arith.constant 112 : index
        %swap3A_210 = tpu.vector_load %arg14[%swap3A_208, %swap3A_209] {strides = array<i32>} : memref<64x128xf32, #tpu.memory_space<vmem>>, vector<1x16xf32>,
        %swap3A_211 = vector.shape_cast %swap3A_210 : vector<1x16xf32> to vector<16xf32>
        %swap3A_212 = vector.shape_cast %get3A_207 : vector<16xf32> to vector<1x16xf32>
        tpu.vector_store %arg14[%swap3A_208, %swap3A_209], %swap3A_212 {add = true, strides = array<i32>} : memref<64x128xf32, #tpu.memory_space<vmem>>, vector<1x16xf32>,
      }
      %scan3A_134 = arith.constant 64 : i32
      "tpu.region"() ({
        %run_scoped3A = tpu.sem_alloc : memref<!tpu.dma_semaphore, #tpu.memory_space<semaphore_mem>>
        %dma_start3A_142 = arith.constant 0 : i32
        %dma_start3A_143 = arith.constant 0 : i32
        %dma_start3A_144 = tpu.memref_slice %arg18[%dma_start3A_142, %dma_start3A_143] : memref<10000x128xf32, #tpu.memory_space<vmem_shared>> -> memref<10000x128xf32, #tpu.memory_space<vmem_shared>>
        tpu.enqueue_indirect_dma source(%arg14 : memref<64x128xf32, #tpu.memory_space<vmem>>) target(%dma_start3A_144 : memref<10000x128xf32, #tpu.memory_space<vmem_shared>>) offsets(%arg10 : memref<64xi32, #tpu.memory_space<vmem>>) semaphore(%run_scoped3A : memref<!tpu.dma_semaphore, #tpu.memory_space<semaphore_mem>>) {add = true}
        %dma_wait3A_145 = arith.constant 0 : i32
        %dma_wait3A_146 = arith.constant 0 : i32
        %dma_wait3A_147 = tpu.memref_slice %arg18[%dma_wait3A_145, %dma_wait3A_146] : memref<10000x128xf32, #tpu.memory_space<vmem_shared>> -> memref<10000x128xf32, #tpu.memory_space<vmem_shared>>
        tpu.wait_indirect_dma semaphore(%run_scoped3A : memref<!tpu.dma_semaphore, #tpu.memory_space<semaphore_mem>>) src(%arg14 : memref<64x128xf32, #tpu.memory_space<vmem>>) dst(%dma_wait3A_147 : memref<10000x128xf32, #tpu.memory_space<vmem_shared>>)
        tpu.yield
      }) : () -> ()
      %add3A_135 = arith.constant 3 : i32
      %add3A_136 = arith.addi %mul3A_83, %add3A_135 : i32
      %lt3A_137 = arith.constant 156 : i32
      %lt3A_138 = arith.cmpi slt, %add3A_136, %lt3A_137 : i32
      %convert_element_type3A_139 = arith.extui %lt3A_138 : i1 to i32
      %cond3A_140 = arith.constant 0 : i32
      %cond3A_141 = arith.cmpi ne, %convert_element_type3A_139, %cond3A_140 : i32
      scf.if %cond3A_141 {
        %add3A_142 = arith.constant 3 : i32
        %add3A_143 = arith.addi %mul3A_83, %add3A_142 : i32
        %mul3A_144 = arith.constant 64 : i32
        %mul3A_145 = arith.muli %add3A_143, %mul3A_144 : i32
        %add3A_146 = arith.addi %mul3A_2, %mul3A_145 : i32
        %dma_start3A_147 = tpu.memref_slice %arg5[%add3A_146] : memref<320000xi32, #tpu.memory_space<hbm>> -> memref<64xi32, #tpu.memory_space<hbm>>
        %dma_start3A_148 = tpu.memref_slice %arg5[%add3A_146] : memref<320000xi32, #tpu.memory_space<hbm>> -> memref<64xi32, #tpu.memory_space<hbm>>
        tpu.enqueue_dma source(%dma_start3A_148 : memref<64xi32, #tpu.memory_space<hbm>>) target(%arg10 : memref<64xi32, #tpu.memory_space<vmem>>) target_semaphore(%arg20 : memref<!tpu.dma_semaphore, #tpu.memory_space<semaphore_mem>>)
        %mul3A_149 = arith.constant 64 : i32
        %mul3A_150 = arith.muli %add3A_143, %mul3A_149 : i32
        %dma_start3A_151 = tpu.memref_slice %arg8[%mul3A_150] : memref<10000xi32, #tpu.memory_space<vmem>> -> memref<64xi32, #tpu.memory_space<vmem>>
        %dma_start3A_152 = arith.constant 0 : i32
        %dma_start3A_153 = arith.constant 0 : i32
        %dma_start3A_154 = tpu.memref_slice %arg2[%dma_start3A_152, %dma_start3A_153] : memref<10000x128xf32, #tpu.memory_space<hbm>> -> memref<10000x128xf32, #tpu.memory_space<hbm>>
        tpu.enqueue_indirect_dma source(%dma_start3A_154 : memref<10000x128xf32, #tpu.memory_space<hbm>>) target(%arg12 : memref<64x128xf32, #tpu.memory_space<vmem>>) offsets(%dma_start3A_151 : memref<64xi32, #tpu.memory_space<vmem>>) semaphore(%arg20 : memref<!tpu.dma_semaphore, #tpu.memory_space<semaphore_mem>>)
        %dma_start3A_155 = arith.constant 0 : i32
        %dma_start3A_156 = tpu.memref_slice %arg3[%add3A_146, %dma_start3A_155] : memref<320000x128xf32, #tpu.memory_space<hbm>> -> memref<64x128xf32, #tpu.memory_space<hbm>>
        %dma_start3A_157 = arith.constant 0 : i32
        %dma_start3A_158 = tpu.memref_slice %arg3[%add3A_146, %dma_start3A_157] : memref<320000x128xf32, #tpu.memory_space<hbm>> -> memref<64x128xf32, #tpu.memory_space<hbm>>
        tpu.enqueue_dma source(%dma_start3A_158 : memref<64x128xf32, #tpu.memory_space<hbm>>) target(%arg14 : memref<64x128xf32, #tpu.memory_space<vmem>>) target_semaphore(%arg20 : memref<!tpu.dma_semaphore, #tpu.memory_space<semaphore_mem>>)
      } else {
      }
    }
    %scan3A_38 = arith.constant 78 : i32
    %add3A_39 = arith.constant 9984 : i32
    %add3A_40 = arith.addi %mul3A_2, %add3A_39 : i32
    %dma_start3A_41 = tpu.memref_slice %arg5[%add3A_40] : memref<320000xi32, #tpu.memory_space<hbm>> -> memref<16xi32, #tpu.memory_space<hbm>>
    %dma_start3A_42 = tpu.memref_slice %arg5[%add3A_40] : memref<320000xi32, #tpu.memory_space<hbm>> -> memref<16xi32, #tpu.memory_space<hbm>>
    tpu.enqueue_dma source(%dma_start3A_42 : memref<16xi32, #tpu.memory_space<hbm>>) target(%arg15 : memref<16xi32, #tpu.memory_space<vmem>>) target_semaphore(%arg19 : memref<!tpu.dma_semaphore, #tpu.memory_space<semaphore_mem>>)
    %dma_start3A_43 = arith.constant 9984 : i32
    %dma_start3A_44 = tpu.memref_slice %arg8[%dma_start3A_43] : memref<10000xi32, #tpu.memory_space<vmem>> -> memref<16xi32, #tpu.memory_space<vmem>>
    %dma_start3A_45 = arith.constant 0 : i32
    %dma_start3A_46 = arith.constant 0 : i32
    %dma_start3A_47 = tpu.memref_slice %arg2[%dma_start3A_45, %dma_start3A_46] : memref<10000x128xf32, #tpu.memory_space<hbm>> -> memref<10000x128xf32, #tpu.memory_space<hbm>>
    tpu.enqueue_indirect_dma source(%dma_start3A_47 : memref<10000x128xf32, #tpu.memory_space<hbm>>) target(%arg16 : memref<16x128xf32, #tpu.memory_space<vmem>>) offsets(%dma_start3A_44 : memref<16xi32, #tpu.memory_space<vmem>>) semaphore(%arg19 : memref<!tpu.dma_semaphore, #tpu.memory_space<semaphore_mem>>)
    %dma_start3A_48 = arith.constant 0 : i32
    %dma_start3A_49 = tpu.memref_slice %arg3[%add3A_40, %dma_start3A_48] : memref<320000x128xf32, #tpu.memory_space<hbm>> -> memref<16x128xf32, #tpu.memory_space<hbm>>
    %dma_start3A_50 = arith.constant 0 : i32
    %dma_start3A_51 = tpu.memref_slice %arg3[%add3A_40, %dma_start3A_50] : memref<320000x128xf32, #tpu.memory_space<hbm>> -> memref<16x128xf32, #tpu.memory_space<hbm>>
    tpu.enqueue_dma source(%dma_start3A_51 : memref<16x128xf32, #tpu.memory_space<hbm>>) target(%arg17 : memref<16x128xf32, #tpu.memory_space<vmem>>) target_semaphore(%arg19 : memref<!tpu.dma_semaphore, #tpu.memory_space<semaphore_mem>>)
    %add3A_52 = arith.constant 9984 : i32
    %add3A_53 = arith.addi %mul3A_2, %add3A_52 : i32
    %dma_wait3A = tpu.memref_slice %arg5[%add3A_53] : memref<320000xi32, #tpu.memory_space<hbm>> -> memref<16xi32, #tpu.memory_space<hbm>>
    %dma_wait3A_54 = tpu.memref_slice %arg5[%add3A_53] : memref<320000xi32, #tpu.memory_space<hbm>> -> memref<16xi32, #tpu.memory_space<hbm>>
    tpu.wait_dma2 semaphore(%arg19 : memref<!tpu.dma_semaphore, #tpu.memory_space<semaphore_mem>>) src(%dma_wait3A_54 : memref<16xi32, #tpu.memory_space<hbm>>) dst(%arg15 : memref<16xi32, #tpu.memory_space<vmem>>)
    %dma_wait3A_55 = arith.constant 9984 : i32
    %dma_wait3A_56 = tpu.memref_slice %arg8[%dma_wait3A_55] : memref<10000xi32, #tpu.memory_space<vmem>> -> memref<16xi32, #tpu.memory_space<vmem>>
    %dma_wait3A_57 = arith.constant 0 : i32
    %dma_wait3A_58 = arith.constant 0 : i32
    %dma_wait3A_59 = tpu.memref_slice %arg2[%dma_wait3A_57, %dma_wait3A_58] : memref<10000x128xf32, #tpu.memory_space<hbm>> -> memref<10000x128xf32, #tpu.memory_space<hbm>>
    tpu.wait_indirect_dma semaphore(%arg19 : memref<!tpu.dma_semaphore, #tpu.memory_space<semaphore_mem>>) src(%dma_wait3A_59 : memref<10000x128xf32, #tpu.memory_space<hbm>>) dst(%arg16 : memref<16x128xf32, #tpu.memory_space<vmem>>)
    %dma_wait3A_60 = arith.constant 0 : i32
    %dma_wait3A_61 = tpu.memref_slice %arg3[%add3A_53, %dma_wait3A_60] : memref<320000x128xf32, #tpu.memory_space<hbm>> -> memref<16x128xf32, #tpu.memory_space<hbm>>
    %dma_wait3A_62 = arith.constant 0 : i32
    %dma_wait3A_63 = tpu.memref_slice %arg3[%add3A_53, %dma_wait3A_62] : memref<320000x128xf32, #tpu.memory_space<hbm>> -> memref<16x128xf32, #tpu.memory_space<hbm>>
    tpu.wait_dma2 semaphore(%arg19 : memref<!tpu.dma_semaphore, #tpu.memory_space<semaphore_mem>>) src(%dma_wait3A_63 : memref<16x128xf32, #tpu.memory_space<hbm>>) dst(%arg17 : memref<16x128xf32, #tpu.memory_space<vmem>>)
    %scan3A_64 = arith.constant 0 : i32
    %scan3A_65 = arith.constant 0 : i32
    %scan3A_66 = arith.constant 16 : i32
    %scan3A_67 = arith.addi %scan3A_65, %scan3A_66 : i32
    %scan3A_68 = arith.constant 1 : i32
    scf.for %scan3A_81 = %scan3A_65 to %scan3A_67 step %scan3A_68  : i32 {
      %get3A = arith.index_cast %scan3A_81 : i32 to index
      %get3A_82 = arith.constant 0 : index
      %get3A_83 = tpu.vector_load %arg16[%get3A, %get3A_82] {strides = array<i32>} : memref<16x128xf32, #tpu.memory_space<vmem>>, vector<1x16xf32>,
      %get3A_84 = vector.shape_cast %get3A_83 : vector<1x16xf32> to vector<16xf32>
      %swap3A = arith.index_cast %scan3A_81 : i32 to index
      %swap3A_85 = arith.constant 0 : index
      %swap3A_86 = tpu.vector_load %arg17[%swap3A, %swap3A_85] {strides = array<i32>} : memref<16x128xf32, #tpu.memory_space<vmem>>, vector<1x16xf32>,
      %swap3A_87 = vector.shape_cast %swap3A_86 : vector<1x16xf32> to vector<16xf32>
      %swap3A_88 = vector.shape_cast %get3A_84 : vector<16xf32> to vector<1x16xf32>
      tpu.vector_store %arg17[%swap3A, %swap3A_85], %swap3A_88 {add = true, strides = array<i32>} : memref<16x128xf32, #tpu.memory_space<vmem>>, vector<1x16xf32>,
      %get3A_89 = arith.index_cast %scan3A_81 : i32 to index
      %get3A_90 = arith.constant 16 : index
      %get3A_91 = tpu.vector_load %arg16[%get3A_89, %get3A_90] {strides = array<i32>} : memref<16x128xf32, #tpu.memory_space<vmem>>, vector<1x16xf32>,
      %get3A_92 = vector.shape_cast %get3A_91 : vector<1x16xf32> to vector<16xf32>
      %swap3A_93 = arith.index_cast %scan3A_81 : i32 to index
      %swap3A_94 = arith.constant 16 : index
      %swap3A_95 = tpu.vector_load %arg17[%swap3A_93, %swap3A_94] {strides = array<i32>} : memref<16x128xf32, #tpu.memory_space<vmem>>, vector<1x16xf32>,
      %swap3A_96 = vector.shape_cast %swap3A_95 : vector<1x16xf32> to vector<16xf32>
      %swap3A_97 = vector.shape_cast %get3A_92 : vector<16xf32> to vector<1x16xf32>
      tpu.vector_store %arg17[%swap3A_93, %swap3A_94], %swap3A_97 {add = true, strides = array<i32>} : memref<16x128xf32, #tpu.memory_space<vmem>>, vector<1x16xf32>,
      %get3A_98 = arith.index_cast %scan3A_81 : i32 to index
      %get3A_99 = arith.constant 32 : index
      %get3A_100 = tpu.vector_load %arg16[%get3A_98, %get3A_99] {strides = array<i32>} : memref<16x128xf32, #tpu.memory_space<vmem>>, vector<1x16xf32>,
      %get3A_101 = vector.shape_cast %get3A_100 : vector<1x16xf32> to vector<16xf32>
      %swap3A_102 = arith.index_cast %scan3A_81 : i32 to index
      %swap3A_103 = arith.constant 32 : index
      %swap3A_104 = tpu.vector_load %arg17[%swap3A_102, %swap3A_103] {strides = array<i32>} : memref<16x128xf32, #tpu.memory_space<vmem>>, vector<1x16xf32>,
      %swap3A_105 = vector.shape_cast %swap3A_104 : vector<1x16xf32> to vector<16xf32>
      %swap3A_106 = vector.shape_cast %get3A_101 : vector<16xf32> to vector<1x16xf32>
      tpu.vector_store %arg17[%swap3A_102, %swap3A_103], %swap3A_106 {add = true, strides = array<i32>} : memref<16x128xf32, #tpu.memory_space<vmem>>, vector<1x16xf32>,
      %get3A_107 = arith.index_cast %scan3A_81 : i32 to index
      %get3A_108 = arith.constant 48 : index
      %get3A_109 = tpu.vector_load %arg16[%get3A_107, %get3A_108] {strides = array<i32>} : memref<16x128xf32, #tpu.memory_space<vmem>>, vector<1x16xf32>,
      %get3A_110 = vector.shape_cast %get3A_109 : vector<1x16xf32> to vector<16xf32>
      %swap3A_111 = arith.index_cast %scan3A_81 : i32 to index
      %swap3A_112 = arith.constant 48 : index
      %swap3A_113 = tpu.vector_load %arg17[%swap3A_111, %swap3A_112] {strides = array<i32>} : memref<16x128xf32, #tpu.memory_space<vmem>>, vector<1x16xf32>,
      %swap3A_114 = vector.shape_cast %swap3A_113 : vector<1x16xf32> to vector<16xf32>
      %swap3A_115 = vector.shape_cast %get3A_110 : vector<16xf32> to vector<1x16xf32>
      tpu.vector_store %arg17[%swap3A_111, %swap3A_112], %swap3A_115 {add = true, strides = array<i32>} : memref<16x128xf32, #tpu.memory_space<vmem>>, vector<1x16xf32>,
      %get3A_116 = arith.index_cast %scan3A_81 : i32 to index
      %get3A_117 = arith.constant 64 : index
      %get3A_118 = tpu.vector_load %arg16[%get3A_116, %get3A_117] {strides = array<i32>} : memref<16x128xf32, #tpu.memory_space<vmem>>, vector<1x16xf32>,
      %get3A_119 = vector.shape_cast %get3A_118 : vector<1x16xf32> to vector<16xf32>
      %swap3A_120 = arith.index_cast %scan3A_81 : i32 to index
      %swap3A_121 = arith.constant 64 : index
      %swap3A_122 = tpu.vector_load %arg17[%swap3A_120, %swap3A_121] {strides = array<i32>} : memref<16x128xf32, #tpu.memory_space<vmem>>, vector<1x16xf32>,
      %swap3A_123 = vector.shape_cast %swap3A_122 : vector<1x16xf32> to vector<16xf32>
      %swap3A_124 = vector.shape_cast %get3A_119 : vector<16xf32> to vector<1x16xf32>
      tpu.vector_store %arg17[%swap3A_120, %swap3A_121], %swap3A_124 {add = true, strides = array<i32>} : memref<16x128xf32, #tpu.memory_space<vmem>>, vector<1x16xf32>,
      %get3A_125 = arith.index_cast %scan3A_81 : i32 to index
      %get3A_126 = arith.constant 80 : index
      %get3A_127 = tpu.vector_load %arg16[%get3A_125, %get3A_126] {strides = array<i32>} : memref<16x128xf32, #tpu.memory_space<vmem>>, vector<1x16xf32>,
      %get3A_128 = vector.shape_cast %get3A_127 : vector<1x16xf32> to vector<16xf32>
      %swap3A_129 = arith.index_cast %scan3A_81 : i32 to index
      %swap3A_130 = arith.constant 80 : index
      %swap3A_131 = tpu.vector_load %arg17[%swap3A_129, %swap3A_130] {strides = array<i32>} : memref<16x128xf32, #tpu.memory_space<vmem>>, vector<1x16xf32>,
      %swap3A_132 = vector.shape_cast %swap3A_131 : vector<1x16xf32> to vector<16xf32>
      %swap3A_133 = vector.shape_cast %get3A_128 : vector<16xf32> to vector<1x16xf32>
      tpu.vector_store %arg17[%swap3A_129, %swap3A_130], %swap3A_133 {add = true, strides = array<i32>} : memref<16x128xf32, #tpu.memory_space<vmem>>, vector<1x16xf32>,
      %get3A_134 = arith.index_cast %scan3A_81 : i32 to index
      %get3A_135 = arith.constant 96 : index
      %get3A_136 = tpu.vector_load %arg16[%get3A_134, %get3A_135] {strides = array<i32>} : memref<16x128xf32, #tpu.memory_space<vmem>>, vector<1x16xf32>,
      %get3A_137 = vector.shape_cast %get3A_136 : vector<1x16xf32> to vector<16xf32>
      %swap3A_138 = arith.index_cast %scan3A_81 : i32 to index
      %swap3A_139 = arith.constant 96 : index
      %swap3A_140 = tpu.vector_load %arg17[%swap3A_138, %swap3A_139] {strides = array<i32>} : memref<16x128xf32, #tpu.memory_space<vmem>>, vector<1x16xf32>,
      %swap3A_141 = vector.shape_cast %swap3A_140 : vector<1x16xf32> to vector<16xf32>
      %swap3A_142 = vector.shape_cast %get3A_137 : vector<16xf32> to vector<1x16xf32>
      tpu.vector_store %arg17[%swap3A_138, %swap3A_139], %swap3A_142 {add = true, strides = array<i32>} : memref<16x128xf32, #tpu.memory_space<vmem>>, vector<1x16xf32>,
      %get3A_143 = arith.index_cast %scan3A_81 : i32 to index
      %get3A_144 = arith.constant 112 : index
      %get3A_145 = tpu.vector_load %arg16[%get3A_143, %get3A_144] {strides = array<i32>} : memref<16x128xf32, #tpu.memory_space<vmem>>, vector<1x16xf32>,
      %get3A_146 = vector.shape_cast %get3A_145 : vector<1x16xf32> to vector<16xf32>
      %swap3A_147 = arith.index_cast %scan3A_81 : i32 to index
      %swap3A_148 = arith.constant 112 : index
      %swap3A_149 = tpu.vector_load %arg17[%swap3A_147, %swap3A_148] {strides = array<i32>} : memref<16x128xf32, #tpu.memory_space<vmem>>, vector<1x16xf32>,
      %swap3A_150 = vector.shape_cast %swap3A_149 : vector<1x16xf32> to vector<16xf32>
      %swap3A_151 = vector.shape_cast %get3A_146 : vector<16xf32> to vector<1x16xf32>
      tpu.vector_store %arg17[%swap3A_147, %swap3A_148], %swap3A_151 {add = true, strides = array<i32>} : memref<16x128xf32, #tpu.memory_space<vmem>>, vector<1x16xf32>,
    }
    %scan3A_69 = arith.constant 16 : i32
    "tpu.region"() ({
      %run_scoped3A = tpu.sem_alloc : memref<!tpu.dma_semaphore, #tpu.memory_space<semaphore_mem>>
      %dma_start3A_81 = arith.constant 0 : i32
      %dma_start3A_82 = arith.constant 0 : i32
      %dma_start3A_83 = tpu.memref_slice %arg18[%dma_start3A_81, %dma_start3A_82] : memref<10000x128xf32, #tpu.memory_space<vmem_shared>> -> memref<10000x128xf32, #tpu.memory_space<vmem_shared>>
      tpu.enqueue_indirect_dma source(%arg17 : memref<16x128xf32, #tpu.memory_space<vmem>>) target(%dma_start3A_83 : memref<10000x128xf32, #tpu.memory_space<vmem_shared>>) offsets(%arg15 : memref<16xi32, #tpu.memory_space<vmem>>) semaphore(%run_scoped3A : memref<!tpu.dma_semaphore, #tpu.memory_space<semaphore_mem>>) {add = true}
      %dma_wait3A_84 = arith.constant 0 : i32
      %dma_wait3A_85 = arith.constant 0 : i32
      %dma_wait3A_86 = tpu.memref_slice %arg18[%dma_wait3A_84, %dma_wait3A_85] : memref<10000x128xf32, #tpu.memory_space<vmem_shared>> -> memref<10000x128xf32, #tpu.memory_space<vmem_shared>>
      tpu.wait_indirect_dma semaphore(%run_scoped3A : memref<!tpu.dma_semaphore, #tpu.memory_space<semaphore_mem>>) src(%arg17 : memref<16x128xf32, #tpu.memory_space<vmem>>) dst(%dma_wait3A_86 : memref<10000x128xf32, #tpu.memory_space<vmem_shared>>)
      tpu.yield
    }) : () -> ()
    %barrier3A_70 = arith.constant 0 : index
    tpu.barrier barrier_id(%barrier3A_70)
    %lt3A_71 = arith.constant 15 : i32
    %lt3A_72 = arith.cmpi slt, %arg1, %lt3A_71 : i32
    %convert_element_type3A_73 = arith.extui %lt3A_72 : i1 to i32
    %cond3A_74 = arith.constant 0 : i32
    %cond3A_75 = arith.cmpi ne, %convert_element_type3A_73, %cond3A_74 : i32
    scf.if %cond3A_75 {
      %mul3A_81 = arith.constant 632 : i32
      %mul3A_82 = arith.muli %arg1, %mul3A_81 : i32
      %mul3A_83 = arith.constant 10000 : i32
      %mul3A_84 = arith.muli %arg0, %mul3A_83 : i32
      %mul3A_85 = arith.constant 632 : i32
      %mul3A_86 = arith.muli %arg1, %mul3A_85 : i32
      %add3A_87 = arith.addi %mul3A_84, %mul3A_86 : i32
      "tpu.region"() ({
        %run_scoped3A = tpu.sem_alloc : memref<!tpu.dma_semaphore, #tpu.memory_space<semaphore_mem>>
        %dma_start3A_88 = arith.constant 0 : i32
        %dma_start3A_89 = tpu.memref_slice %arg7[%add3A_87, %dma_start3A_88] : memref<20000x128xf32, #tpu.memory_space<hbm>> -> memref<632x128xf32, #tpu.memory_space<hbm>>
        %dma_start3A_90 = arith.constant 0 : i32
        %dma_start3A_91 = tpu.memref_slice %arg18[%mul3A_82, %dma_start3A_90] : memref<10000x128xf32, #tpu.memory_space<vmem_shared>> -> memref<632x128xf32, #tpu.memory_space<vmem_shared>>
        tpu.enqueue_dma source(%dma_start3A_91 : memref<632x128xf32, #tpu.memory_space<vmem_shared>>) target(%dma_start3A_89 : memref<632x128xf32, #tpu.memory_space<hbm>>) target_semaphore(%run_scoped3A : memref<!tpu.dma_semaphore, #tpu.memory_space<semaphore_mem>>)
        %dma_wait3A_92 = arith.constant 0 : i32
        %dma_wait3A_93 = tpu.memref_slice %arg7[%add3A_87, %dma_wait3A_92] : memref<20000x128xf32, #tpu.memory_space<hbm>> -> memref<632x128xf32, #tpu.memory_space<hbm>>
        %dma_wait3A_94 = arith.constant 0 : i32
        %dma_wait3A_95 = tpu.memref_slice %arg18[%mul3A_82, %dma_wait3A_94] : memref<10000x128xf32, #tpu.memory_space<vmem_shared>> -> memref<632x128xf32, #tpu.memory_space<vmem_shared>>
        tpu.wait_dma2 semaphore(%run_scoped3A : memref<!tpu.dma_semaphore, #tpu.memory_space<semaphore_mem>>) src(%dma_wait3A_95 : memref<632x128xf32, #tpu.memory_space<vmem_shared>>) dst(%dma_wait3A_93 : memref<632x128xf32, #tpu.memory_space<hbm>>)
        tpu.yield
      }) : () -> ()
    } else {
    }
    %eq3A_76 = arith.constant 15 : i32
    %eq3A_77 = arith.cmpi eq, %arg1, %eq3A_76 : i32
    %convert_element_type3A_78 = arith.extui %eq3A_77 : i1 to i32
    %cond3A_79 = arith.constant 0 : i32
    %cond3A_80 = arith.cmpi ne, %convert_element_type3A_78, %cond3A_79 : i32
    scf.if %cond3A_80 {
      %mul3A_81 = arith.constant 632 : i32
      %mul3A_82 = arith.muli %arg1, %mul3A_81 : i32
      %mul3A_83 = arith.constant 10000 : i32
      %mul3A_84 = arith.muli %arg0, %mul3A_83 : i32
      %mul3A_85 = arith.constant 632 : i32
      %mul3A_86 = arith.muli %arg1, %mul3A_85 : i32
      %add3A_87 = arith.addi %mul3A_84, %mul3A_86 : i32
      "tpu.region"() ({
        %run_scoped3A = tpu.sem_alloc : memref<!tpu.dma_semaphore, #tpu.memory_space<semaphore_mem>>
        %dma_start3A_88 = arith.constant 0 : i32
        %dma_start3A_89 = tpu.memref_slice %arg7[%add3A_87, %dma_start3A_88] : memref<20000x128xf32, #tpu.memory_space<hbm>> -> memref<520x128xf32, #tpu.memory_space<hbm>>
        %dma_start3A_90 = arith.constant 0 : i32
        %dma_start3A_91 = tpu.memref_slice %arg18[%mul3A_82, %dma_start3A_90] : memref<10000x128xf32, #tpu.memory_space<vmem_shared>> -> memref<520x128xf32, #tpu.memory_space<vmem_shared>>
        tpu.enqueue_dma source(%dma_start3A_91 : memref<520x128xf32, #tpu.memory_space<vmem_shared>>) target(%dma_start3A_89 : memref<520x128xf32, #tpu.memory_space<hbm>>) target_semaphore(%run_scoped3A : memref<!tpu.dma_semaphore, #tpu.memory_space<semaphore_mem>>)
        %dma_wait3A_92 = arith.constant 0 : i32
        %dma_wait3A_93 = tpu.memref_slice %arg7[%add3A_87, %dma_wait3A_92] : memref<20000x128xf32, #tpu.memory_space<hbm>> -> memref<520x128xf32, #tpu.memory_space<hbm>>
        %dma_wait3A_94 = arith.constant 0 : i32
        %dma_wait3A_95 = tpu.memref_slice %arg18[%mul3A_82, %dma_wait3A_94] : memref<10000x128xf32, #tpu.memory_space<vmem_shared>> -> memref<520x128xf32, #tpu.memory_space<vmem_shared>>
        tpu.wait_dma2 semaphore(%run_scoped3A : memref<!tpu.dma_semaphore, #tpu.memory_space<semaphore_mem>>) src(%dma_wait3A_95 : memref<520x128xf32, #tpu.memory_space<vmem_shared>>) dst(%dma_wait3A_93 : memref<520x128xf32, #tpu.memory_space<hbm>>)
        tpu.yield
      }) : () -> ()
    } else {
    }
    return
  }
}

module attributes {stable_mosaic.version = 14 : i64} {
  func.func @body(%arg0: i32, %arg1: memref<8000x16xf32, #tpu.memory_space<vmem>>, %arg2: memref<16x128xf32, #tpu.memory_space<vmem>>, %arg3: memref<8000x128xf32, #tpu.memory_space<vmem>>) attributes {dimension_semantics = [#tpu.dimension_semantics<arbitrary>], iteration_bounds = array<i64: 40>, scalar_prefetch = 0 : i64, scratch_operands = 0 : i64, tpu.core_type = #tpu.core_type<tc>, window_params = [{transform_indices = @transform_0, window_bounds = array<i64: 8000, 16>}, {pipeline_mode = #tpu.pipeline_mode<synchronous>, transform_indices = @transform_1, window_bounds = array<i64: 16, 128>}, {transform_indices = @transform_2, window_bounds = array<i64: 8000, 128>}]} {
    %get3A = arith.constant 0 : index
    %get3A_0 = arith.constant 0 : index
    %get3A_1 = vector.load %arg1[%get3A, %get3A_0] : memref<8000x16xf32, #tpu.memory_space<vmem>>, vector<8000x16xf32>
    %get3A_2 = arith.constant 0 : index
    %get3A_3 = arith.constant 0 : index
    %get3A_4 = vector.load %arg2[%get3A_2, %get3A_3] : memref<16x128xf32, #tpu.memory_space<vmem>>, vector<16x128xf32>
    %dot_general3A = arith.constant dense<0.000000e+00> : vector<8000x128xf32>
    %dot_general3A_5 = tpu.matmul %get3A_1, %get3A_4, %dot_general3A {dimension_numbers = #tpu.dot_dimension_numbers<[1], [0], [0], [1], [0, 0, 1, 1], [], []>, transpose_lhs_hint = false} : vector<8000x16xf32>, vector<16x128xf32>, vector<8000x128xf32> -> vector<8000x128xf32>
    %max3A = arith.constant 0.000000e+00 : f32
    %max3A_6 = vector.broadcast %max3A : f32 to vector<8000x128xf32>
    %max3A_7 = arith.maximumf %dot_general3A_5, %max3A_6 : vector<8000x128xf32>
    %swap3A = arith.constant 0 : index
    %swap3A_8 = arith.constant 0 : index
    %swap3A_9 = vector.load %arg3[%swap3A, %swap3A_8] : memref<8000x128xf32, #tpu.memory_space<vmem>>, vector<8000x128xf32>
    tpu.vector_store %arg3[%swap3A, %swap3A_8], %max3A_7 {strides = array<i32>} : memref<8000x128xf32, #tpu.memory_space<vmem>>, vector<8000x128xf32>,
    return
  }
  func.func @transform_0(%arg0: i32) -> (i32, i32) {
    %c0_i32 = arith.constant 0 : i32
    %c0_i32_0 = arith.constant 0 : i32
    return %arg0, %c0_i32 : i32, i32
  }
  func.func @transform_1(%arg0: i32) -> (i32, i32) {
    %c0_i32 = arith.constant 0 : i32
    %c0_i32_0 = arith.constant 0 : i32
    %c0_i32_1 = arith.constant 0 : i32
    return %c0_i32, %c0_i32_0 : i32, i32
  }
  func.func @transform_2(%arg0: i32) -> (i32, i32) {
    %c0_i32 = arith.constant 0 : i32
    %c0_i32_0 = arith.constant 0 : i32
    return %arg0, %c0_i32 : i32, i32
  }
}

module attributes {stable_mosaic.version = 14 : i64} {
  func.func @body(%arg0: memref<2x320000xi32, #tpu.memory_space<vmem>>, %arg1: memref<320000xi32, #tpu.memory_space<vmem>>, %arg2: memref<320000xi32, #tpu.memory_space<vmem>>) attributes {dimension_semantics = [], scalar_prefetch = 0 : i64, scratch_operands = 0 : i64, tpu.core_type = #tpu.core_type<tc>} {
    %get3A = arith.constant 0 : index
    %get3A_0 = arith.constant 0 : index
    %get3A_1 = vector.load %arg0[%get3A, %get3A_0] : memref<2x320000xi32, #tpu.memory_space<vmem>>, vector<1x320000xi32>
    %get3A_2 = vector.shape_cast %get3A_1 : vector<1x320000xi32> to vector<320000xi32>
    %swap3A = arith.constant 0 : index
    %swap3A_3 = vector.load %arg1[%swap3A] : memref<320000xi32, #tpu.memory_space<vmem>>, vector<320000xi32>
    tpu.vector_store %arg1[%swap3A], %get3A_2 {strides = array<i32>} : memref<320000xi32, #tpu.memory_space<vmem>>, vector<320000xi32>,
    %get3A_4 = arith.constant 1 : index
    %get3A_5 = arith.constant 0 : index
    %get3A_6 = vector.load %arg0[%get3A_4, %get3A_5] : memref<2x320000xi32, #tpu.memory_space<vmem>>, vector<1x320000xi32>
    %get3A_7 = vector.shape_cast %get3A_6 : vector<1x320000xi32> to vector<320000xi32>
    %swap3A_8 = arith.constant 0 : index
    %swap3A_9 = vector.load %arg2[%swap3A_8] : memref<320000xi32, #tpu.memory_space<vmem>>, vector<320000xi32>
    tpu.vector_store %arg2[%swap3A_8], %get3A_7 {strides = array<i32>} : memref<320000xi32, #tpu.memory_space<vmem>>, vector<320000xi32>,
    return
  }
}

module attributes {stable_mosaic.version = 14 : i64} {
  func.func @body(%arg0: i32, %arg1: memref<400x128xf32, #tpu.memory_space<vmem>>, %arg2: memref<128x128xf32, #tpu.memory_space<vmem>>, %arg3: memref<1x128xf32, #tpu.memory_space<vmem>>, %arg4: memref<400x128xf32, #tpu.memory_space<vmem>>, %arg5: memref<400x128xf32, #tpu.memory_space<vmem>>) attributes {dimension_semantics = [#tpu.dimension_semantics<arbitrary>], iteration_bounds = array<i64: 25>, scalar_prefetch = 0 : i64, scratch_operands = 0 : i64, tpu.core_type = #tpu.core_type<tc>, window_params = [{transform_indices = @transform_0, window_bounds = array<i64: 400, 128>}, {pipeline_mode = #tpu.pipeline_mode<synchronous>, transform_indices = @transform_1, window_bounds = array<i64: 128, 128>}, {pipeline_mode = #tpu.pipeline_mode<synchronous>, transform_indices = @transform_2, window_bounds = array<i64: 1, 128>}, {transform_indices = @transform_3, window_bounds = array<i64: 400, 128>}, {transform_indices = @transform_4, window_bounds = array<i64: 400, 128>}]} {
    %get3A = arith.constant 0 : index
    %get3A_0 = arith.constant 0 : index
    %get3A_1 = vector.load %arg1[%get3A, %get3A_0] : memref<400x128xf32, #tpu.memory_space<vmem>>, vector<400x128xf32>
    %get3A_2 = arith.constant 0 : index
    %get3A_3 = arith.constant 0 : index
    %get3A_4 = vector.load %arg2[%get3A_2, %get3A_3] : memref<128x128xf32, #tpu.memory_space<vmem>>, vector<128x128xf32>
    %dot_general3A = arith.constant dense<0.000000e+00> : vector<400x128xf32>
    %dot_general3A_5 = tpu.matmul %get3A_1, %get3A_4, %dot_general3A {dimension_numbers = #tpu.dot_dimension_numbers<[1], [0], [0], [1], [0, 0, 1, 1], [], []>, transpose_lhs_hint = false} : vector<400x128xf32>, vector<128x128xf32>, vector<400x128xf32> -> vector<400x128xf32>
    %get3A_6 = arith.constant 0 : index
    %get3A_7 = arith.constant 0 : index
    %get3A_8 = vector.load %arg3[%get3A_6, %get3A_7] : memref<1x128xf32, #tpu.memory_space<vmem>>, vector<1x128xf32>
    %add3A = vector.broadcast %get3A_8 : vector<1x128xf32> to vector<400x128xf32>
    %add3A_9 = arith.addf %dot_general3A_5, %add3A : vector<400x128xf32>
    %get3A_10 = arith.constant 0 : index
    %get3A_11 = arith.constant 0 : index
    %get3A_12 = vector.load %arg4[%get3A_10, %get3A_11] : memref<400x128xf32, #tpu.memory_space<vmem>>, vector<400x128xf32>
    %add3A_13 = arith.addf %add3A_9, %get3A_12 : vector<400x128xf32>
    %swap3A = arith.constant 0 : index
    %swap3A_14 = arith.constant 0 : index
    %swap3A_15 = vector.load %arg5[%swap3A, %swap3A_14] : memref<400x128xf32, #tpu.memory_space<vmem>>, vector<400x128xf32>
    tpu.vector_store %arg5[%swap3A, %swap3A_14], %add3A_13 {strides = array<i32>} : memref<400x128xf32, #tpu.memory_space<vmem>>, vector<400x128xf32>,
    return
  }
  func.func @transform_0(%arg0: i32) -> (i32, i32) {
    %c0_i32 = arith.constant 0 : i32
    %c0_i32_0 = arith.constant 0 : i32
    return %arg0, %c0_i32 : i32, i32
  }
  func.func @transform_1(%arg0: i32) -> (i32, i32) {
    %c0_i32 = arith.constant 0 : i32
    %c0_i32_0 = arith.constant 0 : i32
    %c0_i32_1 = arith.constant 0 : i32
    return %c0_i32, %c0_i32_0 : i32, i32
  }
  func.func @transform_2(%arg0: i32) -> (i32, i32) {
    %c0_i32 = arith.constant 0 : i32
    %c0_i32_0 = arith.constant 0 : i32
    %c0_i32_1 = arith.constant 0 : i32
    return %c0_i32, %c0_i32_0 : i32, i32
  }
  func.func @transform_3(%arg0: i32) -> (i32, i32) {
    %c0_i32 = arith.constant 0 : i32
    %c0_i32_0 = arith.constant 0 : i32
    return %arg0, %c0_i32 : i32, i32
  }
  func.func @transform_4(%arg0: i32) -> (i32, i32) {
    %c0_i32 = arith.constant 0 : i32
    %c0_i32_0 = arith.constant 0 : i32
    return %arg0, %c0_i32 : i32, i32
  }
}

module attributes {stable_mosaic.version = 14 : i64} {
  func.func @body(%arg0: i32, %arg1: memref<400x128xf32, #tpu.memory_space<vmem>>, %arg2: memref<400x128xf32, #tpu.memory_space<vmem>>, %arg3: memref<400x128xf32, #tpu.memory_space<vmem>>, %arg4: memref<128x128xf32, #tpu.memory_space<vmem>>, %arg5: memref<128x128xf32, #tpu.memory_space<vmem>>, %arg6: memref<1x128xf32, #tpu.memory_space<vmem>>, %arg7: memref<1x128xf32, #tpu.memory_space<vmem>>, %arg8: memref<400x128xf32, #tpu.memory_space<vmem>>) attributes {dimension_semantics = [#tpu.dimension_semantics<arbitrary>], iteration_bounds = array<i64: 25>, scalar_prefetch = 0 : i64, scratch_operands = 0 : i64, tpu.core_type = #tpu.core_type<tc>, window_params = [{transform_indices = @transform_0, window_bounds = array<i64: 400, 128>}, {transform_indices = @transform_1, window_bounds = array<i64: 400, 128>}, {transform_indices = @transform_2, window_bounds = array<i64: 400, 128>}, {pipeline_mode = #tpu.pipeline_mode<synchronous>, transform_indices = @transform_3, window_bounds = array<i64: 128, 128>}, {pipeline_mode = #tpu.pipeline_mode<synchronous>, transform_indices = @transform_4, window_bounds = array<i64: 128, 128>}, {pipeline_mode = #tpu.pipeline_mode<synchronous>, transform_indices = @transform_5, window_bounds = array<i64: 1, 128>}, {pipeline_mode = #tpu.pipeline_mode<synchronous>, transform_indices = @transform_6, window_bounds = array<i64: 1, 128>}, {transform_indices = @transform_7, window_bounds = array<i64: 400, 128>}]} {
    %get3A = arith.constant 0 : index
    %get3A_0 = arith.constant 0 : index
    %get3A_1 = vector.load %arg1[%get3A, %get3A_0] : memref<400x128xf32, #tpu.memory_space<vmem>>, vector<400x128xf32>
    %get3A_2 = arith.constant 0 : index
    %get3A_3 = arith.constant 0 : index
    %get3A_4 = vector.load %arg2[%get3A_2, %get3A_3] : memref<400x128xf32, #tpu.memory_space<vmem>>, vector<400x128xf32>
    %add3A = arith.addf %get3A_1, %get3A_4 : vector<400x128xf32>
    %get3A_5 = arith.constant 0 : index
    %get3A_6 = arith.constant 0 : index
    %get3A_7 = vector.load %arg4[%get3A_5, %get3A_6] : memref<128x128xf32, #tpu.memory_space<vmem>>, vector<128x128xf32>
    %dot_general3A = arith.constant dense<0.000000e+00> : vector<400x128xf32>
    %dot_general3A_8 = tpu.matmul %add3A, %get3A_7, %dot_general3A {dimension_numbers = #tpu.dot_dimension_numbers<[1], [0], [0], [1], [0, 0, 1, 1], [], []>, transpose_lhs_hint = false} : vector<400x128xf32>, vector<128x128xf32>, vector<400x128xf32> -> vector<400x128xf32>
    %get3A_9 = arith.constant 0 : index
    %get3A_10 = arith.constant 0 : index
    %get3A_11 = vector.load %arg3[%get3A_9, %get3A_10] : memref<400x128xf32, #tpu.memory_space<vmem>>, vector<400x128xf32>
    %get3A_12 = arith.constant 0 : index
    %get3A_13 = arith.constant 0 : index
    %get3A_14 = vector.load %arg5[%get3A_12, %get3A_13] : memref<128x128xf32, #tpu.memory_space<vmem>>, vector<128x128xf32>
    %dot_general3A_15 = arith.constant dense<0.000000e+00> : vector<400x128xf32>
    %dot_general3A_16 = tpu.matmul %get3A_11, %get3A_14, %dot_general3A_15 {dimension_numbers = #tpu.dot_dimension_numbers<[1], [0], [0], [1], [0, 0, 1, 1], [], []>, transpose_lhs_hint = false} : vector<400x128xf32>, vector<128x128xf32>, vector<400x128xf32> -> vector<400x128xf32>
    %add3A_17 = arith.addf %dot_general3A_8, %dot_general3A_16 : vector<400x128xf32>
    %reduce_sum3A = arith.constant dense<0.000000e+00> : vector<400xf32>
    %reduce_sum3A_18 = vector.multi_reduction <add>, %add3A_17, %reduce_sum3A [1] : vector<400x128xf32> to vector<400xf32>
    %broadcast_in_dim3A = vector.shape_cast %reduce_sum3A_18 : vector<400xf32> to vector<400x1xf32>
    %div3A = arith.constant 1.280000e+02 : f32
    %div3A_19 = vector.broadcast %div3A : f32 to vector<400x1xf32>
    %div3A_20 = arith.divf %broadcast_in_dim3A, %div3A_19 : vector<400x1xf32>
    %sub3A = vector.broadcast %div3A_20 : vector<400x1xf32> to vector<400x128xf32>
    %sub3A_21 = arith.subf %add3A_17, %sub3A : vector<400x128xf32>
    %integer_pow3A = arith.mulf %sub3A_21, %sub3A_21 : vector<400x128xf32>
    %reduce_sum3A_22 = arith.constant dense<0.000000e+00> : vector<400xf32>
    %reduce_sum3A_23 = vector.multi_reduction <add>, %integer_pow3A, %reduce_sum3A_22 [1] : vector<400x128xf32> to vector<400xf32>
    %broadcast_in_dim3A_24 = vector.shape_cast %reduce_sum3A_23 : vector<400xf32> to vector<400x1xf32>
    %div3A_25 = arith.constant 1.280000e+02 : f32
    %div3A_26 = vector.broadcast %div3A_25 : f32 to vector<400x1xf32>
    %div3A_27 = arith.divf %broadcast_in_dim3A_24, %div3A_26 : vector<400x1xf32>
    %sub3A_28 = vector.broadcast %div3A_20 : vector<400x1xf32> to vector<400x128xf32>
    %sub3A_29 = arith.subf %add3A_17, %sub3A_28 : vector<400x128xf32>
    %add3A_30 = arith.constant 9.99999974E-6 : f32
    %add3A_31 = vector.broadcast %add3A_30 : f32 to vector<400x1xf32>
    %add3A_32 = arith.addf %div3A_27, %add3A_31 : vector<400x1xf32>
    %rsqrt3A = math.rsqrt %add3A_32 : vector<400x1xf32>
    %mul3A = vector.broadcast %rsqrt3A : vector<400x1xf32> to vector<400x128xf32>
    %mul3A_33 = arith.mulf %sub3A_29, %mul3A : vector<400x128xf32>
    %get3A_34 = arith.constant 0 : index
    %get3A_35 = arith.constant 0 : index
    %get3A_36 = vector.load %arg6[%get3A_34, %get3A_35] : memref<1x128xf32, #tpu.memory_space<vmem>>, vector<1x128xf32>
    %mul3A_37 = vector.broadcast %get3A_36 : vector<1x128xf32> to vector<400x128xf32>
    %mul3A_38 = arith.mulf %mul3A_33, %mul3A_37 : vector<400x128xf32>
    %get3A_39 = arith.constant 0 : index
    %get3A_40 = arith.constant 0 : index
    %get3A_41 = vector.load %arg7[%get3A_39, %get3A_40] : memref<1x128xf32, #tpu.memory_space<vmem>>, vector<1x128xf32>
    %add3A_42 = vector.broadcast %get3A_41 : vector<1x128xf32> to vector<400x128xf32>
    %add3A_43 = arith.addf %mul3A_38, %add3A_42 : vector<400x128xf32>
    %swap3A = arith.constant 0 : index
    %swap3A_44 = arith.constant 0 : index
    %swap3A_45 = vector.load %arg8[%swap3A, %swap3A_44] : memref<400x128xf32, #tpu.memory_space<vmem>>, vector<400x128xf32>
    tpu.vector_store %arg8[%swap3A, %swap3A_44], %add3A_43 {strides = array<i32>} : memref<400x128xf32, #tpu.memory_space<vmem>>, vector<400x128xf32>,
    return
  }
  func.func @transform_0(%arg0: i32) -> (i32, i32) {
    %c0_i32 = arith.constant 0 : i32
    %c0_i32_0 = arith.constant 0 : i32
    return %arg0, %c0_i32 : i32, i32
  }
  func.func @transform_1(%arg0: i32) -> (i32, i32) {
    %add3A = arith.constant 25 : i32
    %add3A_0 = arith.addi %add3A, %arg0 : i32
    %c0_i32 = arith.constant 0 : i32
    %c0_i32_1 = arith.constant 0 : i32
    return %add3A_0, %c0_i32 : i32, i32
  }
  func.func @transform_2(%arg0: i32) -> (i32, i32) {
    %c0_i32 = arith.constant 0 : i32
    %c0_i32_0 = arith.constant 0 : i32
    return %arg0, %c0_i32 : i32, i32
  }
  func.func @transform_3(%arg0: i32) -> (i32, i32) {
    %c0_i32 = arith.constant 0 : i32
    %c0_i32_0 = arith.constant 0 : i32
    %c0_i32_1 = arith.constant 0 : i32
    return %c0_i32, %c0_i32_0 : i32, i32
  }
  func.func @transform_4(%arg0: i32) -> (i32, i32) {
    %c0_i32 = arith.constant 0 : i32
    %c0_i32_0 = arith.constant 0 : i32
    %c0_i32_1 = arith.constant 0 : i32
    return %c0_i32, %c0_i32_0 : i32, i32
  }
  func.func @transform_5(%arg0: i32) -> (i32, i32) {
    %c0_i32 = arith.constant 0 : i32
    %c0_i32_0 = arith.constant 0 : i32
    %c0_i32_1 = arith.constant 0 : i32
    return %c0_i32, %c0_i32_0 : i32, i32
  }
  func.func @transform_6(%arg0: i32) -> (i32, i32) {
    %c0_i32 = arith.constant 0 : i32
    %c0_i32_0 = arith.constant 0 : i32
    %c0_i32_1 = arith.constant 0 : i32
    return %c0_i32, %c0_i32_0 : i32, i32
  }
  func.func @transform_7(%arg0: i32) -> (i32, i32) {
    %c0_i32 = arith.constant 0 : i32
    %c0_i32_0 = arith.constant 0 : i32
    return %arg0, %c0_i32 : i32, i32
  }
}

module attributes {stable_mosaic.version = 14 : i64} {
  func.func @body(%arg0: i32, %arg1: memref<400x128xf32, #tpu.memory_space<vmem>>, %arg2: memref<400x128xf32, #tpu.memory_space<vmem>>, %arg3: memref<400x128xf32, #tpu.memory_space<vmem>>, %arg4: memref<128x128xf32, #tpu.memory_space<vmem>>, %arg5: memref<128x128xf32, #tpu.memory_space<vmem>>, %arg6: memref<1x128xf32, #tpu.memory_space<vmem>>, %arg7: memref<1x128xf32, #tpu.memory_space<vmem>>, %arg8: memref<400x128xf32, #tpu.memory_space<vmem>>) attributes {dimension_semantics = [#tpu.dimension_semantics<arbitrary>], iteration_bounds = array<i64: 25>, scalar_prefetch = 0 : i64, scratch_operands = 0 : i64, tpu.core_type = #tpu.core_type<tc>, window_params = [{transform_indices = @transform_0, window_bounds = array<i64: 400, 128>}, {transform_indices = @transform_1, window_bounds = array<i64: 400, 128>}, {transform_indices = @transform_2, window_bounds = array<i64: 400, 128>}, {pipeline_mode = #tpu.pipeline_mode<synchronous>, transform_indices = @transform_3, window_bounds = array<i64: 128, 128>}, {pipeline_mode = #tpu.pipeline_mode<synchronous>, transform_indices = @transform_4, window_bounds = array<i64: 128, 128>}, {pipeline_mode = #tpu.pipeline_mode<synchronous>, transform_indices = @transform_5, window_bounds = array<i64: 1, 128>}, {pipeline_mode = #tpu.pipeline_mode<synchronous>, transform_indices = @transform_6, window_bounds = array<i64: 1, 128>}, {transform_indices = @transform_7, window_bounds = array<i64: 400, 128>}]} {
    %get3A = arith.constant 0 : index
    %get3A_0 = arith.constant 0 : index
    %get3A_1 = vector.load %arg1[%get3A, %get3A_0] : memref<400x128xf32, #tpu.memory_space<vmem>>, vector<400x128xf32>
    %get3A_2 = arith.constant 0 : index
    %get3A_3 = arith.constant 0 : index
    %get3A_4 = vector.load %arg2[%get3A_2, %get3A_3] : memref<400x128xf32, #tpu.memory_space<vmem>>, vector<400x128xf32>
    %add3A = arith.addf %get3A_1, %get3A_4 : vector<400x128xf32>
    %get3A_5 = arith.constant 0 : index
    %get3A_6 = arith.constant 0 : index
    %get3A_7 = vector.load %arg4[%get3A_5, %get3A_6] : memref<128x128xf32, #tpu.memory_space<vmem>>, vector<128x128xf32>
    %dot_general3A = arith.constant dense<0.000000e+00> : vector<400x128xf32>
    %dot_general3A_8 = tpu.matmul %add3A, %get3A_7, %dot_general3A {dimension_numbers = #tpu.dot_dimension_numbers<[1], [0], [0], [1], [0, 0, 1, 1], [], []>, transpose_lhs_hint = false} : vector<400x128xf32>, vector<128x128xf32>, vector<400x128xf32> -> vector<400x128xf32>
    %get3A_9 = arith.constant 0 : index
    %get3A_10 = arith.constant 0 : index
    %get3A_11 = vector.load %arg3[%get3A_9, %get3A_10] : memref<400x128xf32, #tpu.memory_space<vmem>>, vector<400x128xf32>
    %get3A_12 = arith.constant 0 : index
    %get3A_13 = arith.constant 0 : index
    %get3A_14 = vector.load %arg5[%get3A_12, %get3A_13] : memref<128x128xf32, #tpu.memory_space<vmem>>, vector<128x128xf32>
    %dot_general3A_15 = arith.constant dense<0.000000e+00> : vector<400x128xf32>
    %dot_general3A_16 = tpu.matmul %get3A_11, %get3A_14, %dot_general3A_15 {dimension_numbers = #tpu.dot_dimension_numbers<[1], [0], [0], [1], [0, 0, 1, 1], [], []>, transpose_lhs_hint = false} : vector<400x128xf32>, vector<128x128xf32>, vector<400x128xf32> -> vector<400x128xf32>
    %add3A_17 = arith.addf %dot_general3A_8, %dot_general3A_16 : vector<400x128xf32>
    %reduce_sum3A = arith.constant dense<0.000000e+00> : vector<400xf32>
    %reduce_sum3A_18 = vector.multi_reduction <add>, %add3A_17, %reduce_sum3A [1] : vector<400x128xf32> to vector<400xf32>
    %broadcast_in_dim3A = vector.shape_cast %reduce_sum3A_18 : vector<400xf32> to vector<400x1xf32>
    %div3A = arith.constant 1.280000e+02 : f32
    %div3A_19 = vector.broadcast %div3A : f32 to vector<400x1xf32>
    %div3A_20 = arith.divf %broadcast_in_dim3A, %div3A_19 : vector<400x1xf32>
    %sub3A = vector.broadcast %div3A_20 : vector<400x1xf32> to vector<400x128xf32>
    %sub3A_21 = arith.subf %add3A_17, %sub3A : vector<400x128xf32>
    %integer_pow3A = arith.mulf %sub3A_21, %sub3A_21 : vector<400x128xf32>
    %reduce_sum3A_22 = arith.constant dense<0.000000e+00> : vector<400xf32>
    %reduce_sum3A_23 = vector.multi_reduction <add>, %integer_pow3A, %reduce_sum3A_22 [1] : vector<400x128xf32> to vector<400xf32>
    %broadcast_in_dim3A_24 = vector.shape_cast %reduce_sum3A_23 : vector<400xf32> to vector<400x1xf32>
    %div3A_25 = arith.constant 1.280000e+02 : f32
    %div3A_26 = vector.broadcast %div3A_25 : f32 to vector<400x1xf32>
    %div3A_27 = arith.divf %broadcast_in_dim3A_24, %div3A_26 : vector<400x1xf32>
    %sub3A_28 = vector.broadcast %div3A_20 : vector<400x1xf32> to vector<400x128xf32>
    %sub3A_29 = arith.subf %add3A_17, %sub3A_28 : vector<400x128xf32>
    %add3A_30 = arith.constant 9.99999974E-6 : f32
    %add3A_31 = vector.broadcast %add3A_30 : f32 to vector<400x1xf32>
    %add3A_32 = arith.addf %div3A_27, %add3A_31 : vector<400x1xf32>
    %rsqrt3A = math.rsqrt %add3A_32 : vector<400x1xf32>
    %mul3A = vector.broadcast %rsqrt3A : vector<400x1xf32> to vector<400x128xf32>
    %mul3A_33 = arith.mulf %sub3A_29, %mul3A : vector<400x128xf32>
    %get3A_34 = arith.constant 0 : index
    %get3A_35 = arith.constant 0 : index
    %get3A_36 = vector.load %arg6[%get3A_34, %get3A_35] : memref<1x128xf32, #tpu.memory_space<vmem>>, vector<1x128xf32>
    %mul3A_37 = vector.broadcast %get3A_36 : vector<1x128xf32> to vector<400x128xf32>
    %mul3A_38 = arith.mulf %mul3A_33, %mul3A_37 : vector<400x128xf32>
    %get3A_39 = arith.constant 0 : index
    %get3A_40 = arith.constant 0 : index
    %get3A_41 = vector.load %arg7[%get3A_39, %get3A_40] : memref<1x128xf32, #tpu.memory_space<vmem>>, vector<1x128xf32>
    %add3A_42 = vector.broadcast %get3A_41 : vector<1x128xf32> to vector<400x128xf32>
    %add3A_43 = arith.addf %mul3A_38, %add3A_42 : vector<400x128xf32>
    %swap3A = arith.constant 0 : index
    %swap3A_44 = arith.constant 0 : index
    %swap3A_45 = vector.load %arg8[%swap3A, %swap3A_44] : memref<400x128xf32, #tpu.memory_space<vmem>>, vector<400x128xf32>
    tpu.vector_store %arg8[%swap3A, %swap3A_44], %add3A_43 {strides = array<i32>} : memref<400x128xf32, #tpu.memory_space<vmem>>, vector<400x128xf32>,
    return
  }
  func.func @transform_0(%arg0: i32) -> (i32, i32) {
    %c0_i32 = arith.constant 0 : i32
    %c0_i32_0 = arith.constant 0 : i32
    return %arg0, %c0_i32 : i32, i32
  }
  func.func @transform_1(%arg0: i32) -> (i32, i32) {
    %add3A = arith.constant 25 : i32
    %add3A_0 = arith.addi %add3A, %arg0 : i32
    %c0_i32 = arith.constant 0 : i32
    %c0_i32_1 = arith.constant 0 : i32
    return %add3A_0, %c0_i32 : i32, i32
  }
  func.func @transform_2(%arg0: i32) -> (i32, i32) {
    %c0_i32 = arith.constant 0 : i32
    %c0_i32_0 = arith.constant 0 : i32
    return %arg0, %c0_i32 : i32, i32
  }
  func.func @transform_3(%arg0: i32) -> (i32, i32) {
    %c0_i32 = arith.constant 0 : i32
    %c0_i32_0 = arith.constant 0 : i32
    %c0_i32_1 = arith.constant 0 : i32
    return %c0_i32, %c0_i32_0 : i32, i32
  }
  func.func @transform_4(%arg0: i32) -> (i32, i32) {
    %c0_i32 = arith.constant 0 : i32
    %c0_i32_0 = arith.constant 0 : i32
    %c0_i32_1 = arith.constant 0 : i32
    return %c0_i32, %c0_i32_0 : i32, i32
  }
  func.func @transform_5(%arg0: i32) -> (i32, i32) {
    %c0_i32 = arith.constant 0 : i32
    %c0_i32_0 = arith.constant 0 : i32
    %c0_i32_1 = arith.constant 0 : i32
    return %c0_i32, %c0_i32_0 : i32, i32
  }
  func.func @transform_6(%arg0: i32) -> (i32, i32) {
    %c0_i32 = arith.constant 0 : i32
    %c0_i32_0 = arith.constant 0 : i32
    %c0_i32_1 = arith.constant 0 : i32
    return %c0_i32, %c0_i32_0 : i32, i32
  }
  func.func @transform_7(%arg0: i32) -> (i32, i32) {
    %c0_i32 = arith.constant 0 : i32
    %c0_i32_0 = arith.constant 0 : i32
    return %arg0, %c0_i32 : i32, i32
  }
}

</mosaic_0001>

<sc_bundles>
// kernel: kernel.11.cloned.1.call-start
scs
__scs_entry_jumppad:
0x0: {  	(pc) =	sbr.rel $0x88, $3  }
0x1: {  	(tag) =	ssettag $0x0;
	lr =	simm.s32 $0x1  }
0x2: {  	[smem:$0x3F90] =	sst lr;
	_ =	strace $0xD0000000  }
0x3: {  	_ = 	snop  }
0x4: {  	_ = 	snop  }
0x5: {  	_ = 	snop  }
0x6: {  	_ = 	snop  }
0x7: {  	_ = 	snop  }
__scs_overlays_trampoline_lowered:
0x8: {  	[smem:$0x3F9F] =	sst s0  }
0x9: {  	[smem:$0x3FA0] =	sst s1  }
0xa: {  	[smem:$0x3FA1] =	sst s2  }
0xb: {  	[smem:$0x3FA2] =	sst s3  }
0xc: {  	[smem:$0x3FA3] =	sst s4  }
0xd: {  	[smem:$0x3FA4] =	sst s5  }
0xe: {  	[smem:$0x3FA5] =	sst s6  }
0xf: {  	[smem:$0x3FA6] =	sst s7  }
0x10: {  	[smem:$0x3FA7] =	sst s8  }
0x11: {  	[smem:$0x3FA8] =	sst s9;
	s0 =	simm.s32 @!p0 $0x0  }
0x12: {  	s1 =	sld [smem:$0x3F8E];
	s0 =	simm.s32 @p0 $0x1  }
0x13: {  	[smem:$0x3FA9] =	sst s0;
	s0 =	simm.s32 @!p1 $0x0  }
0x14: {  	s2 =	sld [smem:$0x3F8D];
	s0 =	simm.s32 @p1 $0x1  }
0x15: {  	[smem:$0x3FAA] =	sst s0;
	s0 =	simm.s32 @!p2 $0x0  }
0x16: {  	s3 =	sld [smem:$0x3FDB];
	s0 =	simm.s32 @p2 $0x1  }
0x17: {  	s4 =	simm.s32 $0x1BF5;
	[smem:$0x3FAC] =	sst s0  }
0x18: {  	s0 =	sld [smem:$0x3F8F];
	_ =	swait.ge [sflag:s4], $0x0  }
0x19: {  	s7 =	sld [smem:$0x3F90]  }
0x1a: {  	s8 =	sadd.s32 $0xFFFFE003, lr  }
0x1b: {  	s9 =	sadd.s32 $0xFFFFFEF7, lr;
	s5 =	simm.s32 $0xFFFFFFFF;
	p2 =	slt.u32 s8, $0xFFFFF086  }
0x1c: {  	p1 =	slt.u32 s9, $0xF7A;
	s5 =	simm.s32 @!p2 $0x0  }
0x1d: {  	s5 =	simm.s32 @p1 $0x1;
	p0 =	seq.s32 s7, s2  }
0x1e: {  	s7 =	smul.u32 @!p0 $0xF7A, s2;
	p2 =	seq.s32 @!p0 s5, $0x0  }
0x1f: {  	s9 =	smul.u32 $0xF7A, s1;
	s8 =	simm.s32 @!p0 $0x1BF5;
	p2 =	por !p2, p0  }
0x20: {  	[sflag:s8] =	ssyncset.s32 @!p0 $0xFFFFF086;
	s6 =	sadd.s32 @!p0 s3, s7;
	s7 =	simm.s32 @!p0 $0x108  }
0x21: {  	s3 =	sadd.s32 s3, s9;
	s6 =	sadd.s32 @!p0 $0x88, s6;
	s7 =	simm.s32 @p2 $0x1082  }
0x22: {  	[simem:s7], [sflag:s8] =	dma.local @!p0 [hbm:s6], $0xF7A  }
0x23: {  	s9 =	sor.u32 $0xD0000000, s2;
	s6 =	simm.s32 $0x108;
	_ =	swait.ge @!p0 [sflag:s8], $0x0  }
0x24: {  	s3 =	sadd.s32 $0x88, s3;
	s6 =	simm.s32 @!p1 $0x1082;
	[sflag:s4] =	ssyncset.s32 $0xFFFFF086  }
0x25: {  	[simem:s6], [sflag:s4] =	dma.local [hbm:s3], $0xF7A  }
0x26: {  	[smem:$0x3F90] =	sst s1;
	(tag) =	ssettag s2;
	_ =	strace s9  }
0x27: {  	s1 =	sld [smem:$0x3FA0]  }
0x28: {  	s2 =	sld [smem:$0x3FA1]  }
0x29: {  	s4 =	sld [smem:$0x3FA3]  }
0x2a: {  	p0 =	seq.s32 s5, $0x0;
	s5 =	sld [smem:$0x3FA4]  }
0x2b: {  	s6 =	sld [smem:$0x3FA5]  }
0x2c: {  	s7 =	sld [smem:$0x3FA6]  }
0x2d: {  	s3 =	simm.s32 $0x108;
	s8 =	sld [smem:$0x3FA7]  }
0x2e: {  	s3 =	simm.s32 @!p0 $0x1082;
	s9 =	sld [smem:$0x3FA8]  }
0x2f: {  	lr =	sadd.s32 s0, s3;
	s0 =	sld [smem:$0x3F9F]  }
0x30: {  	s3 =	sld [smem:$0x3FA2]  }
0x31: {  	[smem:$0x3FAB] =	sst s10  }
0x32: {  	s10 =	sld [smem:$0x3FA9];
	_ =	sdelay $0x3  }
0x33: {  	p0 =	seq.s32 s10, $0x1;
	s10 =	sld [smem:$0x3FAB];
	_ =	sdelay $0x3  }
0x34: {  	[smem:$0x3FAB] =	sst s10  }
0x35: {  	s10 =	sld [smem:$0x3FAA];
	_ =	sdelay $0x3  }
0x36: {  	p1 =	seq.s32 s10, $0x1;
	s10 =	sld [smem:$0x3FAB];
	_ =	sdelay $0x3  }
0x37: {  	[smem:$0x3FAB] =	sst s10  }
0x38: {  	s10 =	sld [smem:$0x3FAC]  }
0x39: {  	_ = 	snop;
	(pc) =	sbr.ind lr, $3  }
0x3a: {  	_ = 	snop  }
0x3b: {  	_ = 	snop  }
0x3c: {  	p2 =	seq.s32 s10, $0x1;
	s10 =	sld [smem:$0x3FAB]  }
0x3d: {  	_ =	shalt  }
0x3e: {  	_ =	shalt  }
0x3f: {  	_ =	shalt  }
0x40: {  	_ =	shalt  }
0x41: {  	_ =	shalt  }
0x42: {  	_ =	shalt  }
0x43: {  	_ =	shalt  }
0x44: {  	_ =	shalt  }
0x45: {  	_ =	shalt  }
0x46: {  	_ =	shalt  }
0x47: {  	_ =	shalt  }
0x48: {  	_ =	shalt  }
0x49: {  	_ =	shalt  }
0x4a: {  	_ =	shalt  }
0x4b: {  	_ =	shalt  }
0x4c: {  	_ =	shalt  }
0x4d: {  	_ =	shalt  }
0x4e: {  	_ =	shalt  }
0x4f: {  	_ =	shalt  }
0x50: {  	_ =	shalt  }
0x51: {  	_ =	shalt  }
0x52: {  	_ =	shalt  }
0x53: {  	_ =	shalt  }
0x54: {  	_ =	shalt  }
0x55: {  	_ =	shalt  }
0x56: {  	_ =	shalt  }
0x57: {  	_ =	shalt  }
0x58: {  	_ =	shalt  }
0x59: {  	_ =	shalt  }
0x5a: {  	_ =	shalt  }
0x5b: {  	_ =	shalt  }
0x5c: {  	_ =	shalt  }
0x5d: {  	_ =	shalt  }
0x5e: {  	_ =	shalt  }
0x5f: {  	_ =	shalt  }
0x60: {  	_ =	shalt  }
0x61: {  	_ =	shalt  }
0x62: {  	_ =	shalt  }
0x63: {  	_ =	shalt  }
0x64: {  	_ =	shalt  }
0x65: {  	_ =	shalt  }
0x66: {  	_ =	shalt  }
0x67: {  	_ =	shalt  }
0x68: {  	_ =	shalt  }
0x69: {  	_ =	shalt  }
0x6a: {  	_ =	shalt  }
0x6b: {  	_ =	shalt  }
0x6c: {  	_ =	shalt  }
0x6d: {  	_ =	shalt  }
0x6e: {  	_ =	shalt  }
0x6f: {  	_ =	shalt  }
0x70: {  	_ =	shalt  }
0x71: {  	_ =	shalt  }
0x72: {  	_ =	shalt  }
0x73: {  	_ =	shalt  }
0x74: {  	_ =	shalt  }
0x75: {  	_ =	shalt  }
0x76: {  	_ =	shalt  }
0x77: {  	_ =	shalt  }
0x78: {  	_ =	shalt  }
0x79: {  	_ =	shalt  }
0x7a: {  	_ =	shalt  }
0x7b: {  	_ =	shalt  }
0x7c: {  	_ =	shalt  }
0x7d: {  	_ =	shalt  }
0x7e: {  	_ =	shalt  }
0x7f: {  	_ =	shalt  }
0x80: {  	_ =	shalt  }
0x81: {  	_ =	shalt  }
0x82: {  	_ =	shalt  }
0x83: {  	_ =	shalt  }
0x84: {  	_ =	shalt  }
0x85: {  	_ =	shalt  }
0x86: {  	_ =	shalt  }
0x87: {  	_ =	shalt  }
.Lfunc_end0:
.L_simem_size_0:
called_computation_lowered:
.L_overlay_start_0:
0x88: {  	s2 =	sld [smem:$0x3FD9]  }
0x89: {  	s3 =	sld [smem:$0x3FFE];
	_ =	sdelay $0x1  }
0x8a: {  	s1 =	srdreg.scid  }
0x8b: {  	s0 =	sand.u32 $0x1, s1  }
0x8c: {  	s18 =	sshll.u32 s0, $0xA;
	s2 =	sadd.s32 s3, s2  }
0x8d: {  	s2 =	sadd.s32 s2, s18  }
0x8e: {  	[smem:$0x3FB7] =	sst s2  }
0x8f: {  	_ = 	snop  }
0x90: {  	s2 =	sld [smem:$0x3FC6]  }
0x91: {  	s19 =	sld [smem:$0x3FC3]  }
0x92: {  	s4 =	sld [smem:$0x3FD0];
	(tm) =	ssettm $0x1  }
0x93: {  	s5 =	sld [smem:$0x3FFB];
	_ =	sdelay $0x3  }
0x94: {  	_ =	strace s5  }
0x95: {  	s5 =	sld [smem:$0x3FFC];
	_ =	sdelay $0x3  }
0x96: {  	_ =	strace s5  }
0x97: {  	s5 =	sld [smem:$0x3FFD];
	_ =	sdelay $0x3  }
0x98: {  	_ =	strace s5  }
0x99: {  	_ =	strace $0x8FFFFFFF  }
0x9a: {  	s20 =	sld [smem:$0x3FDB];
	_ =	sdelay $0x1  }
0x9b: {  	s6 =	simm.s32 $_scs_section_size  }
0x9c: {  	s7 =	simm.s32 $_size__tile_overlayer_lowered;
	s8 =	simm.s32 $_tile_overlayer_lowered  }
0x9d: {  	s23 =	simm.s32 $0x1BFF;
	s22 =	sshll.u32 s8, $0x1;
	s5 =	sadd.s32 s6, s20  }
0x9e: {  	s9 =	simm.s32 $0x0;
	s21 =	sshll.u32 s7, $0x1;
	s7 =	sadd.s32 s22, s5  }
0x9f: {  	[timem:s9], [sflag:s23] =	dma.local [hbm:s7], s21  }
0xa0: {  	_ =	swait.ge [sflag:s23], s21  }
0xa1: {  	s6 =	ssub.s32 $0x0, s21;
	[sflag:s23] =	ssyncset.done $0x0  }
0xa2: {  	[sflag:s23] =	ssyncadd.s32 s6;
	_ =	sdelay $0x1  }
0xa3: {  	s24 =	simm.s32 $0x1B8B  }
0xa4: {  	_ =	swait.ge [sflag:s24], $0x1  }
0xa5: {  	[sflag:s24] =	ssyncset.done $0x0  }
0xa6: {  	s25 =	simm.s32 $0x1B8E;
	[sflag:s24] =	ssyncadd.s32 $0xFFFFFFFF  }
0xa7: {  	s26 =	simm.s32 $execute0_lowered;
	[smem:$0x3FD2] =	sst s25  }
0xa8: {  	s6 =	sshll.u32 s26, $0x1;
	_ =	strace $0x80000046;
	[dreg:$0x1] =	wrdreg $0xFFFFFFFF  }
0xa9: {  	s28 =	simm.s32 $_size_execute0_lowered;
	s5 =	sadd.s32 s5, s6;
	[dreg:$0x0] =	wrdreg $0x0  }
0xaa: {  	s6 =	sshll.u32 s28, $0x1;
	[dreg:$0x2] =	wrdreg s5  }
0xab: {  	[dreg:$0x3] =	wrdreg s6  }
0xac: {  	[dreg:$0x4] =	wrdreg $0xC0  }
0xad: {  	_ =	task [dreg:s9], $0x5FFFF  }
0xae: {  	[dreg:$0x1] =	wrdreg $0xFFFFFFFF  }
0xaf: {  	[dreg:$0x0] =	wrdreg $0x60  }
0xb0: {  	[dreg:$0x2] =	wrdreg s19  }
0xb1: {  	[dreg:$0x3] =	wrdreg s2  }
0xb2: {  	[dreg:$0x4] =	wrdreg s4  }
0xb3: {  	[dreg:$0x5] =	wrdreg $0x9  }
0xb4: {  	_ =	task.clear_ibuf [dreg:s9], $0x6FFFF;
	_ =	strace $0x90000046  }
0xb5: {  	s29 =	simm.s32 $0x9;
	_ =	strace $0x80000048  }
0xb6: {  	_ =	swait.ge [sflag:s29], $0x1  }
0xb7: {  	[sflag:s29] =	ssyncadd.s32 $0xFFFFFFFF  }
0xb8: {  	_ =	strace $0x90000048  }
0xb9: {  	_ =	sfence  }
0xba: {  	s30 =	sld [smem:$0x0];
	_ =	sdelay $0x2  }
0xbb: {  	s31 =	sshll.u32 s1, $0xD;
	s1 =	sshrl.u32 s1, $0x2  }
0xbc: {  	s3 =	sand.u32 $0x4000, s31;
	s1 =	sadd.s32 s1, s30  }
0xbd: {  	s0 =	sor.u32 s3, s0;
	s1 =	sshll.u32 s1, $0x11  }
0xbe: {  	s0 =	sor.u32 s1, s0  }
0xbf: {  	s0 =	sadd.s32 $0x8F2B, s0  }
0xc0: {  	[sflag:s0] =	ssyncadd.remote.s32 $0x1  }
0xc1: {  	_ =	sfence.sel $0xFFFF  }
0xc2: {  	[dreg:$0x0] =	wrdreg $0xFFFFFFFF;
	(pc) =	sbr.abs _section_cstart, $3  }
0xc3: {  	[dreg:$0x1] =	wrdreg $0xFFFFFFFF  }
0xc4: {  	_ =	task.clear_ibuf [dreg:s9], $0x2FFFF;
	_ =	strace $0x9FFFFFFF  }
0xc5: {  	(tm) =	ssettm $0x7FFFFFFF  }
tec
execute0_lowered:
.L_overlay_start_1:
0x0: {  	(tag) =	ssettag $0x1  }
0x1: {  	s1 =	srdreg.scid;
	s0 =	stileid.u32  }
0x2: {  	s2 =	rddreg [dreg:$0x0];
	s16 =	sand.u32 $0x1, s1;
	s30 =	sshll.u32 s0, $0x1  }
0x3: {  	s15 =	rddreg [dreg:$0x1];
	s14 =	sor.u32 s16, s30  }
0x4: {  	s21 =	rddreg [dreg:$0x2];
	s3 =	simm.s32 $0x0;
	s4 =	smul.u32 $0xA, s14  }
0x5: {  	s5 =	simm.s32 $0x3;
	[smem:$0x7FF] =	sst s3  }
0x6: {  	s1 =	rddreg [dreg:$0x3];
	_ =	strace $0x80000047;
	s4 =	sadd.s32 s15, s4  }
0x7: {  	[tilespmem:s3], [sflag:$0x3] =	stream.linear.gather [hbm4b:s4+s3], $0x50, $0x38;
	[tilespmem:$0x2880] =	vst v63  }
0x8: {  	_ =	swait.ge [sflag:s5], $0x50  }
0x9: {  	s6 =	simm.s32 $0x50;
	[sflag:s5] =	ssyncset.done $0x0  }
0xa: {  	s7 =	simm.s32 $0x80;
	s8 =	simm.s32 $0x1;
	[sflag:s5] =	ssyncadd.s32 $0xFFFFFFB0  }
0xb: {  	[tilespmem:s7], [sflag:$0x1] =	stream.indirect.gather [hbm4b:s2+s6], $0x80, s3, s6, $0xb8;
	[tilespmem:$0x2880] =	vst v63  }
0xc: {  	s9 =	smul.u32 $0x500, s14;
	_ =	swait.ge [sflag:s8], $0x2800  }
0xd: {  	s10 =	simm.s32 $0x2;
	[sflag:s8] =	ssyncset.done $0x0  }
0xe: {  	s12 =	sor.u32 $0x20, s14;
	s9 =	sadd.s32 s21, s9;
	[sflag:s8] =	ssyncadd.s32 $0xFFFFD800  }
0xf: {  	[hbm4b:s9+s3] =	stream.linear.scatter [tilespmem:s7], [sflag:$0x2], $0x2800, $0x38;
	[tilespmem:$0x2880] =	vst v63  }
0x10: {  	s11 =	smul.u32 $0xA, s12;
	_ =	swait.ge [sflag:s10], $0x2800  }
0x11: {  	[sflag:s10] =	ssyncset.done $0x0  }
0x12: {  	s11 =	sadd.s32 s15, s11;
	[sflag:s10] =	ssyncadd.s32 $0xFFFFD800  }
0x13: {  	[tilespmem:s3], [sflag:$0x3] =	stream.linear.gather [hbm4b:s11+s3], $0x50, $0x38;
	[tilespmem:$0x2880] =	vst v63  }
0x14: {  	_ =	swait.ge [sflag:s5], $0x50  }
0x15: {  	[sflag:s5] =	ssyncset.done $0x0  }
0x16: {  	[sflag:s5] =	ssyncadd.s32 $0xFFFFFFB0  }
0x17: {  	[tilespmem:s7], [sflag:$0x1] =	stream.indirect.gather [hbm4b:s2+s6], $0x80, s3, s6, $0xb8;
	[tilespmem:$0x2880] =	vst v63  }
0x18: {  	s12 =	smul.u32 $0x500, s12;
	_ =	swait.ge [sflag:s8], $0x2800  }
0x19: {  	[sflag:s8] =	ssyncset.done $0x0  }
0x1a: {  	s17 =	sor.u32 $0x40, s14;
	s12 =	sadd.s32 s21, s12;
	[sflag:s8] =	ssyncadd.s32 $0xFFFFD800  }
0x1b: {  	[hbm4b:s12+s3] =	stream.linear.scatter [tilespmem:s7], [sflag:$0x2], $0x2800, $0x38;
	[tilespmem:$0x2880] =	vst v63  }
0x1c: {  	s13 =	smul.u32 $0xA, s17;
	_ =	swait.ge [sflag:s10], $0x2800  }
0x1d: {  	[sflag:s10] =	ssyncset.done $0x0  }
0x1e: {  	s13 =	sadd.s32 s15, s13;
	[sflag:s10] =	ssyncadd.s32 $0xFFFFD800  }
0x1f: {  	[tilespmem:s3], [sflag:$0x3] =	stream.linear.gather [hbm4b:s13+s3], $0x50, $0x38;
	[tilespmem:$0x2880] =	vst v63  }
0x20: {  	_ =	swait.ge [sflag:s5], $0x50  }
0x21: {  	[sflag:s5] =	ssyncset.done $0x0  }
0x22: {  	[sflag:s5] =	ssyncadd.s32 $0xFFFFFFB0  }
0x23: {  	[tilespmem:s7], [sflag:$0x1] =	stream.indirect.gather [hbm4b:s2+s6], $0x80, s3, s6, $0xb8;
	[tilespmem:$0x2880] =	vst v63  }
0x24: {  	s17 =	smul.u32 $0x500, s17;
	_ =	swait.ge [sflag:s8], $0x2800  }
0x25: {  	s22 =	ssub.s32 $0x2, s16;
	s18 =	sor.u32 $0x60, s14;
	[sflag:s8] =	ssyncset.done $0x0  }
0x26: {  	s23 =	sshrl.u32 s22, $0x1;
	s14 =	sadd.s32 s21, s17;
	[sflag:s8] =	ssyncadd.s32 $0xFFFFD800  }
0x27: {  	[hbm4b:s14+s3] =	stream.linear.scatter [tilespmem:s7], [sflag:$0x2], $0x2800, $0x38;
	[tilespmem:$0x2880] =	vst v63  }
0x28: {  	s31 =	smul.u32 $0xA, s18;
	p0 =	sgt.u32 s18, $0x7C;
	_ =	swait.ge [sflag:s10], $0x2800  }
0x29: {  	s24 =	smul.u32 $0x500, s18;
	s16 =	simm.s32 @!p0 $0x0;
	[sflag:s10] =	ssyncset.done $0x0  }
0x2a: {  	s15 =	sadd.s32 s15, s31;
	s17 =	simm.s32 @!p0 $0x3;
	[sflag:s10] =	ssyncadd.s32 $0xFFFFD800  }
0x2b: {  	[tilespmem:s16], [sflag:$0x3] =	stream.linear.gather @!p0 [hbm4b:s15+s16], $0x50, $0x38;
	[tilespmem:$0x2880] =	vst v63  }
0x2c: {  	s22 =	ssub.s32 s22, s23;
	s18 =	simm.s32 @!p0 $0x1;
	_ =	swait.ge @!p0 [sflag:s17], $0x50  }
0x2d: {  	s19 =	simm.s32 @!p0 $0x50;
	s23 =	smax.u32 s22, $0x1;
	[sflag:s17] =	ssyncset.done @!p0 $0x0  }
0x2e: {  	s20 =	simm.s32 @!p0 $0x80;
	s23 =	sadd.s32 $0xFFFFFFFF, s23;
	[sflag:s17] =	ssyncadd.s32 @!p0 $0xFFFFFFB0  }
0x2f: {  	[tilespmem:s20], [sflag:$0x1] =	stream.indirect.gather @!p0 [hbm4b:s2+s19], $0x80, s16, s19, $0xb8;
	[tilespmem:$0x2880] =	vst v63  }
0x30: {  	p1 =	sne.s32 s23, $0x0;
	_ =	swait.ge @!p0 [sflag:s18], $0x2800  }
.Ltmp0:
0x31: {  	[sflag:s18] =	ssyncset.done @!p0 $0x0;
	(pc) =	sbr.rel @!p1 .LBB2_2-.Ltmp0, $4  }
0x32: {  	s22 =	sadd.s32 s21, s24;
	s21 =	simm.s32 @!p0 $0x2;
	[sflag:s18] =	ssyncadd.s32 @!p0 $0xFFFFD800  }
0x33: {  	[hbm4b:s22+s16] =	stream.linear.scatter @!p0 [tilespmem:s20], [sflag:$0x2], $0x2800, $0x38;
	[tilespmem:$0x2880] =	vst v63  }
0x34: {  	_ =	swait.ge @!p0 [sflag:s21], $0x2800  }
0x35: {  	[sflag:s21] =	ssyncset.done @!p0 $0x0  }
.LBB2_1:
0x36: {  	s23 =	sadd.s32 $0xFFFFFFFF, s23;
	[sflag:s21] =	ssyncadd.s32 @!p0 $0xFFFFD800  }
0x37: {  	[tilespmem:s3], [sflag:$0x3] =	stream.linear.gather [hbm4b:s4+s3], $0x50, $0x38;
	[tilespmem:$0x2880] =	vst v63  }
0x38: {  	p1 =	sne.s32 s23, $0x0;
	_ =	swait.ge [sflag:s5], $0x50  }
0x39: {  	[sflag:s5] =	ssyncset.done $0x0  }
0x3a: {  	[sflag:s5] =	ssyncadd.s32 $0xFFFFFFB0  }
0x3b: {  	[tilespmem:s7], [sflag:$0x1] =	stream.indirect.gather [hbm4b:s2+s6], $0x80, s3, s6, $0xb8;
	[tilespmem:$0x2880] =	vst v63  }
0x3c: {  	_ =	swait.ge [sflag:s8], $0x2800  }
0x3d: {  	[sflag:s8] =	ssyncset.done $0x0  }
0x3e: {  	[sflag:s8] =	ssyncadd.s32 $0xFFFFD800  }
0x3f: {  	[hbm4b:s9+s3] =	stream.linear.scatter [tilespmem:s7], [sflag:$0x2], $0x2800, $0x38;
	[tilespmem:$0x2880] =	vst v63  }
0x40: {  	_ =	swait.ge [sflag:s10], $0x2800  }
0x41: {  	[sflag:s10] =	ssyncset.done $0x0  }
0x42: {  	[sflag:s10] =	ssyncadd.s32 $0xFFFFD800  }
0x43: {  	[tilespmem:s3], [sflag:$0x3] =	stream.linear.gather [hbm4b:s11+s3], $0x50, $0x38;
	[tilespmem:$0x2880] =	vst v63  }
0x44: {  	_ =	swait.ge [sflag:s5], $0x50  }
0x45: {  	[sflag:s5] =	ssyncset.done $0x0  }
0x46: {  	[sflag:s5] =	ssyncadd.s32 $0xFFFFFFB0  }
0x47: {  	[tilespmem:s7], [sflag:$0x1] =	stream.indirect.gather [hbm4b:s2+s6], $0x80, s3, s6, $0xb8;
	[tilespmem:$0x2880] =	vst v63  }
0x48: {  	_ =	swait.ge [sflag:s8], $0x2800  }
0x49: {  	[sflag:s8] =	ssyncset.done $0x0  }
0x4a: {  	[sflag:s8] =	ssyncadd.s32 $0xFFFFD800  }
0x4b: {  	[hbm4b:s12+s3] =	stream.linear.scatter [tilespmem:s7], [sflag:$0x2], $0x2800, $0x38;
	[tilespmem:$0x2880] =	vst v63  }
0x4c: {  	_ =	swait.ge [sflag:s10], $0x2800  }
0x4d: {  	[sflag:s10] =	ssyncset.done $0x0  }
0x4e: {  	[sflag:s10] =	ssyncadd.s32 $0xFFFFD800  }
0x4f: {  	[tilespmem:s3], [sflag:$0x3] =	stream.linear.gather [hbm4b:s13+s3], $0x50, $0x38;
	[tilespmem:$0x2880] =	vst v63  }
0x50: {  	_ =	swait.ge [sflag:s5], $0x50  }
0x51: {  	[sflag:s5] =	ssyncset.done $0x0  }
0x52: {  	[sflag:s5] =	ssyncadd.s32 $0xFFFFFFB0  }
0x53: {  	[tilespmem:s7], [sflag:$0x1] =	stream.indirect.gather [hbm4b:s2+s6], $0x80, s3, s6, $0xb8;
	[tilespmem:$0x2880] =	vst v63  }
0x54: {  	_ =	swait.ge [sflag:s8], $0x2800  }
0x55: {  	[sflag:s8] =	ssyncset.done $0x0  }
0x56: {  	[sflag:s8] =	ssyncadd.s32 $0xFFFFD800  }
0x57: {  	[hbm4b:s14+s3] =	stream.linear.scatter [tilespmem:s7], [sflag:$0x2], $0x2800, $0x38;
	[tilespmem:$0x2880] =	vst v63  }
0x58: {  	_ =	swait.ge [sflag:s10], $0x2800  }
0x59: {  	[sflag:s10] =	ssyncset.done $0x0  }
0x5a: {  	[sflag:s10] =	ssyncadd.s32 $0xFFFFD800  }
0x5b: {  	[tilespmem:s16], [sflag:$0x3] =	stream.linear.gather @!p0 [hbm4b:s15+s16], $0x50, $0x38;
	[tilespmem:$0x2880] =	vst v63  }
0x5c: {  	_ =	swait.ge @!p0 [sflag:s17], $0x50  }
0x5d: {  	[sflag:s17] =	ssyncset.done @!p0 $0x0  }
0x5e: {  	[sflag:s17] =	ssyncadd.s32 @!p0 $0xFFFFFFB0  }
0x5f: {  	[tilespmem:s20], [sflag:$0x1] =	stream.indirect.gather @!p0 [hbm4b:s2+s19], $0x80, s16, s19, $0xb8;
	[tilespmem:$0x2880] =	vst v63  }
0x60: {  	_ =	swait.ge @!p0 [sflag:s18], $0x2800  }
.Ltmp1:
0x61: {  	[sflag:s18] =	ssyncset.done @!p0 $0x0;
	(pc) =	sbr.rel @p1 .LBB2_1-.Ltmp1, $4  }
0x62: {  	[sflag:s18] =	ssyncadd.s32 @!p0 $0xFFFFD800  }
0x63: {  	[hbm4b:s22+s16] =	stream.linear.scatter @!p0 [tilespmem:s20], [sflag:$0x2], $0x2800, $0x38;
	[tilespmem:$0x2880] =	vst v63  }
0x64: {  	_ =	swait.ge @!p0 [sflag:s21], $0x2800  }
0x65: {  	[sflag:s21] =	ssyncset.done @!p0 $0x0  }
.LBB2_2:
0x66: {  	[sflag:s21] =	ssyncadd.s32 @!p0 $0xFFFFD800  }
0x67: {  	_ =	sfence.sel $0x180000  }
0x68: {  	[bflag:$0x0] =	sbarrier.arrive $0xFFFF  }
0x69: {  	p0 =	sne.s32 s0, $0x0;
	_ =	strace $0x90000047  }
0x6a: {  	s0 =	sadd.s32 @!p0 $0x100000, s1;
	[bflag:$0x2] =	sbarrier.arrive $0xFFFF  }
0x6b: {  	[sflag:s0] =	ssyncadd.tile.s32 @!p0 $0x1;
	_ =	shalt  }
.Lfunc_end2:
_tile_overlayer_lowered:
.L_overlay_start_2:
0x6c: {  	(tag) =	ssettag $0x2  }
0x6d: {  	s0 =	rddreg [dreg:$0x0];
	s2 =	stileid.u32  }
0x6e: {  	s1 =	rddreg [dreg:$0x1];
	p0 =	sne.s32 s2, $0x0  }
0x6f: {  	s3 =	rddreg [dreg:$0x2];
	[bflag:$0x3] =	sbarrier.arrive $0xFFFF;
	s2 =	simm.s32 @!p0 $0x1C02  }
0x70: {  	[timem:s3], [sflag:s2] =	dma.local @!p0 [hbm:s0], s1  }
0x71: {  	s0 =	simm.s32 @!p0 $0x2  }
0x72: {  	_ =	swait.ge @!p0 [sflag:s0], s1  }
0x73: {  	s1 =	ssub.s32 @!p0 $0x0, s1;
	[sflag:s0] =	ssyncset.done @!p0 $0x0  }
0x74: {  	[sflag:s0] =	ssyncadd.s32 @!p0 s1  }
0x75: {  	[bflag:$0x3] =	sbarrier.arrive $0xFFFF  }
0x76: {  	_ =	shalt  }

// kernel: kernel.14.cloned.1.call-start
scs
__scs_entry_jumppad:
0x0: {  	(pc) =	sbr.rel $0x88, $3  }
0x1: {  	(tag) =	ssettag $0x0;
	lr =	simm.s32 $0x1  }
0x2: {  	[smem:$0x3F90] =	sst lr;
	_ =	strace $0xD0000000  }
0x3: {  	_ = 	snop  }
0x4: {  	_ = 	snop  }
0x5: {  	_ = 	snop  }
0x6: {  	_ = 	snop  }
0x7: {  	_ = 	snop  }
__scs_overlays_trampoline_lowered:
0x8: {  	[smem:$0x3F9F] =	sst s0  }
0x9: {  	[smem:$0x3FA0] =	sst s1  }
0xa: {  	[smem:$0x3FA1] =	sst s2  }
0xb: {  	[smem:$0x3FA2] =	sst s3  }
0xc: {  	[smem:$0x3FA3] =	sst s4  }
0xd: {  	[smem:$0x3FA4] =	sst s5  }
0xe: {  	[smem:$0x3FA5] =	sst s6  }
0xf: {  	[smem:$0x3FA6] =	sst s7  }
0x10: {  	[smem:$0x3FA7] =	sst s8  }
0x11: {  	[smem:$0x3FA8] =	sst s9;
	s0 =	simm.s32 @!p0 $0x0  }
0x12: {  	s1 =	sld [smem:$0x3F8E];
	s0 =	simm.s32 @p0 $0x1  }
0x13: {  	[smem:$0x3FA9] =	sst s0;
	s0 =	simm.s32 @!p1 $0x0  }
0x14: {  	s2 =	sld [smem:$0x3F8D];
	s0 =	simm.s32 @p1 $0x1  }
0x15: {  	[smem:$0x3FAA] =	sst s0;
	s0 =	simm.s32 @!p2 $0x0  }
0x16: {  	s3 =	sld [smem:$0x3FDB];
	s0 =	simm.s32 @p2 $0x1  }
0x17: {  	s4 =	simm.s32 $0x1BF5;
	[smem:$0x3FAC] =	sst s0  }
0x18: {  	s0 =	sld [smem:$0x3F8F];
	_ =	swait.ge [sflag:s4], $0x0  }
0x19: {  	s7 =	sld [smem:$0x3F90]  }
0x1a: {  	s8 =	sadd.s32 $0xFFFFE003, lr  }
0x1b: {  	s9 =	sadd.s32 $0xFFFFFEF7, lr;
	s5 =	simm.s32 $0xFFFFFFFF;
	p2 =	slt.u32 s8, $0xFFFFF086  }
0x1c: {  	p1 =	slt.u32 s9, $0xF7A;
	s5 =	simm.s32 @!p2 $0x0  }
0x1d: {  	s5 =	simm.s32 @p1 $0x1;
	p0 =	seq.s32 s7, s2  }
0x1e: {  	s7 =	smul.u32 @!p0 $0xF7A, s2;
	p2 =	seq.s32 @!p0 s5, $0x0  }
0x1f: {  	s9 =	smul.u32 $0xF7A, s1;
	s8 =	simm.s32 @!p0 $0x1BF5;
	p2 =	por !p2, p0  }
0x20: {  	[sflag:s8] =	ssyncset.s32 @!p0 $0xFFFFF086;
	s6 =	sadd.s32 @!p0 s3, s7;
	s7 =	simm.s32 @!p0 $0x108  }
0x21: {  	s3 =	sadd.s32 s3, s9;
	s6 =	sadd.s32 @!p0 $0x88, s6;
	s7 =	simm.s32 @p2 $0x1082  }
0x22: {  	[simem:s7], [sflag:s8] =	dma.local @!p0 [hbm:s6], $0xF7A  }
0x23: {  	s9 =	sor.u32 $0xD0000000, s2;
	s6 =	simm.s32 $0x108;
	_ =	swait.ge @!p0 [sflag:s8], $0x0  }
0x24: {  	s3 =	sadd.s32 $0x88, s3;
	s6 =	simm.s32 @!p1 $0x1082;
	[sflag:s4] =	ssyncset.s32 $0xFFFFF086  }
0x25: {  	[simem:s6], [sflag:s4] =	dma.local [hbm:s3], $0xF7A  }
0x26: {  	[smem:$0x3F90] =	sst s1;
	(tag) =	ssettag s2;
	_ =	strace s9  }
0x27: {  	s1 =	sld [smem:$0x3FA0]  }
0x28: {  	s2 =	sld [smem:$0x3FA1]  }
0x29: {  	s4 =	sld [smem:$0x3FA3]  }
0x2a: {  	p0 =	seq.s32 s5, $0x0;
	s5 =	sld [smem:$0x3FA4]  }
0x2b: {  	s6 =	sld [smem:$0x3FA5]  }
0x2c: {  	s7 =	sld [smem:$0x3FA6]  }
0x2d: {  	s3 =	simm.s32 $0x108;
	s8 =	sld [smem:$0x3FA7]  }
0x2e: {  	s3 =	simm.s32 @!p0 $0x1082;
	s9 =	sld [smem:$0x3FA8]  }
0x2f: {  	lr =	sadd.s32 s0, s3;
	s0 =	sld [smem:$0x3F9F]  }
0x30: {  	s3 =	sld [smem:$0x3FA2]  }
0x31: {  	[smem:$0x3FAB] =	sst s10  }
0x32: {  	s10 =	sld [smem:$0x3FA9];
	_ =	sdelay $0x3  }
0x33: {  	p0 =	seq.s32 s10, $0x1;
	s10 =	sld [smem:$0x3FAB];
	_ =	sdelay $0x3  }
0x34: {  	[smem:$0x3FAB] =	sst s10  }
0x35: {  	s10 =	sld [smem:$0x3FAA];
	_ =	sdelay $0x3  }
0x36: {  	p1 =	seq.s32 s10, $0x1;
	s10 =	sld [smem:$0x3FAB];
	_ =	sdelay $0x3  }
0x37: {  	[smem:$0x3FAB] =	sst s10  }
0x38: {  	s10 =	sld [smem:$0x3FAC]  }
0x39: {  	_ = 	snop;
	(pc) =	sbr.ind lr, $3  }
0x3a: {  	_ = 	snop  }
0x3b: {  	_ = 	snop  }
0x3c: {  	p2 =	seq.s32 s10, $0x1;
	s10 =	sld [smem:$0x3FAB]  }
0x3d: {  	_ =	shalt  }
0x3e: {  	_ =	shalt  }
0x3f: {  	_ =	shalt  }
0x40: {  	_ =	shalt  }
0x41: {  	_ =	shalt  }
0x42: {  	_ =	shalt  }
0x43: {  	_ =	shalt  }
0x44: {  	_ =	shalt  }
0x45: {  	_ =	shalt  }
0x46: {  	_ =	shalt  }
0x47: {  	_ =	shalt  }
0x48: {  	_ =	shalt  }
0x49: {  	_ =	shalt  }
0x4a: {  	_ =	shalt  }
0x4b: {  	_ =	shalt  }
0x4c: {  	_ =	shalt  }
0x4d: {  	_ =	shalt  }
0x4e: {  	_ =	shalt  }
0x4f: {  	_ =	shalt  }
0x50: {  	_ =	shalt  }
0x51: {  	_ =	shalt  }
0x52: {  	_ =	shalt  }
0x53: {  	_ =	shalt  }
0x54: {  	_ =	shalt  }
0x55: {  	_ =	shalt  }
0x56: {  	_ =	shalt  }
0x57: {  	_ =	shalt  }
0x58: {  	_ =	shalt  }
0x59: {  	_ =	shalt  }
0x5a: {  	_ =	shalt  }
0x5b: {  	_ =	shalt  }
0x5c: {  	_ =	shalt  }
0x5d: {  	_ =	shalt  }
0x5e: {  	_ =	shalt  }
0x5f: {  	_ =	shalt  }
0x60: {  	_ =	shalt  }
0x61: {  	_ =	shalt  }
0x62: {  	_ =	shalt  }
0x63: {  	_ =	shalt  }
0x64: {  	_ =	shalt  }
0x65: {  	_ =	shalt  }
0x66: {  	_ =	shalt  }
0x67: {  	_ =	shalt  }
0x68: {  	_ =	shalt  }
0x69: {  	_ =	shalt  }
0x6a: {  	_ =	shalt  }
0x6b: {  	_ =	shalt  }
0x6c: {  	_ =	shalt  }
0x6d: {  	_ =	shalt  }
0x6e: {  	_ =	shalt  }
0x6f: {  	_ =	shalt  }
0x70: {  	_ =	shalt  }
0x71: {  	_ =	shalt  }
0x72: {  	_ =	shalt  }
0x73: {  	_ =	shalt  }
0x74: {  	_ =	shalt  }
0x75: {  	_ =	shalt  }
0x76: {  	_ =	shalt  }
0x77: {  	_ =	shalt  }
0x78: {  	_ =	shalt  }
0x79: {  	_ =	shalt  }
0x7a: {  	_ =	shalt  }
0x7b: {  	_ =	shalt  }
0x7c: {  	_ =	shalt  }
0x7d: {  	_ =	shalt  }
0x7e: {  	_ =	shalt  }
0x7f: {  	_ =	shalt  }
0x80: {  	_ =	shalt  }
0x81: {  	_ =	shalt  }
0x82: {  	_ =	shalt  }
0x83: {  	_ =	shalt  }
0x84: {  	_ =	shalt  }
0x85: {  	_ =	shalt  }
0x86: {  	_ =	shalt  }
0x87: {  	_ =	shalt  }
.Lfunc_end0:
.L_simem_size_0:
called_computation.1_lowered:
.L_overlay_start_0:
0x88: {  	s2 =	sld [smem:$0x3FD9]  }
0x89: {  	s3 =	sld [smem:$0x3FFE];
	_ =	sdelay $0x1  }
0x8a: {  	s1 =	srdreg.scid  }
0x8b: {  	s0 =	sand.u32 $0x1, s1  }
0x8c: {  	s17 =	sshll.u32 s0, $0xA;
	s2 =	sadd.s32 s3, s2  }
0x8d: {  	s2 =	sadd.s32 s2, s17  }
0x8e: {  	[smem:$0x3FB7] =	sst s2  }
0x8f: {  	_ = 	snop  }
0x90: {  	s2 =	sld [smem:$0x3FD0];
	(tm) =	ssettm $0x1  }
0x91: {  	s18 =	sld [smem:$0x3FFB];
	_ =	sdelay $0x3  }
0x92: {  	_ =	strace s18  }
0x93: {  	s3 =	sld [smem:$0x3FFC];
	_ =	sdelay $0x3  }
0x94: {  	_ =	strace s3  }
0x95: {  	s3 =	sld [smem:$0x3FFD];
	_ =	sdelay $0x3  }
0x96: {  	_ =	strace s3  }
0x97: {  	_ =	strace $0x8FFFFFFF  }
0x98: {  	s19 =	sld [smem:$0x3FDB];
	_ =	sdelay $0x1  }
0x99: {  	s4 =	simm.s32 $_scs_section_size  }
0x9a: {  	s5 =	simm.s32 $_size__tile_overlayer_lowered;
	s6 =	simm.s32 $_tile_overlayer_lowered  }
0x9b: {  	s22 =	simm.s32 $0x1BFF;
	s21 =	sshll.u32 s6, $0x1;
	s3 =	sadd.s32 s4, s19  }
0x9c: {  	s7 =	simm.s32 $0x0;
	s20 =	sshll.u32 s5, $0x1;
	s5 =	sadd.s32 s21, s3  }
0x9d: {  	[timem:s7], [sflag:s22] =	dma.local [hbm:s5], s20  }
0x9e: {  	_ =	swait.ge [sflag:s22], s20  }
0x9f: {  	s4 =	ssub.s32 $0x0, s20;
	[sflag:s22] =	ssyncset.done $0x0  }
0xa0: {  	[sflag:s22] =	ssyncadd.s32 s4;
	_ =	sdelay $0x1  }
0xa1: {  	s23 =	simm.s32 $0x1B8B  }
0xa2: {  	_ =	swait.ge [sflag:s23], $0x1  }
0xa3: {  	[sflag:s23] =	ssyncset.done $0x0  }
0xa4: {  	s25 =	simm.s32 $0x1B8E;
	s24 =	sld [smem:$0x3FFE];
	[sflag:s23] =	ssyncadd.s32 $0xFFFFFFFF  }
0xa5: {  	s26 =	simm.s32 $execute0_lowered;
	[smem:$0x3FD2] =	sst s25  }
0xa6: {  	s5 =	sshll.u32 s26, $0x1;
	_ =	strace $0x80000049;
	[dreg:$0x1] =	wrdreg $0xFFFFFFFF  }
0xa7: {  	s28 =	simm.s32 $_size_execute0_lowered;
	s3 =	sadd.s32 s3, s5;
	[dreg:$0x0] =	wrdreg $0x0  }
0xa8: {  	s5 =	sshll.u32 s28, $0x1;
	[dreg:$0x2] =	wrdreg s3  }
0xa9: {  	[dreg:$0x3] =	wrdreg s5  }
0xaa: {  	[dreg:$0x4] =	wrdreg $0xC0  }
0xab: {  	_ =	task [dreg:s7], $0x5FFFF  }
0xac: {  	[dreg:$0x1] =	wrdreg $0xFFFFFFFF  }
0xad: {  	[dreg:$0x0] =	wrdreg $0x60  }
0xae: {  	[dreg:$0x2] =	wrdreg s2  }
0xaf: {  	[dreg:$0x3] =	wrdreg s24  }
0xb0: {  	[dreg:$0x4] =	wrdreg $0xB9000  }
0xb1: {  	[dreg:$0x5] =	wrdreg $0x9  }
0xb2: {  	_ =	task.clear_ibuf [dreg:s7], $0x6FFFF;
	_ =	strace $0x90000049  }
0xb3: {  	s29 =	simm.s32 $0x9;
	_ =	strace $0x8000004B  }
0xb4: {  	_ =	swait.ge [sflag:s29], $0x1  }
0xb5: {  	[sflag:s29] =	ssyncadd.s32 $0xFFFFFFFF  }
0xb6: {  	_ =	strace $0x9000004B  }
0xb7: {  	_ =	sfence  }
0xb8: {  	s30 =	sld [smem:$0x0];
	_ =	sdelay $0x2  }
0xb9: {  	s31 =	sshll.u32 s1, $0xD;
	s1 =	sshrl.u32 s1, $0x2  }
0xba: {  	s3 =	sand.u32 $0x4000, s31;
	s1 =	sadd.s32 s1, s30  }
0xbb: {  	s0 =	sor.u32 s3, s0;
	s1 =	sshll.u32 s1, $0x11  }
0xbc: {  	s0 =	sor.u32 s1, s0  }
0xbd: {  	s0 =	sadd.s32 $0x8F2B, s0  }
0xbe: {  	[sflag:s0] =	ssyncadd.remote.s32 $0x1  }
0xbf: {  	_ =	sfence.sel $0xFFFF  }
0xc0: {  	[dreg:$0x0] =	wrdreg $0xFFFFFFFF;
	(pc) =	sbr.abs _section_cstart, $3  }
0xc1: {  	[dreg:$0x1] =	wrdreg $0xFFFFFFFF  }
0xc2: {  	_ =	task.clear_ibuf [dreg:s7], $0x2FFFF;
	_ =	strace $0x9FFFFFFF  }
0xc3: {  	(tm) =	ssettm $0x7FFFFFFF  }
tec
execute0_lowered:
.L_overlay_start_1:
0x0: {  	(tag) =	ssettag $0x1  }
0x1: {  	s1 =	rddreg [dreg:$0x0]  }
0x2: {  	s0 =	srdreg.scid;
	s2 =	rddreg [dreg:$0x1]  }
0x3: {  	s16 =	stileid.u32;
	s3 =	rddreg [dreg:$0x2];
	s28 =	simm.s32 $0x2800  }
0x4: {  	s29 =	simm.s32 $0x4880;
	s30 =	simm.s32 $0x8880;
	s31 =	simm.s32 $0x1  }
0x5: {  	s0 =	sand.u32 $0x1, s0;
	s4 =	sshll.u32 s16, $0x1;
	s13 =	smul.u32 $0x4F000, s16  }
0x6: {  	s6 =	sadd.s32 $0x4FA000, s2;
	s7 =	sadd.s32 $0xE200, s2;
	s24 =	smul.u32 $0x2780, s16  }
0x7: {  	s8 =	sadd.s32 $0x9DC000, s2;
	s9 =	sor.u32 s0, s4;
	s22 =	smul.u32 $0x27100, s0  }
0x8: {  	s4 =	simm.s32 $0x0;
	s12 =	ssub.s32 $0x2, s0;
	s0 =	smul.u32 $0x138800, s0  }
0x9: {  	p0 =	seq.s32 s16, $0xF;
	s5 =	smul.u32 $0x2710, s9;
	[smem:$0x7FF] =	sst s4  }
0xa: {  	s14 =	sshrl.u32 s12, $0x1;
	s13 =	sshrl.u32 s13, $0x2;
	s9 =	smul.u32 $0x27100, s9  }
0xb: {  	_ =	strace $0x8000004A;
	s12 =	ssub.s32 s12, s14;
	s13 =	sadd.s32 s13, s3  }
0xc: {  	s26 =	sadd.s32 s24, s22;
	s0 =	sshrl.u32 s0, $0x3;
	s22 =	simm.s32 $0x3  }
0xd: {  	s24 =	simm.s32 $0x40;
	s10 =	sshrl.u32 s5, $0x3;
	[dreg:$0x4] =	wrdreg s13  }
0xe: {  	s13 =	sadd.s32 $0x128400, s3;
	s20 =	sadd.s32 $0x40, s5;
	s9 =	sadd.s32 s6, s9  }
0xf: {  	s23 =	sadd.s32 $0x2700, s5;
	s19 =	smax.u32 s12, $0x1;
	s11 =	sadd.s32 s10, s2  }
0x10: {  	s2 =	sadd.s32 $0x9DE800, s2;
	s10 =	sadd.s32 s7, s10;
	[dreg:$0x7] =	wrdreg s9  }
0x11: {  	s21 =	sshrl.u32 s20, $0x3;
	s15 =	sshrl.u32 s23, $0x3;
	s11 =	sadd.s32 $0x4400, s11  }
0x12: {  	[dreg:$0x6] =	wrdreg s10;
	s9 =	sadd.s32 s7, s21;
	s10 =	sshll.u32 s20, $0x4  }
0x13: {  	s25 =	sadd.s32 s7, s15;
	s0 =	sadd.s32 s2, s0;
	[dreg:$0x5] =	wrdreg s11  }
0x14: {  	s20 =	sshrl.u32 @p0 s13, $0x3;
	[dreg:$0x8] =	wrdreg s9;
	s10 =	sadd.s32 s6, s10  }
0x15: {  	[dreg:$0xa] =	wrdreg s25;
	s9 =	sshll.u32 s23, $0x4;
	s0 =	sadd.s32 $0x25080, s0  }
0x16: {  	s23 =	simm.s32 $0x2780;
	s25 =	simm.s32 $0x10;
	[dreg:$0x9] =	wrdreg s10  }
0x17: {  	s9 =	sadd.s32 s6, s9;
	[dreg:$0xd] =	wrdreg s0;
	s0 =	sshll.u32 @!p0 s16, $0x6  }
0x18: {  	s10 =	simm.s32 $0x0;
	[dreg:$0xb] =	wrdreg s9;
	s9 =	sadd.s32 s2, s26  }
0x19: {  	s21 =	sor.u32 @!p0 $0x1C03, s0;
	s26 =	simm.s32 $0x6880;
	s2 =	simm.s32 $0x2  }
0x1a: {  	s0 =	simm.s32 $0xA880;
	[dreg:$0xc] =	wrdreg s9;
	s9 =	simm.s32 $0xB100  }
.LBB2_1:
0x1b: {  	s11 =	simm.s32 @p0 $0x1FC3  }
0x1c: {  	[spmem:s20], [sflag:s11] =	dma.local @p0 [hbm:s8], $0x2080  }
0x1d: {  	s11 =	simm.s32 @p0 $0x3  }
0x1e: {  	_ =	swait.ge @p0 [sflag:s11], $0x2080  }
0x1f: {  	[sflag:s11] =	ssyncset.done @p0 $0x0  }
0x20: {  	[sflag:s11] =	ssyncadd.s32 @p0 $0xFFFFDF80;
	s11 =	rddreg [dreg:$0x4]  }
0x21: {  	s12 =	simm.s32 @!p0 $0x3;
	s11 =	sshrl.u32 @!p0 s11, $0x3  }
0x22: {  	[spmem:s11], [sflag:s21] =	dma.local @!p0 [hbm:s8], $0x2780  }
0x23: {  	_ =	swait.ge @!p0 [sflag:s12], $0x2780  }
0x24: {  	[sflag:s12] =	ssyncset.done @!p0 $0x0  }
0x25: {  	s13 =	rddreg [dreg:$0x5];
	[sflag:s12] =	ssyncadd.s32 @!p0 $0xFFFFD880  }
0x26: {  	[tilespmem:s4], [sflag:$0x3] =	stream.linear.gather [hbm4b:s13+s4], $0x2710, $0x38;
	[tilespmem:$0x1F180] =	vst v63  }
0x27: {  	_ =	swait.ge [sflag:s22], $0x2710  }
0x28: {  	[sflag:s22] =	ssyncset.done $0x0  }
0x29: {  	[sflag:s22] =	ssyncadd.s32 $0xFFFFD8F0  }
0x2a: {  	[bflag:$0x0] =	sbarrier.arrive $0xFFFF  }
0x2b: {  	s14 =	rddreg [dreg:$0x6]  }
0x2c: {  	[tilespmem:s23], [sflag:$0x1] =	stream.linear.gather [hbm4b:s14+s4], $0x40, $0x38;
	[tilespmem:$0x1F180] =	vst v63  }
0x2d: {  	s15 =	simm.s32 $0x2880  }
0x2e: {  	[tilespmem:s15], [sflag:$0x1] =	stream.indirect.gather [hbm4b:s1+s24], $0x80, s4, s24, $0xb8;
	[tilespmem:$0x1F180] =	vst v63  }
0x2f: {  	s16 =	rddreg [dreg:$0x7]  }
0x30: {  	[tilespmem:s26], [sflag:$0x1] =	stream.linear.gather [hbm4b:s16+s4], $0x2000, $0x38;
	[tilespmem:$0x1F180] =	vst v63  }
0x31: {  	s17 =	rddreg [dreg:$0x8]  }
0x32: {  	[tilespmem:s28], [sflag:$0x2] =	stream.linear.gather [hbm4b:s17+s4], $0x40, $0x38;
	[tilespmem:$0x1F180] =	vst v63  }
0x33: {  	_ = 	snop  }
0x34: {  	[tilespmem:s29], [sflag:$0x2] =	stream.indirect.gather [hbm4b:s1+s24], $0x80, s24, s24, $0xb8;
	[tilespmem:$0x1F180] =	vst v63  }
0x35: {  	s12 =	simm.s32 $0x0;
	s18 =	rddreg [dreg:$0x9]  }
0x36: {  	[tilespmem:s30], [sflag:$0x2] =	stream.linear.gather [hbm4b:s18+s4], $0x2000, $0x38;
	[tilespmem:$0x1F180] =	vst v63  }
.LBB2_2:
0x37: {  	_ =	swait.ge [sflag:s31], $0x40  }
0x38: {  	[sflag:s31] =	ssyncset.done $0x0  }
0x39: {  	[sflag:s31] =	ssyncadd.s32 $0xFFFFFFC0  }
0x3a: {  	_ =	swait.ge [sflag:s31], $0x2000  }
0x3b: {  	[sflag:s31] =	ssyncset.done $0x0  }
0x3c: {  	[sflag:s31] =	ssyncadd.s32 $0xFFFFE000  }
0x3d: {  	_ =	swait.ge [sflag:s31], $0x2000  }
0x3e: {  	[sflag:s31] =	ssyncset.done $0x0  }
0x3f: {  	s13 =	simm.s32 $0x0;
	s14 =	simm.s32 $0x200;
	[sflag:s31] =	ssyncadd.s32 $0xFFFFE000  }
.LBB2_3:
0x40: {  	p1 =	sne.s32 s14, $0x7E00;
	v0 =	vld [tilespmem:s13+$0x28F0]  }
0x41: {  	v1 =	vld [tilespmem:s13+$0x2880]  }
0x42: {  	v2 =	vld [tilespmem:s13+$0x2890]  }
0x43: {  	v3 =	vld [tilespmem:s13+$0x28A0]  }
0x44: {  	v4 =	vld [tilespmem:s13+$0x28B0]  }
0x45: {  	[tilespmem:s13+$0x68F0] =	vst.add.f32.msk $0xffff, v0  }
0x46: {  	v0 =	vld [tilespmem:s13+$0x28C0]  }
0x47: {  	v5 =	vld [tilespmem:s13+$0x28D0]  }
0x48: {  	v6 =	vld [tilespmem:s13+$0x28E0]  }
0x49: {  	[tilespmem:s13+$0x6880] =	vst.add.f32.msk $0xffff, v1  }
0x4a: {  	[tilespmem:s13+$0x6890] =	vst.add.f32.msk $0xffff, v2  }
.Ltmp0:
0x4b: {  	[tilespmem:s13+$0x68A0] =	vst.add.f32.msk $0xffff, v3;
	(pc) =	sbr.rel @p1 .LBB2_3-.Ltmp0, $4  }
0x4c: {  	[tilespmem:s13+$0x68B0] =	vst.add.f32.msk $0xffff, v4  }
0x4d: {  	[tilespmem:s13+$0x68C0] =	vst.add.f32.msk $0xffff, v0  }
0x4e: {  	[tilespmem:s13+$0x68D0] =	vst.add.f32.msk $0xffff, v5  }
0x4f: {  	[tilespmem:s13+$0x68E0] =	vst.add.f32.msk $0xffff, v6;
	s13 =	sshra.s32 s14, $0x2;
	s14 =	sadd.s32 $0x200, s14  }
0x50: {  	v0 =	vld [tilespmem:s13+$0x28F0]  }
0x51: {  	v1 =	vld [tilespmem:s13+$0x2880]  }
0x52: {  	v2 =	vld [tilespmem:s13+$0x2890]  }
0x53: {  	v3 =	vld [tilespmem:s13+$0x28A0]  }
0x54: {  	v4 =	vld [tilespmem:s13+$0x28B0]  }
0x55: {  	v63 =	vld [tilespmem:s13+$0x28C0]  }
0x56: {  	v5 =	vld [tilespmem:s13+$0x28D0]  }
0x57: {  	v6 =	vld [tilespmem:s13+$0x28E0]  }
0x58: {  	[tilespmem:s13+$0x68F0] =	vst.add.f32.msk $0xffff, v0  }
0x59: {  	[tilespmem:s13+$0x6880] =	vst.add.f32.msk $0xffff, v1  }
0x5a: {  	[tilespmem:s13+$0x6890] =	vst.add.f32.msk $0xffff, v2  }
0x5b: {  	[tilespmem:s13+$0x68A0] =	vst.add.f32.msk $0xffff, v3  }
0x5c: {  	[tilespmem:s13+$0x68B0] =	vst.add.f32.msk $0xffff, v4  }
0x5d: {  	[tilespmem:s13+$0x68C0] =	vst.add.f32.msk $0xffff, v63  }
0x5e: {  	[tilespmem:s13+$0x68D0] =	vst.add.f32.msk $0xffff, v5  }
0x5f: {  	p1 =	seq.s32 s12, $0x4D;
	[tilespmem:s13+$0x68E0] =	vst.add.f32.msk $0xffff, v6;
	s13 =	sshll.u32 s12, $0x7  }
0x60: {  	[spmem:s3] =	stream.indirect.scatter.add.f32 [tilespmem:s26], [sflag:$0x3], $0x80, s23, s24, $0xb8;
	[tilespmem:$0x1F180] =	vst v63  }
0x61: {  	s14 =	sadd.s32 @!p1 $0x80, s13  }
0x62: {  	_ =	swait.ge [sflag:s22], $0x2000;
	s15 =	sadd.s32 @!p1 s5, s14  }
0x63: {  	s17 =	simm.s32 @!p1 $0x0;
	[sflag:s22] =	ssyncset.done $0x0;
	s16 =	sshrl.u32 @!p1 s15, $0x3  }
0x64: {  	s18 =	simm.s32 @!p1 $0x2780;
	[sflag:s22] =	ssyncadd.s32 $0xFFFFE000;
	s16 =	sadd.s32 @!p1 s7, s16  }
0x65: {  	[tilespmem:s18], [sflag:$0x1] =	stream.linear.gather @!p1 [hbm4b:s16+s17], $0x40, $0x38;
	[tilespmem:$0x1F180] =	vst v63  }
0x66: {  	s16 =	simm.s32 @!p1 $0x40;
	s18 =	simm.s32 @!p1 $0x2880  }
0x67: {  	[tilespmem:s18], [sflag:$0x1] =	stream.indirect.gather @!p1 [hbm4b:s1+s16], $0x80, s14, s16, $0xb8;
	[tilespmem:$0x1F180] =	vst v63  }
0x68: {  	s14 =	sshll.u32 @!p1 s15, $0x4  }
0x69: {  	s15 =	simm.s32 @!p1 $0x6880;
	s14 =	sadd.s32 @!p1 s6, s14  }
0x6a: {  	[tilespmem:s15], [sflag:$0x1] =	stream.linear.gather @!p1 [hbm4b:s14+s17], $0x2000, $0x38;
	[tilespmem:$0x1F180] =	vst v63  }
0x6b: {  	_ =	swait.ge [sflag:s2], $0x40  }
0x6c: {  	[sflag:s2] =	ssyncset.done $0x0  }
0x6d: {  	[sflag:s2] =	ssyncadd.s32 $0xFFFFFFC0  }
0x6e: {  	_ =	swait.ge [sflag:s2], $0x2000  }
0x6f: {  	[sflag:s2] =	ssyncset.done $0x0  }
0x70: {  	[sflag:s2] =	ssyncadd.s32 $0xFFFFE000  }
0x71: {  	_ =	swait.ge [sflag:s2], $0x2000  }
0x72: {  	[sflag:s2] =	ssyncset.done $0x0  }
0x73: {  	s14 =	simm.s32 $0x0;
	s15 =	simm.s32 $0x200;
	[sflag:s2] =	ssyncadd.s32 $0xFFFFE000  }
.LBB2_5:
0x74: {  	p2 =	sne.s32 s15, $0x7E00;
	v0 =	vld [tilespmem:s14+$0x48F0]  }
0x75: {  	v1 =	vld [tilespmem:s14+$0x4880]  }
0x76: {  	v2 =	vld [tilespmem:s14+$0x4890]  }
0x77: {  	v3 =	vld [tilespmem:s14+$0x48A0]  }
0x78: {  	v4 =	vld [tilespmem:s14+$0x48B0]  }
0x79: {  	[tilespmem:s14+$0x88F0] =	vst.add.f32.msk $0xffff, v0  }
0x7a: {  	v0 =	vld [tilespmem:s14+$0x48C0]  }
0x7b: {  	v5 =	vld [tilespmem:s14+$0x48D0]  }
0x7c: {  	v6 =	vld [tilespmem:s14+$0x48E0]  }
0x7d: {  	[tilespmem:s14+$0x8880] =	vst.add.f32.msk $0xffff, v1  }
0x7e: {  	[tilespmem:s14+$0x8890] =	vst.add.f32.msk $0xffff, v2  }
.Ltmp1:
0x7f: {  	[tilespmem:s14+$0x88A0] =	vst.add.f32.msk $0xffff, v3;
	(pc) =	sbr.rel @p2 .LBB2_5-.Ltmp1, $4  }
0x80: {  	[tilespmem:s14+$0x88B0] =	vst.add.f32.msk $0xffff, v4  }
0x81: {  	[tilespmem:s14+$0x88C0] =	vst.add.f32.msk $0xffff, v0  }
0x82: {  	[tilespmem:s14+$0x88D0] =	vst.add.f32.msk $0xffff, v5  }
0x83: {  	[tilespmem:s14+$0x88E0] =	vst.add.f32.msk $0xffff, v6;
	s14 =	sshra.s32 s15, $0x2;
	s15 =	sadd.s32 $0x200, s15  }
0x84: {  	v0 =	vld [tilespmem:s14+$0x48F0]  }
0x85: {  	v1 =	vld [tilespmem:s14+$0x4880]  }
0x86: {  	v2 =	vld [tilespmem:s14+$0x4890]  }
0x87: {  	v3 =	vld [tilespmem:s14+$0x48A0]  }
0x88: {  	v4 =	vld [tilespmem:s14+$0x48B0]  }
0x89: {  	v63 =	vld [tilespmem:s14+$0x48C0]  }
0x8a: {  	v5 =	vld [tilespmem:s14+$0x48D0]  }
0x8b: {  	v6 =	vld [tilespmem:s14+$0x48E0]  }
0x8c: {  	[tilespmem:s14+$0x88F0] =	vst.add.f32.msk $0xffff, v0  }
0x8d: {  	[tilespmem:s14+$0x8880] =	vst.add.f32.msk $0xffff, v1  }
0x8e: {  	[tilespmem:s14+$0x8890] =	vst.add.f32.msk $0xffff, v2  }
0x8f: {  	[tilespmem:s14+$0x88A0] =	vst.add.f32.msk $0xffff, v3  }
0x90: {  	[tilespmem:s14+$0x88B0] =	vst.add.f32.msk $0xffff, v4  }
0x91: {  	[tilespmem:s14+$0x88C0] =	vst.add.f32.msk $0xffff, v63  }
0x92: {  	[tilespmem:s14+$0x88D0] =	vst.add.f32.msk $0xffff, v5  }
.Ltmp2:
0x93: {  	[tilespmem:s14+$0x88E0] =	vst.add.f32.msk $0xffff, v6;
	(pc) =	sbr.rel @p1 .LBB2_8-.Ltmp2, $4  }
0x94: {  	[spmem:s3] =	stream.indirect.scatter.add.f32 [tilespmem:s30], [sflag:$0x3], $0x80, s28, s24, $0xb8;
	[tilespmem:$0x1F180] =	vst v63  }
0x95: {  	_ =	swait.ge [sflag:s22], $0x2000  }
0x96: {  	[sflag:s22] =	ssyncset.done $0x0  }
0x97: {  	[sflag:s22] =	ssyncadd.s32 $0xFFFFE000  }
0x98: {  	s13 =	sadd.s32 $0xC0, s13  }
0x99: {  	s14 =	sadd.s32 s5, s13  }
0x9a: {  	s15 =	sshrl.u32 s14, $0x3  }
0x9b: {  	s15 =	sadd.s32 s7, s15  }
0x9c: {  	[tilespmem:s28], [sflag:$0x2] =	stream.linear.gather [hbm4b:s15+s4], $0x40, $0x38;
	[tilespmem:$0x1F180] =	vst v63  }
.Ltmp3:
0x9d: {  	_ = 	snop;
	(pc) =	sbr.rel .LBB2_2-.Ltmp3, $4  }
0x9e: {  	s18 =	sshll.u32 s14, $0x4  }
0x9f: {  	[tilespmem:s29], [sflag:$0x2] =	stream.indirect.gather [hbm4b:s1+s24], $0x80, s13, s24, $0xb8;
	[tilespmem:$0x1F180] =	vst v63  }
0xa0: {  	s12 =	sadd.s32 $0x1, s12;
	s13 =	sadd.s32 s6, s18  }
0xa1: {  	[tilespmem:s30], [sflag:$0x2] =	stream.linear.gather [hbm4b:s13+s4], $0x2000, $0x38;
	[tilespmem:$0x1F180] =	vst v63  }
.LBB2_8:
0xa2: {  	s12 =	simm.s32 $0x0;
	s13 =	rddreg [dreg:$0xa]  }
0xa3: {  	[tilespmem:s0], [sflag:$0x1] =	stream.linear.gather [hbm4b:s13+s12], $0x10, $0x38;
	[tilespmem:$0x1F180] =	vst v63  }
0xa4: {  	s17 =	simm.s32 $0x2700;
	s14 =	simm.s32 $0xA900  }
0xa5: {  	[tilespmem:s14], [sflag:$0x1] =	stream.indirect.gather [hbm4b:s1+s25], $0x80, s17, s25, $0xb8;
	[tilespmem:$0x1F180] =	vst v63  }
0xa6: {  	s18 =	rddreg [dreg:$0xb]  }
0xa7: {  	[tilespmem:s9], [sflag:$0x1] =	stream.linear.gather [hbm4b:s18+s12], $0x800, $0x38;
	[tilespmem:$0x1F180] =	vst v63  }
0xa8: {  	_ =	swait.ge [sflag:s31], $0x10  }
0xa9: {  	[sflag:s31] =	ssyncset.done $0x0  }
0xaa: {  	[sflag:s31] =	ssyncadd.s32 $0xFFFFFFF0  }
0xab: {  	_ =	swait.ge [sflag:s31], $0x800  }
0xac: {  	[sflag:s31] =	ssyncset.done $0x0  }
0xad: {  	[sflag:s31] =	ssyncadd.s32 $0xFFFFF800  }
0xae: {  	_ =	swait.ge [sflag:s31], $0x800  }
0xaf: {  	[sflag:s31] =	ssyncset.done $0x0  }
0xb0: {  	s13 =	simm.s32 $0x200;
	s12 =	simm.s32 $0x0;
	[sflag:s31] =	ssyncadd.s32 $0xFFFFF800  }
.LBB2_9:
0xb1: {  	p1 =	sne.s32 s13, $0x1E00;
	v0 =	vld [tilespmem:s12+$0xA970]  }
0xb2: {  	v1 =	vld [tilespmem:s12+$0xA900]  }
0xb3: {  	v2 =	vld [tilespmem:s12+$0xA910]  }
0xb4: {  	v3 =	vld [tilespmem:s12+$0xA920]  }
0xb5: {  	v4 =	vld [tilespmem:s12+$0xA930]  }
0xb6: {  	[tilespmem:s12+$0xB170] =	vst.add.f32.msk $0xffff, v0  }
0xb7: {  	v0 =	vld [tilespmem:s12+$0xA940]  }
0xb8: {  	v5 =	vld [tilespmem:s12+$0xA950]  }
0xb9: {  	v6 =	vld [tilespmem:s12+$0xA960]  }
0xba: {  	[tilespmem:s12+$0xB100] =	vst.add.f32.msk $0xffff, v1  }
0xbb: {  	[tilespmem:s12+$0xB110] =	vst.add.f32.msk $0xffff, v2  }
.Ltmp4:
0xbc: {  	[tilespmem:s12+$0xB120] =	vst.add.f32.msk $0xffff, v3;
	(pc) =	sbr.rel @p1 .LBB2_9-.Ltmp4, $4  }
0xbd: {  	[tilespmem:s12+$0xB130] =	vst.add.f32.msk $0xffff, v4  }
0xbe: {  	[tilespmem:s12+$0xB140] =	vst.add.f32.msk $0xffff, v0  }
0xbf: {  	[tilespmem:s12+$0xB150] =	vst.add.f32.msk $0xffff, v5  }
0xc0: {  	[tilespmem:s12+$0xB160] =	vst.add.f32.msk $0xffff, v6;
	s12 =	sshra.s32 s13, $0x2;
	s13 =	sadd.s32 $0x200, s13  }
0xc1: {  	v0 =	vld [tilespmem:s12+$0xA970]  }
0xc2: {  	v1 =	vld [tilespmem:s12+$0xA900]  }
0xc3: {  	v2 =	vld [tilespmem:s12+$0xA910]  }
0xc4: {  	v3 =	vld [tilespmem:s12+$0xA920]  }
0xc5: {  	v4 =	vld [tilespmem:s12+$0xA930]  }
0xc6: {  	v63 =	vld [tilespmem:s12+$0xA940]  }
0xc7: {  	v5 =	vld [tilespmem:s12+$0xA950]  }
0xc8: {  	v6 =	vld [tilespmem:s12+$0xA960]  }
0xc9: {  	[tilespmem:s12+$0xB170] =	vst.add.f32.msk $0xffff, v0  }
0xca: {  	[tilespmem:s12+$0xB100] =	vst.add.f32.msk $0xffff, v1  }
0xcb: {  	[tilespmem:s12+$0xB110] =	vst.add.f32.msk $0xffff, v2  }
0xcc: {  	[tilespmem:s12+$0xB120] =	vst.add.f32.msk $0xffff, v3  }
0xcd: {  	[tilespmem:s12+$0xB130] =	vst.add.f32.msk $0xffff, v4  }
0xce: {  	[tilespmem:s12+$0xB140] =	vst.add.f32.msk $0xffff, v63  }
0xcf: {  	[tilespmem:s12+$0xB150] =	vst.add.f32.msk $0xffff, v5  }
0xd0: {  	[tilespmem:s12+$0xB160] =	vst.add.f32.msk $0xffff, v6  }
0xd1: {  	[spmem:s3] =	stream.indirect.scatter.add.f32 [tilespmem:s9], [sflag:$0x3], $0x80, s0, s25, $0xb8;
	[tilespmem:$0x1F180] =	vst v63  }
0xd2: {  	_ =	swait.ge [sflag:s22], $0x800  }
0xd3: {  	[sflag:s22] =	ssyncset.done $0x0  }
0xd4: {  	[sflag:s22] =	ssyncadd.s32 $0xFFFFF800  }
0xd5: {  	[bflag:$0x0] =	sbarrier.arrive $0xFFFF  }
0xd6: {  	s12 =	simm.s32 @p0 $0x1FC3;
	s13 =	rddreg [dreg:$0xd]  }
0xd7: {  	[hbm:s13], [sflag:s12] =	dma.local @p0 [spmem:s20], $0x2080  }
0xd8: {  	s12 =	simm.s32 @p0 $0x3  }
0xd9: {  	_ =	swait.ge @p0 [sflag:s12], $0x2080  }
0xda: {  	s10 =	sadd.s32 $0x1, s10;
	[sflag:s12] =	ssyncset.done @p0 $0x0  }
0xdb: {  	p1 =	sne.s32 s10, s19;
	[sflag:s12] =	ssyncadd.s32 @p0 $0xFFFFDF80;
	s12 =	rddreg [dreg:$0xc]  }
0xdc: {  	[hbm:s12], [sflag:s21] =	dma.local @!p0 [spmem:s11], $0x2780  }
.Ltmp5:
0xdd: {  	_ = 	snop;
	(pc) =	sbr.rel @p1 .LBB2_1-.Ltmp5, $4  }
0xde: {  	s11 =	simm.s32 @!p0 $0x3  }
0xdf: {  	_ =	swait.ge @!p0 [sflag:s11], $0x2780  }
0xe0: {  	[sflag:s11] =	ssyncset.done @!p0 $0x0  }
0xe1: {  	[sflag:s11] =	ssyncadd.s32 @!p0 $0xFFFFD880  }
0xe2: {  	_ =	sfence.sel $0x180000  }
0xe3: {  	[bflag:$0x0] =	sbarrier.arrive $0xFFFF  }
0xe4: {  	_ =	strace $0x9000004A  }
0xe5: {  	s0 =	stileid.u32;
	[bflag:$0x2] =	sbarrier.arrive $0xFFFF  }
0xe6: {  	p0 =	sne.s32 s0, $0x0;
	s0 =	rddreg [dreg:$0x3]  }
0xe7: {  	s0 =	sadd.s32 @!p0 $0x100000, s0  }
0xe8: {  	[sflag:s0] =	ssyncadd.tile.s32 @!p0 $0x1;
	_ =	shalt  }
.Lfunc_end2:
_tile_overlayer_lowered:
.L_overlay_start_2:
0xe9: {  	(tag) =	ssettag $0x2  }
0xea: {  	s0 =	rddreg [dreg:$0x0];
	s2 =	stileid.u32  }
0xeb: {  	s1 =	rddreg [dreg:$0x1];
	p0 =	sne.s32 s2, $0x0  }
0xec: {  	s3 =	rddreg [dreg:$0x2];
	[bflag:$0x3] =	sbarrier.arrive $0xFFFF;
	s2 =	simm.s32 @!p0 $0x1C03  }
0xed: {  	[timem:s3], [sflag:s2] =	dma.local @!p0 [hbm:s0], s1  }
0xee: {  	s0 =	simm.s32 @!p0 $0x3  }
0xef: {  	_ =	swait.ge @!p0 [sflag:s0], s1  }
0xf0: {  	s1 =	ssub.s32 @!p0 $0x0, s1;
	[sflag:s0] =	ssyncset.done @!p0 $0x0  }
0xf1: {  	[sflag:s0] =	ssyncadd.s32 @!p0 s1  }
0xf2: {  	[bflag:$0x3] =	sbarrier.arrive $0xFFFF  }
0xf3: {  	_ =	shalt  }

// kernel: kernel.17.cloned.1.call-start
scs
__scs_entry_jumppad:
0x0: {  	(pc) =	sbr.rel $0x88, $3  }
0x1: {  	(tag) =	ssettag $0x0;
	lr =	simm.s32 $0x1  }
0x2: {  	[smem:$0x3F90] =	sst lr;
	_ =	strace $0xD0000000  }
0x3: {  	_ = 	snop  }
0x4: {  	_ = 	snop  }
0x5: {  	_ = 	snop  }
0x6: {  	_ = 	snop  }
0x7: {  	_ = 	snop  }
__scs_overlays_trampoline_lowered:
0x8: {  	[smem:$0x3F9F] =	sst s0  }
0x9: {  	[smem:$0x3FA0] =	sst s1  }
0xa: {  	[smem:$0x3FA1] =	sst s2  }
0xb: {  	[smem:$0x3FA2] =	sst s3  }
0xc: {  	[smem:$0x3FA3] =	sst s4  }
0xd: {  	[smem:$0x3FA4] =	sst s5  }
0xe: {  	[smem:$0x3FA5] =	sst s6  }
0xf: {  	[smem:$0x3FA6] =	sst s7  }
0x10: {  	[smem:$0x3FA7] =	sst s8  }
0x11: {  	[smem:$0x3FA8] =	sst s9;
	s0 =	simm.s32 @!p0 $0x0  }
0x12: {  	s1 =	sld [smem:$0x3F8E];
	s0 =	simm.s32 @p0 $0x1  }
0x13: {  	[smem:$0x3FA9] =	sst s0;
	s0 =	simm.s32 @!p1 $0x0  }
0x14: {  	s2 =	sld [smem:$0x3F8D];
	s0 =	simm.s32 @p1 $0x1  }
0x15: {  	[smem:$0x3FAA] =	sst s0;
	s0 =	simm.s32 @!p2 $0x0  }
0x16: {  	s3 =	sld [smem:$0x3FDB];
	s0 =	simm.s32 @p2 $0x1  }
0x17: {  	s4 =	simm.s32 $0x1BF5;
	[smem:$0x3FAC] =	sst s0  }
0x18: {  	s0 =	sld [smem:$0x3F8F];
	_ =	swait.ge [sflag:s4], $0x0  }
0x19: {  	s7 =	sld [smem:$0x3F90]  }
0x1a: {  	s8 =	sadd.s32 $0xFFFFE003, lr  }
0x1b: {  	s9 =	sadd.s32 $0xFFFFFEF7, lr;
	s5 =	simm.s32 $0xFFFFFFFF;
	p2 =	slt.u32 s8, $0xFFFFF086  }
0x1c: {  	p1 =	slt.u32 s9, $0xF7A;
	s5 =	simm.s32 @!p2 $0x0  }
0x1d: {  	s5 =	simm.s32 @p1 $0x1;
	p0 =	seq.s32 s7, s2  }
0x1e: {  	s7 =	smul.u32 @!p0 $0xF7A, s2;
	p2 =	seq.s32 @!p0 s5, $0x0  }
0x1f: {  	s9 =	smul.u32 $0xF7A, s1;
	s8 =	simm.s32 @!p0 $0x1BF5;
	p2 =	por !p2, p0  }
0x20: {  	[sflag:s8] =	ssyncset.s32 @!p0 $0xFFFFF086;
	s6 =	sadd.s32 @!p0 s3, s7;
	s7 =	simm.s32 @!p0 $0x108  }
0x21: {  	s3 =	sadd.s32 s3, s9;
	s6 =	sadd.s32 @!p0 $0x88, s6;
	s7 =	simm.s32 @p2 $0x1082  }
0x22: {  	[simem:s7], [sflag:s8] =	dma.local @!p0 [hbm:s6], $0xF7A  }
0x23: {  	s9 =	sor.u32 $0xD0000000, s2;
	s6 =	simm.s32 $0x108;
	_ =	swait.ge @!p0 [sflag:s8], $0x0  }
0x24: {  	s3 =	sadd.s32 $0x88, s3;
	s6 =	simm.s32 @!p1 $0x1082;
	[sflag:s4] =	ssyncset.s32 $0xFFFFF086  }
0x25: {  	[simem:s6], [sflag:s4] =	dma.local [hbm:s3], $0xF7A  }
0x26: {  	[smem:$0x3F90] =	sst s1;
	(tag) =	ssettag s2;
	_ =	strace s9  }
0x27: {  	s1 =	sld [smem:$0x3FA0]  }
0x28: {  	s2 =	sld [smem:$0x3FA1]  }
0x29: {  	s4 =	sld [smem:$0x3FA3]  }
0x2a: {  	p0 =	seq.s32 s5, $0x0;
	s5 =	sld [smem:$0x3FA4]  }
0x2b: {  	s6 =	sld [smem:$0x3FA5]  }
0x2c: {  	s7 =	sld [smem:$0x3FA6]  }
0x2d: {  	s3 =	simm.s32 $0x108;
	s8 =	sld [smem:$0x3FA7]  }
0x2e: {  	s3 =	simm.s32 @!p0 $0x1082;
	s9 =	sld [smem:$0x3FA8]  }
0x2f: {  	lr =	sadd.s32 s0, s3;
	s0 =	sld [smem:$0x3F9F]  }
0x30: {  	s3 =	sld [smem:$0x3FA2]  }
0x31: {  	[smem:$0x3FAB] =	sst s10  }
0x32: {  	s10 =	sld [smem:$0x3FA9];
	_ =	sdelay $0x3  }
0x33: {  	p0 =	seq.s32 s10, $0x1;
	s10 =	sld [smem:$0x3FAB];
	_ =	sdelay $0x3  }
0x34: {  	[smem:$0x3FAB] =	sst s10  }
0x35: {  	s10 =	sld [smem:$0x3FAA];
	_ =	sdelay $0x3  }
0x36: {  	p1 =	seq.s32 s10, $0x1;
	s10 =	sld [smem:$0x3FAB];
	_ =	sdelay $0x3  }
0x37: {  	[smem:$0x3FAB] =	sst s10  }
0x38: {  	s10 =	sld [smem:$0x3FAC]  }
0x39: {  	_ = 	snop;
	(pc) =	sbr.ind lr, $3  }
0x3a: {  	_ = 	snop  }
0x3b: {  	_ = 	snop  }
0x3c: {  	p2 =	seq.s32 s10, $0x1;
	s10 =	sld [smem:$0x3FAB]  }
0x3d: {  	_ =	shalt  }
0x3e: {  	_ =	shalt  }
0x3f: {  	_ =	shalt  }
0x40: {  	_ =	shalt  }
0x41: {  	_ =	shalt  }
0x42: {  	_ =	shalt  }
0x43: {  	_ =	shalt  }
0x44: {  	_ =	shalt  }
0x45: {  	_ =	shalt  }
0x46: {  	_ =	shalt  }
0x47: {  	_ =	shalt  }
0x48: {  	_ =	shalt  }
0x49: {  	_ =	shalt  }
0x4a: {  	_ =	shalt  }
0x4b: {  	_ =	shalt  }
0x4c: {  	_ =	shalt  }
0x4d: {  	_ =	shalt  }
0x4e: {  	_ =	shalt  }
0x4f: {  	_ =	shalt  }
0x50: {  	_ =	shalt  }
0x51: {  	_ =	shalt  }
0x52: {  	_ =	shalt  }
0x53: {  	_ =	shalt  }
0x54: {  	_ =	shalt  }
0x55: {  	_ =	shalt  }
0x56: {  	_ =	shalt  }
0x57: {  	_ =	shalt  }
0x58: {  	_ =	shalt  }
0x59: {  	_ =	shalt  }
0x5a: {  	_ =	shalt  }
0x5b: {  	_ =	shalt  }
0x5c: {  	_ =	shalt  }
0x5d: {  	_ =	shalt  }
0x5e: {  	_ =	shalt  }
0x5f: {  	_ =	shalt  }
0x60: {  	_ =	shalt  }
0x61: {  	_ =	shalt  }
0x62: {  	_ =	shalt  }
0x63: {  	_ =	shalt  }
0x64: {  	_ =	shalt  }
0x65: {  	_ =	shalt  }
0x66: {  	_ =	shalt  }
0x67: {  	_ =	shalt  }
0x68: {  	_ =	shalt  }
0x69: {  	_ =	shalt  }
0x6a: {  	_ =	shalt  }
0x6b: {  	_ =	shalt  }
0x6c: {  	_ =	shalt  }
0x6d: {  	_ =	shalt  }
0x6e: {  	_ =	shalt  }
0x6f: {  	_ =	shalt  }
0x70: {  	_ =	shalt  }
0x71: {  	_ =	shalt  }
0x72: {  	_ =	shalt  }
0x73: {  	_ =	shalt  }
0x74: {  	_ =	shalt  }
0x75: {  	_ =	shalt  }
0x76: {  	_ =	shalt  }
0x77: {  	_ =	shalt  }
0x78: {  	_ =	shalt  }
0x79: {  	_ =	shalt  }
0x7a: {  	_ =	shalt  }
0x7b: {  	_ =	shalt  }
0x7c: {  	_ =	shalt  }
0x7d: {  	_ =	shalt  }
0x7e: {  	_ =	shalt  }
0x7f: {  	_ =	shalt  }
0x80: {  	_ =	shalt  }
0x81: {  	_ =	shalt  }
0x82: {  	_ =	shalt  }
0x83: {  	_ =	shalt  }
0x84: {  	_ =	shalt  }
0x85: {  	_ =	shalt  }
0x86: {  	_ =	shalt  }
0x87: {  	_ =	shalt  }
.Lfunc_end0:
.L_simem_size_0:
called_computation.2_lowered:
.L_overlay_start_0:
0x88: {  	s2 =	sld [smem:$0x3FD9]  }
0x89: {  	s3 =	sld [smem:$0x3FFE];
	_ =	sdelay $0x1  }
0x8a: {  	s1 =	srdreg.scid  }
0x8b: {  	s0 =	sand.u32 $0x1, s1  }
0x8c: {  	s17 =	sshll.u32 s0, $0xA;
	s2 =	sadd.s32 s3, s2  }
0x8d: {  	s2 =	sadd.s32 s2, s17  }
0x8e: {  	[smem:$0x3FB7] =	sst s2  }
0x8f: {  	_ = 	snop  }
0x90: {  	s2 =	sld [smem:$0x3FD0];
	(tm) =	ssettm $0x1  }
0x91: {  	s18 =	sld [smem:$0x3FFB];
	_ =	sdelay $0x3  }
0x92: {  	_ =	strace s18  }
0x93: {  	s3 =	sld [smem:$0x3FFC];
	_ =	sdelay $0x3  }
0x94: {  	_ =	strace s3  }
0x95: {  	s3 =	sld [smem:$0x3FFD];
	_ =	sdelay $0x3  }
0x96: {  	_ =	strace s3  }
0x97: {  	_ =	strace $0x8FFFFFFF  }
0x98: {  	s19 =	sld [smem:$0x3FDB];
	_ =	sdelay $0x1  }
0x99: {  	s4 =	simm.s32 $_scs_section_size  }
0x9a: {  	s5 =	simm.s32 $_size__tile_overlayer_lowered;
	s6 =	simm.s32 $_tile_overlayer_lowered  }
0x9b: {  	s22 =	simm.s32 $0x1BFF;
	s21 =	sshll.u32 s6, $0x1;
	s3 =	sadd.s32 s4, s19  }
0x9c: {  	s7 =	simm.s32 $0x0;
	s20 =	sshll.u32 s5, $0x1;
	s5 =	sadd.s32 s21, s3  }
0x9d: {  	[timem:s7], [sflag:s22] =	dma.local [hbm:s5], s20  }
0x9e: {  	_ =	swait.ge [sflag:s22], s20  }
0x9f: {  	s4 =	ssub.s32 $0x0, s20;
	[sflag:s22] =	ssyncset.done $0x0  }
0xa0: {  	[sflag:s22] =	ssyncadd.s32 s4;
	_ =	sdelay $0x1  }
0xa1: {  	s23 =	simm.s32 $0x1B8B  }
0xa2: {  	_ =	swait.ge [sflag:s23], $0x1  }
0xa3: {  	[sflag:s23] =	ssyncset.done $0x0  }
0xa4: {  	s25 =	simm.s32 $0x1B8E;
	s24 =	sld [smem:$0x3FFE];
	[sflag:s23] =	ssyncadd.s32 $0xFFFFFFFF  }
0xa5: {  	s26 =	simm.s32 $execute0_lowered;
	[smem:$0x3FD2] =	sst s25  }
0xa6: {  	s5 =	sshll.u32 s26, $0x1;
	_ =	strace $0x8000004C;
	[dreg:$0x1] =	wrdreg $0xFFFFFFFF  }
0xa7: {  	s28 =	simm.s32 $_size_execute0_lowered;
	s3 =	sadd.s32 s3, s5;
	[dreg:$0x0] =	wrdreg $0x0  }
0xa8: {  	s5 =	sshll.u32 s28, $0x1;
	[dreg:$0x2] =	wrdreg s3  }
0xa9: {  	[dreg:$0x3] =	wrdreg s5  }
0xaa: {  	[dreg:$0x4] =	wrdreg $0xC0  }
0xab: {  	_ =	task [dreg:s7], $0x5FFFF  }
0xac: {  	[dreg:$0x1] =	wrdreg $0xFFFFFFFF  }
0xad: {  	[dreg:$0x0] =	wrdreg $0x60  }
0xae: {  	[dreg:$0x2] =	wrdreg s2  }
0xaf: {  	[dreg:$0x3] =	wrdreg s24  }
0xb0: {  	[dreg:$0x4] =	wrdreg $0xB9000  }
0xb1: {  	[dreg:$0x5] =	wrdreg $0x9  }
0xb2: {  	_ =	task.clear_ibuf [dreg:s7], $0x6FFFF;
	_ =	strace $0x9000004C  }
0xb3: {  	s29 =	simm.s32 $0x9;
	_ =	strace $0x8000004E  }
0xb4: {  	_ =	swait.ge [sflag:s29], $0x1  }
0xb5: {  	[sflag:s29] =	ssyncadd.s32 $0xFFFFFFFF  }
0xb6: {  	_ =	strace $0x9000004E  }
0xb7: {  	_ =	sfence  }
0xb8: {  	s30 =	sld [smem:$0x0];
	_ =	sdelay $0x2  }
0xb9: {  	s31 =	sshll.u32 s1, $0xD;
	s1 =	sshrl.u32 s1, $0x2  }
0xba: {  	s3 =	sand.u32 $0x4000, s31;
	s1 =	sadd.s32 s1, s30  }
0xbb: {  	s0 =	sor.u32 s3, s0;
	s1 =	sshll.u32 s1, $0x11  }
0xbc: {  	s0 =	sor.u32 s1, s0  }
0xbd: {  	s0 =	sadd.s32 $0x8F2B, s0  }
0xbe: {  	[sflag:s0] =	ssyncadd.remote.s32 $0x1  }
0xbf: {  	_ =	sfence.sel $0xFFFF  }
0xc0: {  	[dreg:$0x0] =	wrdreg $0xFFFFFFFF;
	(pc) =	sbr.abs _section_cstart, $3  }
0xc1: {  	[dreg:$0x1] =	wrdreg $0xFFFFFFFF  }
0xc2: {  	_ =	task.clear_ibuf [dreg:s7], $0x2FFFF;
	_ =	strace $0x9FFFFFFF  }
0xc3: {  	(tm) =	ssettm $0x7FFFFFFF  }
tec
execute0_lowered:
.L_overlay_start_1:
0x0: {  	(tag) =	ssettag $0x1  }
0x1: {  	s1 =	rddreg [dreg:$0x0]  }
0x2: {  	s0 =	srdreg.scid;
	s2 =	rddreg [dreg:$0x1]  }
0x3: {  	s16 =	stileid.u32;
	s3 =	rddreg [dreg:$0x2];
	s28 =	simm.s32 $0x2800  }
0x4: {  	s29 =	simm.s32 $0x4880;
	s30 =	simm.s32 $0x8880;
	s31 =	simm.s32 $0x1  }
0x5: {  	s0 =	sand.u32 $0x1, s0;
	s4 =	sshll.u32 s16, $0x1;
	s13 =	smul.u32 $0x4F000, s16  }
0x6: {  	s6 =	sadd.s32 $0xA2CA00, s2;
	s7 =	sadd.s32 $0xE200, s2;
	s24 =	smul.u32 $0x2780, s16  }
0x7: {  	s8 =	sadd.s32 $0x9DC000, s2;
	s9 =	sor.u32 s0, s4;
	s22 =	smul.u32 $0x27100, s0  }
0x8: {  	s4 =	simm.s32 $0x0;
	s12 =	ssub.s32 $0x2, s0;
	s0 =	smul.u32 $0x138800, s0  }
0x9: {  	p0 =	seq.s32 s16, $0xF;
	s5 =	smul.u32 $0x2710, s9;
	[smem:$0x7FF] =	sst s4  }
0xa: {  	s14 =	sshrl.u32 s12, $0x1;
	s13 =	sshrl.u32 s13, $0x2;
	s9 =	smul.u32 $0x27100, s9  }
0xb: {  	_ =	strace $0x8000004D;
	s12 =	ssub.s32 s12, s14;
	s13 =	sadd.s32 s13, s3  }
0xc: {  	s26 =	sadd.s32 s24, s22;
	s0 =	sshrl.u32 s0, $0x3;
	s22 =	simm.s32 $0x3  }
0xd: {  	s24 =	simm.s32 $0x40;
	s10 =	sshrl.u32 s5, $0x3;
	[dreg:$0x4] =	wrdreg s13  }
0xe: {  	s13 =	sadd.s32 $0x128400, s3;
	s20 =	sadd.s32 $0x40, s5;
	s9 =	sadd.s32 s6, s9  }
0xf: {  	s23 =	sadd.s32 $0x2700, s5;
	s19 =	smax.u32 s12, $0x1;
	s11 =	sadd.s32 s10, s2  }
0x10: {  	s2 =	sadd.s32 $0x9DE800, s2;
	s10 =	sadd.s32 s7, s10;
	[dreg:$0x7] =	wrdreg s9  }
0x11: {  	s21 =	sshrl.u32 s20, $0x3;
	s15 =	sshrl.u32 s23, $0x3;
	s11 =	sadd.s32 $0x4400, s11  }
0x12: {  	[dreg:$0x6] =	wrdreg s10;
	s9 =	sadd.s32 s7, s21;
	s10 =	sshll.u32 s20, $0x4  }
0x13: {  	s25 =	sadd.s32 s7, s15;
	s0 =	sadd.s32 s2, s0;
	[dreg:$0x5] =	wrdreg s11  }
0x14: {  	s20 =	sshrl.u32 @p0 s13, $0x3;
	[dreg:$0x8] =	wrdreg s9;
	s10 =	sadd.s32 s6, s10  }
0x15: {  	[dreg:$0xa] =	wrdreg s25;
	s9 =	sshll.u32 s23, $0x4;
	s0 =	sadd.s32 $0x25080, s0  }
0x16: {  	s23 =	simm.s32 $0x2780;
	s25 =	simm.s32 $0x10;
	[dreg:$0x9] =	wrdreg s10  }
0x17: {  	s9 =	sadd.s32 s6, s9;
	[dreg:$0xd] =	wrdreg s0;
	s0 =	sshll.u32 @!p0 s16, $0x6  }
0x18: {  	s10 =	simm.s32 $0x0;
	[dreg:$0xb] =	wrdreg s9;
	s9 =	sadd.s32 s2, s26  }
0x19: {  	s21 =	sor.u32 @!p0 $0x1C03, s0;
	s26 =	simm.s32 $0x6880;
	s2 =	simm.s32 $0x2  }
0x1a: {  	s0 =	simm.s32 $0xA880;
	[dreg:$0xc] =	wrdreg s9;
	s9 =	simm.s32 $0xB100  }
.LBB2_1:
0x1b: {  	s11 =	simm.s32 @p0 $0x1FC3  }
0x1c: {  	[spmem:s20], [sflag:s11] =	dma.local @p0 [hbm:s8], $0x2080  }
0x1d: {  	s11 =	simm.s32 @p0 $0x3  }
0x1e: {  	_ =	swait.ge @p0 [sflag:s11], $0x2080  }
0x1f: {  	[sflag:s11] =	ssyncset.done @p0 $0x0  }
0x20: {  	[sflag:s11] =	ssyncadd.s32 @p0 $0xFFFFDF80;
	s11 =	rddreg [dreg:$0x4]  }
0x21: {  	s12 =	simm.s32 @!p0 $0x3;
	s11 =	sshrl.u32 @!p0 s11, $0x3  }
0x22: {  	[spmem:s11], [sflag:s21] =	dma.local @!p0 [hbm:s8], $0x2780  }
0x23: {  	_ =	swait.ge @!p0 [sflag:s12], $0x2780  }
0x24: {  	[sflag:s12] =	ssyncset.done @!p0 $0x0  }
0x25: {  	s13 =	rddreg [dreg:$0x5];
	[sflag:s12] =	ssyncadd.s32 @!p0 $0xFFFFD880  }
0x26: {  	[tilespmem:s4], [sflag:$0x3] =	stream.linear.gather [hbm4b:s13+s4], $0x2710, $0x38;
	[tilespmem:$0x1F180] =	vst v63  }
0x27: {  	_ =	swait.ge [sflag:s22], $0x2710  }
0x28: {  	[sflag:s22] =	ssyncset.done $0x0  }
0x29: {  	[sflag:s22] =	ssyncadd.s32 $0xFFFFD8F0  }
0x2a: {  	[bflag:$0x0] =	sbarrier.arrive $0xFFFF  }
0x2b: {  	s14 =	rddreg [dreg:$0x6]  }
0x2c: {  	[tilespmem:s23], [sflag:$0x1] =	stream.linear.gather [hbm4b:s14+s4], $0x40, $0x38;
	[tilespmem:$0x1F180] =	vst v63  }
0x2d: {  	s15 =	simm.s32 $0x2880  }
0x2e: {  	[tilespmem:s15], [sflag:$0x1] =	stream.indirect.gather [hbm4b:s1+s24], $0x80, s4, s24, $0xb8;
	[tilespmem:$0x1F180] =	vst v63  }
0x2f: {  	s16 =	rddreg [dreg:$0x7]  }
0x30: {  	[tilespmem:s26], [sflag:$0x1] =	stream.linear.gather [hbm4b:s16+s4], $0x2000, $0x38;
	[tilespmem:$0x1F180] =	vst v63  }
0x31: {  	s17 =	rddreg [dreg:$0x8]  }
0x32: {  	[tilespmem:s28], [sflag:$0x2] =	stream.linear.gather [hbm4b:s17+s4], $0x40, $0x38;
	[tilespmem:$0x1F180] =	vst v63  }
0x33: {  	_ = 	snop  }
0x34: {  	[tilespmem:s29], [sflag:$0x2] =	stream.indirect.gather [hbm4b:s1+s24], $0x80, s24, s24, $0xb8;
	[tilespmem:$0x1F180] =	vst v63  }
0x35: {  	s12 =	simm.s32 $0x0;
	s18 =	rddreg [dreg:$0x9]  }
0x36: {  	[tilespmem:s30], [sflag:$0x2] =	stream.linear.gather [hbm4b:s18+s4], $0x2000, $0x38;
	[tilespmem:$0x1F180] =	vst v63  }
.LBB2_2:
0x37: {  	_ =	swait.ge [sflag:s31], $0x40  }
0x38: {  	[sflag:s31] =	ssyncset.done $0x0  }
0x39: {  	[sflag:s31] =	ssyncadd.s32 $0xFFFFFFC0  }
0x3a: {  	_ =	swait.ge [sflag:s31], $0x2000  }
0x3b: {  	[sflag:s31] =	ssyncset.done $0x0  }
0x3c: {  	[sflag:s31] =	ssyncadd.s32 $0xFFFFE000  }
0x3d: {  	_ =	swait.ge [sflag:s31], $0x2000  }
0x3e: {  	[sflag:s31] =	ssyncset.done $0x0  }
0x3f: {  	s13 =	simm.s32 $0x0;
	s14 =	simm.s32 $0x200;
	[sflag:s31] =	ssyncadd.s32 $0xFFFFE000  }
.LBB2_3:
0x40: {  	p1 =	sne.s32 s14, $0x7E00;
	v0 =	vld [tilespmem:s13+$0x28F0]  }
0x41: {  	v1 =	vld [tilespmem:s13+$0x2880]  }
0x42: {  	v2 =	vld [tilespmem:s13+$0x2890]  }
0x43: {  	v3 =	vld [tilespmem:s13+$0x28A0]  }
0x44: {  	v4 =	vld [tilespmem:s13+$0x28B0]  }
0x45: {  	[tilespmem:s13+$0x68F0] =	vst.add.f32.msk $0xffff, v0  }
0x46: {  	v0 =	vld [tilespmem:s13+$0x28C0]  }
0x47: {  	v5 =	vld [tilespmem:s13+$0x28D0]  }
0x48: {  	v6 =	vld [tilespmem:s13+$0x28E0]  }
0x49: {  	[tilespmem:s13+$0x6880] =	vst.add.f32.msk $0xffff, v1  }
0x4a: {  	[tilespmem:s13+$0x6890] =	vst.add.f32.msk $0xffff, v2  }
.Ltmp0:
0x4b: {  	[tilespmem:s13+$0x68A0] =	vst.add.f32.msk $0xffff, v3;
	(pc) =	sbr.rel @p1 .LBB2_3-.Ltmp0, $4  }
0x4c: {  	[tilespmem:s13+$0x68B0] =	vst.add.f32.msk $0xffff, v4  }
0x4d: {  	[tilespmem:s13+$0x68C0] =	vst.add.f32.msk $0xffff, v0  }
0x4e: {  	[tilespmem:s13+$0x68D0] =	vst.add.f32.msk $0xffff, v5  }
0x4f: {  	[tilespmem:s13+$0x68E0] =	vst.add.f32.msk $0xffff, v6;
	s13 =	sshra.s32 s14, $0x2;
	s14 =	sadd.s32 $0x200, s14  }
0x50: {  	v0 =	vld [tilespmem:s13+$0x28F0]  }
0x51: {  	v1 =	vld [tilespmem:s13+$0x2880]  }
0x52: {  	v2 =	vld [tilespmem:s13+$0x2890]  }
0x53: {  	v3 =	vld [tilespmem:s13+$0x28A0]  }
0x54: {  	v4 =	vld [tilespmem:s13+$0x28B0]  }
0x55: {  	v63 =	vld [tilespmem:s13+$0x28C0]  }
0x56: {  	v5 =	vld [tilespmem:s13+$0x28D0]  }
0x57: {  	v6 =	vld [tilespmem:s13+$0x28E0]  }
0x58: {  	[tilespmem:s13+$0x68F0] =	vst.add.f32.msk $0xffff, v0  }
0x59: {  	[tilespmem:s13+$0x6880] =	vst.add.f32.msk $0xffff, v1  }
0x5a: {  	[tilespmem:s13+$0x6890] =	vst.add.f32.msk $0xffff, v2  }
0x5b: {  	[tilespmem:s13+$0x68A0] =	vst.add.f32.msk $0xffff, v3  }
0x5c: {  	[tilespmem:s13+$0x68B0] =	vst.add.f32.msk $0xffff, v4  }
0x5d: {  	[tilespmem:s13+$0x68C0] =	vst.add.f32.msk $0xffff, v63  }
0x5e: {  	[tilespmem:s13+$0x68D0] =	vst.add.f32.msk $0xffff, v5  }
0x5f: {  	p1 =	seq.s32 s12, $0x4D;
	[tilespmem:s13+$0x68E0] =	vst.add.f32.msk $0xffff, v6;
	s13 =	sshll.u32 s12, $0x7  }
0x60: {  	[spmem:s3] =	stream.indirect.scatter.add.f32 [tilespmem:s26], [sflag:$0x3], $0x80, s23, s24, $0xb8;
	[tilespmem:$0x1F180] =	vst v63  }
0x61: {  	s14 =	sadd.s32 @!p1 $0x80, s13  }
0x62: {  	_ =	swait.ge [sflag:s22], $0x2000;
	s15 =	sadd.s32 @!p1 s5, s14  }
0x63: {  	s17 =	simm.s32 @!p1 $0x0;
	[sflag:s22] =	ssyncset.done $0x0;
	s16 =	sshrl.u32 @!p1 s15, $0x3  }
0x64: {  	s18 =	simm.s32 @!p1 $0x2780;
	[sflag:s22] =	ssyncadd.s32 $0xFFFFE000;
	s16 =	sadd.s32 @!p1 s7, s16  }
0x65: {  	[tilespmem:s18], [sflag:$0x1] =	stream.linear.gather @!p1 [hbm4b:s16+s17], $0x40, $0x38;
	[tilespmem:$0x1F180] =	vst v63  }
0x66: {  	s16 =	simm.s32 @!p1 $0x40;
	s18 =	simm.s32 @!p1 $0x2880  }
0x67: {  	[tilespmem:s18], [sflag:$0x1] =	stream.indirect.gather @!p1 [hbm4b:s1+s16], $0x80, s14, s16, $0xb8;
	[tilespmem:$0x1F180] =	vst v63  }
0x68: {  	s14 =	sshll.u32 @!p1 s15, $0x4  }
0x69: {  	s15 =	simm.s32 @!p1 $0x6880;
	s14 =	sadd.s32 @!p1 s6, s14  }
0x6a: {  	[tilespmem:s15], [sflag:$0x1] =	stream.linear.gather @!p1 [hbm4b:s14+s17], $0x2000, $0x38;
	[tilespmem:$0x1F180] =	vst v63  }
0x6b: {  	_ =	swait.ge [sflag:s2], $0x40  }
0x6c: {  	[sflag:s2] =	ssyncset.done $0x0  }
0x6d: {  	[sflag:s2] =	ssyncadd.s32 $0xFFFFFFC0  }
0x6e: {  	_ =	swait.ge [sflag:s2], $0x2000  }
0x6f: {  	[sflag:s2] =	ssyncset.done $0x0  }
0x70: {  	[sflag:s2] =	ssyncadd.s32 $0xFFFFE000  }
0x71: {  	_ =	swait.ge [sflag:s2], $0x2000  }
0x72: {  	[sflag:s2] =	ssyncset.done $0x0  }
0x73: {  	s14 =	simm.s32 $0x0;
	s15 =	simm.s32 $0x200;
	[sflag:s2] =	ssyncadd.s32 $0xFFFFE000  }
.LBB2_5:
0x74: {  	p2 =	sne.s32 s15, $0x7E00;
	v0 =	vld [tilespmem:s14+$0x48F0]  }
0x75: {  	v1 =	vld [tilespmem:s14+$0x4880]  }
0x76: {  	v2 =	vld [tilespmem:s14+$0x4890]  }
0x77: {  	v3 =	vld [tilespmem:s14+$0x48A0]  }
0x78: {  	v4 =	vld [tilespmem:s14+$0x48B0]  }
0x79: {  	[tilespmem:s14+$0x88F0] =	vst.add.f32.msk $0xffff, v0  }
0x7a: {  	v0 =	vld [tilespmem:s14+$0x48C0]  }
0x7b: {  	v5 =	vld [tilespmem:s14+$0x48D0]  }
0x7c: {  	v6 =	vld [tilespmem:s14+$0x48E0]  }
0x7d: {  	[tilespmem:s14+$0x8880] =	vst.add.f32.msk $0xffff, v1  }
0x7e: {  	[tilespmem:s14+$0x8890] =	vst.add.f32.msk $0xffff, v2  }
.Ltmp1:
0x7f: {  	[tilespmem:s14+$0x88A0] =	vst.add.f32.msk $0xffff, v3;
	(pc) =	sbr.rel @p2 .LBB2_5-.Ltmp1, $4  }
0x80: {  	[tilespmem:s14+$0x88B0] =	vst.add.f32.msk $0xffff, v4  }
0x81: {  	[tilespmem:s14+$0x88C0] =	vst.add.f32.msk $0xffff, v0  }
0x82: {  	[tilespmem:s14+$0x88D0] =	vst.add.f32.msk $0xffff, v5  }
0x83: {  	[tilespmem:s14+$0x88E0] =	vst.add.f32.msk $0xffff, v6;
	s14 =	sshra.s32 s15, $0x2;
	s15 =	sadd.s32 $0x200, s15  }
0x84: {  	v0 =	vld [tilespmem:s14+$0x48F0]  }
0x85: {  	v1 =	vld [tilespmem:s14+$0x4880]  }
0x86: {  	v2 =	vld [tilespmem:s14+$0x4890]  }
0x87: {  	v3 =	vld [tilespmem:s14+$0x48A0]  }
0x88: {  	v4 =	vld [tilespmem:s14+$0x48B0]  }
0x89: {  	v63 =	vld [tilespmem:s14+$0x48C0]  }
0x8a: {  	v5 =	vld [tilespmem:s14+$0x48D0]  }
0x8b: {  	v6 =	vld [tilespmem:s14+$0x48E0]  }
0x8c: {  	[tilespmem:s14+$0x88F0] =	vst.add.f32.msk $0xffff, v0  }
0x8d: {  	[tilespmem:s14+$0x8880] =	vst.add.f32.msk $0xffff, v1  }
0x8e: {  	[tilespmem:s14+$0x8890] =	vst.add.f32.msk $0xffff, v2  }
0x8f: {  	[tilespmem:s14+$0x88A0] =	vst.add.f32.msk $0xffff, v3  }
0x90: {  	[tilespmem:s14+$0x88B0] =	vst.add.f32.msk $0xffff, v4  }
0x91: {  	[tilespmem:s14+$0x88C0] =	vst.add.f32.msk $0xffff, v63  }
0x92: {  	[tilespmem:s14+$0x88D0] =	vst.add.f32.msk $0xffff, v5  }
.Ltmp2:
0x93: {  	[tilespmem:s14+$0x88E0] =	vst.add.f32.msk $0xffff, v6;
	(pc) =	sbr.rel @p1 .LBB2_8-.Ltmp2, $4  }
0x94: {  	[spmem:s3] =	stream.indirect.scatter.add.f32 [tilespmem:s30], [sflag:$0x3], $0x80, s28, s24, $0xb8;
	[tilespmem:$0x1F180] =	vst v63  }
0x95: {  	_ =	swait.ge [sflag:s22], $0x2000  }
0x96: {  	[sflag:s22] =	ssyncset.done $0x0  }
0x97: {  	[sflag:s22] =	ssyncadd.s32 $0xFFFFE000  }
0x98: {  	s13 =	sadd.s32 $0xC0, s13  }
0x99: {  	s14 =	sadd.s32 s5, s13  }
0x9a: {  	s15 =	sshrl.u32 s14, $0x3  }
0x9b: {  	s15 =	sadd.s32 s7, s15  }
0x9c: {  	[tilespmem:s28], [sflag:$0x2] =	stream.linear.gather [hbm4b:s15+s4], $0x40, $0x38;
	[tilespmem:$0x1F180] =	vst v63  }
.Ltmp3:
0x9d: {  	_ = 	snop;
	(pc) =	sbr.rel .LBB2_2-.Ltmp3, $4  }
0x9e: {  	s18 =	sshll.u32 s14, $0x4  }
0x9f: {  	[tilespmem:s29], [sflag:$0x2] =	stream.indirect.gather [hbm4b:s1+s24], $0x80, s13, s24, $0xb8;
	[tilespmem:$0x1F180] =	vst v63  }
0xa0: {  	s12 =	sadd.s32 $0x1, s12;
	s13 =	sadd.s32 s6, s18  }
0xa1: {  	[tilespmem:s30], [sflag:$0x2] =	stream.linear.gather [hbm4b:s13+s4], $0x2000, $0x38;
	[tilespmem:$0x1F180] =	vst v63  }
.LBB2_8:
0xa2: {  	s12 =	simm.s32 $0x0;
	s13 =	rddreg [dreg:$0xa]  }
0xa3: {  	[tilespmem:s0], [sflag:$0x1] =	stream.linear.gather [hbm4b:s13+s12], $0x10, $0x38;
	[tilespmem:$0x1F180] =	vst v63  }
0xa4: {  	s17 =	simm.s32 $0x2700;
	s14 =	simm.s32 $0xA900  }
0xa5: {  	[tilespmem:s14], [sflag:$0x1] =	stream.indirect.gather [hbm4b:s1+s25], $0x80, s17, s25, $0xb8;
	[tilespmem:$0x1F180] =	vst v63  }
0xa6: {  	s18 =	rddreg [dreg:$0xb]  }
0xa7: {  	[tilespmem:s9], [sflag:$0x1] =	stream.linear.gather [hbm4b:s18+s12], $0x800, $0x38;
	[tilespmem:$0x1F180] =	vst v63  }
0xa8: {  	_ =	swait.ge [sflag:s31], $0x10  }
0xa9: {  	[sflag:s31] =	ssyncset.done $0x0  }
0xaa: {  	[sflag:s31] =	ssyncadd.s32 $0xFFFFFFF0  }
0xab: {  	_ =	swait.ge [sflag:s31], $0x800  }
0xac: {  	[sflag:s31] =	ssyncset.done $0x0  }
0xad: {  	[sflag:s31] =	ssyncadd.s32 $0xFFFFF800  }
0xae: {  	_ =	swait.ge [sflag:s31], $0x800  }
0xaf: {  	[sflag:s31] =	ssyncset.done $0x0  }
0xb0: {  	s13 =	simm.s32 $0x200;
	s12 =	simm.s32 $0x0;
	[sflag:s31] =	ssyncadd.s32 $0xFFFFF800  }
.LBB2_9:
0xb1: {  	p1 =	sne.s32 s13, $0x1E00;
	v0 =	vld [tilespmem:s12+$0xA970]  }
0xb2: {  	v1 =	vld [tilespmem:s12+$0xA900]  }
0xb3: {  	v2 =	vld [tilespmem:s12+$0xA910]  }
0xb4: {  	v3 =	vld [tilespmem:s12+$0xA920]  }
0xb5: {  	v4 =	vld [tilespmem:s12+$0xA930]  }
0xb6: {  	[tilespmem:s12+$0xB170] =	vst.add.f32.msk $0xffff, v0  }
0xb7: {  	v0 =	vld [tilespmem:s12+$0xA940]  }
0xb8: {  	v5 =	vld [tilespmem:s12+$0xA950]  }
0xb9: {  	v6 =	vld [tilespmem:s12+$0xA960]  }
0xba: {  	[tilespmem:s12+$0xB100] =	vst.add.f32.msk $0xffff, v1  }
0xbb: {  	[tilespmem:s12+$0xB110] =	vst.add.f32.msk $0xffff, v2  }
.Ltmp4:
0xbc: {  	[tilespmem:s12+$0xB120] =	vst.add.f32.msk $0xffff, v3;
	(pc) =	sbr.rel @p1 .LBB2_9-.Ltmp4, $4  }
0xbd: {  	[tilespmem:s12+$0xB130] =	vst.add.f32.msk $0xffff, v4  }
0xbe: {  	[tilespmem:s12+$0xB140] =	vst.add.f32.msk $0xffff, v0  }
0xbf: {  	[tilespmem:s12+$0xB150] =	vst.add.f32.msk $0xffff, v5  }
0xc0: {  	[tilespmem:s12+$0xB160] =	vst.add.f32.msk $0xffff, v6;
	s12 =	sshra.s32 s13, $0x2;
	s13 =	sadd.s32 $0x200, s13  }
0xc1: {  	v0 =	vld [tilespmem:s12+$0xA970]  }
0xc2: {  	v1 =	vld [tilespmem:s12+$0xA900]  }
0xc3: {  	v2 =	vld [tilespmem:s12+$0xA910]  }
0xc4: {  	v3 =	vld [tilespmem:s12+$0xA920]  }
0xc5: {  	v4 =	vld [tilespmem:s12+$0xA930]  }
0xc6: {  	v63 =	vld [tilespmem:s12+$0xA940]  }
0xc7: {  	v5 =	vld [tilespmem:s12+$0xA950]  }
0xc8: {  	v6 =	vld [tilespmem:s12+$0xA960]  }
0xc9: {  	[tilespmem:s12+$0xB170] =	vst.add.f32.msk $0xffff, v0  }
0xca: {  	[tilespmem:s12+$0xB100] =	vst.add.f32.msk $0xffff, v1  }
0xcb: {  	[tilespmem:s12+$0xB110] =	vst.add.f32.msk $0xffff, v2  }
0xcc: {  	[tilespmem:s12+$0xB120] =	vst.add.f32.msk $0xffff, v3  }
0xcd: {  	[tilespmem:s12+$0xB130] =	vst.add.f32.msk $0xffff, v4  }
0xce: {  	[tilespmem:s12+$0xB140] =	vst.add.f32.msk $0xffff, v63  }
0xcf: {  	[tilespmem:s12+$0xB150] =	vst.add.f32.msk $0xffff, v5  }
0xd0: {  	[tilespmem:s12+$0xB160] =	vst.add.f32.msk $0xffff, v6  }
0xd1: {  	[spmem:s3] =	stream.indirect.scatter.add.f32 [tilespmem:s9], [sflag:$0x3], $0x80, s0, s25, $0xb8;
	[tilespmem:$0x1F180] =	vst v63  }
0xd2: {  	_ =	swait.ge [sflag:s22], $0x800  }
0xd3: {  	[sflag:s22] =	ssyncset.done $0x0  }
0xd4: {  	[sflag:s22] =	ssyncadd.s32 $0xFFFFF800  }
0xd5: {  	[bflag:$0x0] =	sbarrier.arrive $0xFFFF  }
0xd6: {  	s12 =	simm.s32 @p0 $0x1FC3;
	s13 =	rddreg [dreg:$0xd]  }
0xd7: {  	[hbm:s13], [sflag:s12] =	dma.local @p0 [spmem:s20], $0x2080  }
0xd8: {  	s12 =	simm.s32 @p0 $0x3  }
0xd9: {  	_ =	swait.ge @p0 [sflag:s12], $0x2080  }
0xda: {  	s10 =	sadd.s32 $0x1, s10;
	[sflag:s12] =	ssyncset.done @p0 $0x0  }
0xdb: {  	p1 =	sne.s32 s10, s19;
	[sflag:s12] =	ssyncadd.s32 @p0 $0xFFFFDF80;
	s12 =	rddreg [dreg:$0xc]  }
0xdc: {  	[hbm:s12], [sflag:s21] =	dma.local @!p0 [spmem:s11], $0x2780  }
.Ltmp5:
0xdd: {  	_ = 	snop;
	(pc) =	sbr.rel @p1 .LBB2_1-.Ltmp5, $4  }
0xde: {  	s11 =	simm.s32 @!p0 $0x3  }
0xdf: {  	_ =	swait.ge @!p0 [sflag:s11], $0x2780  }
0xe0: {  	[sflag:s11] =	ssyncset.done @!p0 $0x0  }
0xe1: {  	[sflag:s11] =	ssyncadd.s32 @!p0 $0xFFFFD880  }
0xe2: {  	_ =	sfence.sel $0x180000  }
0xe3: {  	[bflag:$0x0] =	sbarrier.arrive $0xFFFF  }
0xe4: {  	_ =	strace $0x9000004D  }
0xe5: {  	s0 =	stileid.u32;
	[bflag:$0x2] =	sbarrier.arrive $0xFFFF  }
0xe6: {  	p0 =	sne.s32 s0, $0x0;
	s0 =	rddreg [dreg:$0x3]  }
0xe7: {  	s0 =	sadd.s32 @!p0 $0x100000, s0  }
0xe8: {  	[sflag:s0] =	ssyncadd.tile.s32 @!p0 $0x1;
	_ =	shalt  }
.Lfunc_end2:
_tile_overlayer_lowered:
.L_overlay_start_2:
0xe9: {  	(tag) =	ssettag $0x2  }
0xea: {  	s0 =	rddreg [dreg:$0x0];
	s2 =	stileid.u32  }
0xeb: {  	s1 =	rddreg [dreg:$0x1];
	p0 =	sne.s32 s2, $0x0  }
0xec: {  	s3 =	rddreg [dreg:$0x2];
	[bflag:$0x3] =	sbarrier.arrive $0xFFFF;
	s2 =	simm.s32 @!p0 $0x1C03  }
0xed: {  	[timem:s3], [sflag:s2] =	dma.local @!p0 [hbm:s0], s1  }
0xee: {  	s0 =	simm.s32 @!p0 $0x3  }
0xef: {  	_ =	swait.ge @!p0 [sflag:s0], s1  }
0xf0: {  	s1 =	ssub.s32 @!p0 $0x0, s1;
	[sflag:s0] =	ssyncset.done @!p0 $0x0  }
0xf1: {  	[sflag:s0] =	ssyncadd.s32 @!p0 s1  }
0xf2: {  	[bflag:$0x3] =	sbarrier.arrive $0xFFFF  }
0xf3: {  	_ =	shalt  }

</sc_bundles>
